<compile_context>
chip_gen: v7x
topology: tpu7x:2x2x1
jax: 0.10.2.dev20260603
libtpu: 0.0.44.dev20260713+nightly
codegen_flags: <defaults>
</compile_context>

<pallas_src>
import jax
import jax.numpy as jnp
from jax import lax
from jax.experimental import pallas as pl
from jax.experimental import layout as jex_layout
from jax.experimental.pallas import tpu as pltpu
from jax.experimental.pallas import tpu_sc as plsc

VOCAB = 1000000
MAXLEN = 200
EMBED_DIM = 64
BATCH = 4096
SEQ = 200

NUM_WORKERS = 32
BSTRIPE = BATCH // NUM_WORKERS
NBUF = 4
OUTER = SEQ // NBUF
TPITCH = BSTRIPE + 1


def _tec_body(xt_hbm, tok_hbm, pos_hbm, out_hbm, idx_v, pos_v, g_bufs,
              t_bufs, g_sems, o_sems):
    wid = lax.axis_index("s") * 2 + lax.axis_index("c")
    b0 = wid * BSTRIPE

    pltpu.sync_copy(xt_hbm.at[:, pl.ds(b0, BSTRIPE)], idx_v)
    pltpu.sync_copy(pos_hbm, pos_v)

    @plsc.parallel_loop(0, SEQ, unroll=4)
    def _dbl(s):
        for c in range(BSTRIPE // 16):
            sl = pl.ds(c * 16, 16)
            idx_v[s, sl] = idx_v[s, sl] + idx_v[s, sl]

    lanes = lax.iota(jnp.int32, 16)
    dt_c = [(jnp.int32(c * 16) + lanes) >> 3 for c in range(EMBED_DIM // 16)]
    di_c = [(jnp.int32(c * 16) + lanes) & 7 for c in range(EMBED_DIM // 16)]

    def gather_start(s, b):
        pltpu.make_async_copy(tok_hbm.at[idx_v.at[s]], g_bufs[b],
                              g_sems.at[b]).start()

    def gather_wait(s, b):
        pltpu.make_async_copy(tok_hbm.at[idx_v.at[s]], g_bufs[b],
                              g_sems.at[b]).wait()

    def out_copy(s, b):
        return pltpu.make_async_copy(
            t_bufs[b].at[:, :, pl.ds(0, BSTRIPE)], out_hbm.at[s, :, wid],
            o_sems.at[b])

    for b in range(NBUF):
        gather_start(b, b)

    def outer_step(m, carry):
        for b in range(NBUF):
            s = m * NBUF + b
            gather_wait(s, b)
            g = g_bufs[b]
            t = t_bufs[b]
            pv = [pos_v[s, pl.ds(c * 16, 16)] for c in range(EMBED_DIM // 16)]

            @plsc.parallel_loop(0, BSTRIPE, unroll=8)
            def per_row(r):
                rsp = jnp.full((16,), r, jnp.int32)
                for c in range(EMBED_DIM // 16):
                    vals = g[r, pl.ds(c * 16, 16)] + pv[c]
                    plsc.store_scatter(t, [dt_c[c], di_c[c], rsp], vals)

            gather_start(lax.rem(s + NBUF, SEQ), b)

            @pl.when(m > 0)
            def _():
                out_copy(s, b).wait()

            out_copy(s, b).start()
        return carry

    lax.fori_loop(0, OUTER, outer_step, 0)

    for b in range(NBUF):
        gather_wait(b, b)
        out_copy(SEQ - NBUF + b, b).wait()


@jax.jit
def _embed(xt, token_table, pos_table):
    mesh = plsc.VectorSubcoreMesh(core_axis_name="c", subcore_axis_name="s")
    return pl.kernel(
        _tec_body,
        out_type=jax.ShapeDtypeStruct(
            (SEQ, EMBED_DIM // 8, NUM_WORKERS, 8, BSTRIPE), jnp.float32),
        mesh=mesh,
        scratch_types=[
            pltpu.VMEM((SEQ, BSTRIPE), jnp.int32),
            pltpu.VMEM((MAXLEN, EMBED_DIM), jnp.float32),
            [pltpu.VMEM((BSTRIPE, EMBED_DIM), jnp.float32)
             for _ in range(NBUF)],
            [pltpu.VMEM((EMBED_DIM // 8, 8, TPITCH), jnp.float32)
             for _ in range(NBUF)],
            pltpu.SemaphoreType.DMA((NBUF,)),
            pltpu.SemaphoreType.DMA((NBUF,)),
        ],
        compiler_params=pltpu.CompilerParams(use_tc_tiling_on_sc=False,
                                             needs_layout_passes=False),
    )(xt, token_table, pos_table)


def kernel(x, token_table, pos_table):
    token_table = jex_layout.with_layout_constraint(
        token_table,
        jex_layout.Layout(major_to_minor=(0, 1), tiling=((8, 128),)))
    out5 = _embed(x.T, token_table, pos_table)
    return out5.transpose(2, 4, 0, 1, 3).reshape(BATCH, SEQ, EMBED_DIM)

# --- scband reference (transcript-rebuilt; emitter-appended) ---
"""Pipeline reference for scband-token-and-position-embedding-22136261444284 (READ-ONLY COPY).

The authoritative reference and input builder live on the scoring server;
editing this copy changes nothing except your own understanding.
"""

import jax, jax.numpy as jnp
import numpy as np

VOCAB = 1000000
MAXLEN = 200
EMBED_DIM = 64
BATCH = 4096
SEQ = 200

def setup_inputs(seed: int = 0) -> dict:
    key = jax.random.key(seed)
    k1, k2, k3 = jax.random.split(key, 3)
    x = jax.random.randint(k1, (BATCH, SEQ), 0, VOCAB, dtype=jnp.int64 if jax.config.jax_enable_x64 else jnp.int32).astype(jnp.int32)
    token_table = jax.random.normal(k2, (VOCAB, EMBED_DIM), dtype=jnp.float32) * 0.02
    pos_table = jax.random.normal(k3, (MAXLEN, EMBED_DIM), dtype=jnp.float32) * 0.02
    return {"x": x, "token_table": token_table, "pos_table": pos_table}

def reference(x, token_table, pos_table):
    # positions = arange(0, x.size(1)) unsqueezed over batch
    seq_len = x.shape[1]
    positions = jnp.arange(seq_len, dtype=jnp.int32)[None, :]  # [1, S]
    tok = jnp.take(token_table, x, axis=0)          # [B, S, D]
    pos = jnp.take(pos_table, positions, axis=0)    # [1, S, D]
    return tok + pos

if __name__ == "__main__":
    import jax
    _d = setup_inputs()
    print(jax.jit(kernel)(*tuple(_d.values())))

</pallas_src>

<mosaic_0001>
#map = affine_map<(d0, d1) -> (0, 0)>
#map1 = affine_map<(d0, d1) -> (0, 0, 0, 0, 0)>
module attributes {stable_mosaic.version = 14 : i64} {
  func.func @_tec_body(%arg0: i32, %arg1: i32, %arg2: memref<200x4096xi32, #tpu.memory_space<hbm>>, %arg3: memref<1000000x64xf32, #tpu.memory_space<hbm>>, %arg4: memref<200x64xf32, #tpu.memory_space<hbm>>, %arg5: memref<200x8x32x8x128xf32, #tpu.memory_space<hbm>>, %arg6: memref<200x128xi32, #tpu.memory_space<vmem>>, %arg7: memref<200x64xf32, #tpu.memory_space<vmem>>, %arg8: memref<128x64xf32, #tpu.memory_space<vmem>>, %arg9: memref<128x64xf32, #tpu.memory_space<vmem>>, %arg10: memref<128x64xf32, #tpu.memory_space<vmem>>, %arg11: memref<128x64xf32, #tpu.memory_space<vmem>>, %arg12: memref<8x8x129xf32, #tpu.memory_space<vmem>>, %arg13: memref<8x8x129xf32, #tpu.memory_space<vmem>>, %arg14: memref<8x8x129xf32, #tpu.memory_space<vmem>>, %arg15: memref<8x8x129xf32, #tpu.memory_space<vmem>>, %arg16: memref<4x!tpu.dma_semaphore, #tpu.memory_space<semaphore_mem>>, %arg17: memref<4x!tpu.dma_semaphore, #tpu.memory_space<semaphore_mem>>) attributes {dimension_semantics = [#tpu.dimension_semantics<core_parallel>, #tpu.dimension_semantics<subcore_parallel>], iteration_bounds = array<i64: 2, 16>, scalar_prefetch = 0 : i64, scratch_operands = 12 : i64, tpu.core_type = #tpu.core_type<sc_vector_subcore>, window_params = [{transform_indices = #map}, {transform_indices = #map}, {transform_indices = #map}, {transform_indices = #map1}]} {
    %mul3A = arith.constant 2 : i32
    %mul3A_0 = arith.muli %arg1, %mul3A : i32
    %add3A = arith.addi %mul3A_0, %arg0 : i32
    %mul3A_1 = arith.constant 128 : i32
    %mul3A_2 = arith.muli %add3A, %mul3A_1 : i32
    "tpu.region"() ({
      %run_scoped3A = tpu.sem_alloc : memref<!tpu.dma_semaphore, #tpu.memory_space<semaphore_mem>>
      %dma_start3A_222 = arith.constant 0 : i32
      %dma_start3A_223 = tpu.memref_slice %arg2[%dma_start3A_222, %mul3A_2] : memref<200x4096xi32, #tpu.memory_space<hbm>> -> memref<200x128xi32, #tpu.memory_space<hbm>>
      %dma_start3A_224 = arith.constant 0 : i32
      %dma_start3A_225 = tpu.memref_slice %arg2[%dma_start3A_224, %mul3A_2] : memref<200x4096xi32, #tpu.memory_space<hbm>> -> memref<200x128xi32, #tpu.memory_space<hbm>>
      tpu.enqueue_dma source(%dma_start3A_225 : memref<200x128xi32, #tpu.memory_space<hbm>>) target(%arg6 : memref<200x128xi32, #tpu.memory_space<vmem>>) target_semaphore(%run_scoped3A : memref<!tpu.dma_semaphore, #tpu.memory_space<semaphore_mem>>)
      %dma_wait3A_226 = arith.constant 0 : i32
      %dma_wait3A_227 = tpu.memref_slice %arg2[%dma_wait3A_226, %mul3A_2] : memref<200x4096xi32, #tpu.memory_space<hbm>> -> memref<200x128xi32, #tpu.memory_space<hbm>>
      %dma_wait3A_228 = arith.constant 0 : i32
      %dma_wait3A_229 = tpu.memref_slice %arg2[%dma_wait3A_228, %mul3A_2] : memref<200x4096xi32, #tpu.memory_space<hbm>> -> memref<200x128xi32, #tpu.memory_space<hbm>>
      tpu.wait_dma2 semaphore(%run_scoped3A : memref<!tpu.dma_semaphore, #tpu.memory_space<semaphore_mem>>) src(%dma_wait3A_229 : memref<200x128xi32, #tpu.memory_space<hbm>>) dst(%arg6 : memref<200x128xi32, #tpu.memory_space<vmem>>)
      tpu.yield
    }) : () -> ()
    "tpu.region"() ({
      %run_scoped3A = tpu.sem_alloc : memref<!tpu.dma_semaphore, #tpu.memory_space<semaphore_mem>>
      tpu.enqueue_dma source(%arg4 : memref<200x64xf32, #tpu.memory_space<hbm>>) target(%arg7 : memref<200x64xf32, #tpu.memory_space<vmem>>) target_semaphore(%run_scoped3A : memref<!tpu.dma_semaphore, #tpu.memory_space<semaphore_mem>>)
      tpu.wait_dma2 semaphore(%run_scoped3A : memref<!tpu.dma_semaphore, #tpu.memory_space<semaphore_mem>>) src(%arg4 : memref<200x64xf32, #tpu.memory_space<hbm>>) dst(%arg7 : memref<200x64xf32, #tpu.memory_space<vmem>>)
      tpu.yield
    }) : () -> ()
    %parallel_loop3A = arith.constant 0 : i32
    %parallel_loop3A_3 = arith.constant 200 : i32
    %parallel_loop3A_4 = arith.constant 1 : i32
    scf.for %parallel_loop3A_222 = %parallel_loop3A to %parallel_loop3A_3 step %parallel_loop3A_4  : i32 {
      %parallel_loop3A_223 = arith.index_cast %parallel_loop3A_222 : i32 to index
      %parallel_loop3A_224 = arith.constant 0 : index
      %parallel_loop3A_225 = tpu.vector_load %arg6[%parallel_loop3A_223, %parallel_loop3A_224] {strides = array<i32>} : memref<200x128xi32, #tpu.memory_space<vmem>>, vector<16xi32>,
      %parallel_loop3A_226 = arith.index_cast %parallel_loop3A_222 : i32 to index
      %parallel_loop3A_227 = arith.constant 0 : index
      %parallel_loop3A_228 = tpu.vector_load %arg6[%parallel_loop3A_226, %parallel_loop3A_227] {strides = array<i32>} : memref<200x128xi32, #tpu.memory_space<vmem>>, vector<16xi32>,
      %parallel_loop3A_229 = arith.addi %parallel_loop3A_225, %parallel_loop3A_228 : vector<16xi32>
      %parallel_loop3A_230 = arith.index_cast %parallel_loop3A_222 : i32 to index
      %parallel_loop3A_231 = arith.constant 0 : index
      %parallel_loop3A_232 = tpu.vector_load %arg6[%parallel_loop3A_230, %parallel_loop3A_231] {strides = array<i32>} : memref<200x128xi32, #tpu.memory_space<vmem>>, vector<16xi32>,
      tpu.vector_store %arg6[%parallel_loop3A_230, %parallel_loop3A_231], %parallel_loop3A_229 {strides = array<i32>} : memref<200x128xi32, #tpu.memory_space<vmem>>, vector<16xi32>,
      %parallel_loop3A_233 = arith.index_cast %parallel_loop3A_222 : i32 to index
      %parallel_loop3A_234 = arith.constant 16 : index
      %parallel_loop3A_235 = tpu.vector_load %arg6[%parallel_loop3A_233, %parallel_loop3A_234] {strides = array<i32>} : memref<200x128xi32, #tpu.memory_space<vmem>>, vector<16xi32>,
      %parallel_loop3A_236 = arith.index_cast %parallel_loop3A_222 : i32 to index
      %parallel_loop3A_237 = arith.constant 16 : index
      %parallel_loop3A_238 = tpu.vector_load %arg6[%parallel_loop3A_236, %parallel_loop3A_237] {strides = array<i32>} : memref<200x128xi32, #tpu.memory_space<vmem>>, vector<16xi32>,
      %parallel_loop3A_239 = arith.addi %parallel_loop3A_235, %parallel_loop3A_238 : vector<16xi32>
      %parallel_loop3A_240 = arith.index_cast %parallel_loop3A_222 : i32 to index
      %parallel_loop3A_241 = arith.constant 16 : index
      %parallel_loop3A_242 = tpu.vector_load %arg6[%parallel_loop3A_240, %parallel_loop3A_241] {strides = array<i32>} : memref<200x128xi32, #tpu.memory_space<vmem>>, vector<16xi32>,
      tpu.vector_store %arg6[%parallel_loop3A_240, %parallel_loop3A_241], %parallel_loop3A_239 {strides = array<i32>} : memref<200x128xi32, #tpu.memory_space<vmem>>, vector<16xi32>,
      %parallel_loop3A_243 = arith.index_cast %parallel_loop3A_222 : i32 to index
      %parallel_loop3A_244 = arith.constant 32 : index
      %parallel_loop3A_245 = tpu.vector_load %arg6[%parallel_loop3A_243, %parallel_loop3A_244] {strides = array<i32>} : memref<200x128xi32, #tpu.memory_space<vmem>>, vector<16xi32>,
      %parallel_loop3A_246 = arith.index_cast %parallel_loop3A_222 : i32 to index
      %parallel_loop3A_247 = arith.constant 32 : index
      %parallel_loop3A_248 = tpu.vector_load %arg6[%parallel_loop3A_246, %parallel_loop3A_247] {strides = array<i32>} : memref<200x128xi32, #tpu.memory_space<vmem>>, vector<16xi32>,
      %parallel_loop3A_249 = arith.addi %parallel_loop3A_245, %parallel_loop3A_248 : vector<16xi32>
      %parallel_loop3A_250 = arith.index_cast %parallel_loop3A_222 : i32 to index
      %parallel_loop3A_251 = arith.constant 32 : index
      %parallel_loop3A_252 = tpu.vector_load %arg6[%parallel_loop3A_250, %parallel_loop3A_251] {strides = array<i32>} : memref<200x128xi32, #tpu.memory_space<vmem>>, vector<16xi32>,
      tpu.vector_store %arg6[%parallel_loop3A_250, %parallel_loop3A_251], %parallel_loop3A_249 {strides = array<i32>} : memref<200x128xi32, #tpu.memory_space<vmem>>, vector<16xi32>,
      %parallel_loop3A_253 = arith.index_cast %parallel_loop3A_222 : i32 to index
      %parallel_loop3A_254 = arith.constant 48 : index
      %parallel_loop3A_255 = tpu.vector_load %arg6[%parallel_loop3A_253, %parallel_loop3A_254] {strides = array<i32>} : memref<200x128xi32, #tpu.memory_space<vmem>>, vector<16xi32>,
      %parallel_loop3A_256 = arith.index_cast %parallel_loop3A_222 : i32 to index
      %parallel_loop3A_257 = arith.constant 48 : index
      %parallel_loop3A_258 = tpu.vector_load %arg6[%parallel_loop3A_256, %parallel_loop3A_257] {strides = array<i32>} : memref<200x128xi32, #tpu.memory_space<vmem>>, vector<16xi32>,
      %parallel_loop3A_259 = arith.addi %parallel_loop3A_255, %parallel_loop3A_258 : vector<16xi32>
      %parallel_loop3A_260 = arith.index_cast %parallel_loop3A_222 : i32 to index
      %parallel_loop3A_261 = arith.constant 48 : index
      %parallel_loop3A_262 = tpu.vector_load %arg6[%parallel_loop3A_260, %parallel_loop3A_261] {strides = array<i32>} : memref<200x128xi32, #tpu.memory_space<vmem>>, vector<16xi32>,
      tpu.vector_store %arg6[%parallel_loop3A_260, %parallel_loop3A_261], %parallel_loop3A_259 {strides = array<i32>} : memref<200x128xi32, #tpu.memory_space<vmem>>, vector<16xi32>,
      %parallel_loop3A_263 = arith.index_cast %parallel_loop3A_222 : i32 to index
      %parallel_loop3A_264 = arith.constant 64 : index
      %parallel_loop3A_265 = tpu.vector_load %arg6[%parallel_loop3A_263, %parallel_loop3A_264] {strides = array<i32>} : memref<200x128xi32, #tpu.memory_space<vmem>>, vector<16xi32>,
      %parallel_loop3A_266 = arith.index_cast %parallel_loop3A_222 : i32 to index
      %parallel_loop3A_267 = arith.constant 64 : index
      %parallel_loop3A_268 = tpu.vector_load %arg6[%parallel_loop3A_266, %parallel_loop3A_267] {strides = array<i32>} : memref<200x128xi32, #tpu.memory_space<vmem>>, vector<16xi32>,
      %parallel_loop3A_269 = arith.addi %parallel_loop3A_265, %parallel_loop3A_268 : vector<16xi32>
      %parallel_loop3A_270 = arith.index_cast %parallel_loop3A_222 : i32 to index
      %parallel_loop3A_271 = arith.constant 64 : index
      %parallel_loop3A_272 = tpu.vector_load %arg6[%parallel_loop3A_270, %parallel_loop3A_271] {strides = array<i32>} : memref<200x128xi32, #tpu.memory_space<vmem>>, vector<16xi32>,
      tpu.vector_store %arg6[%parallel_loop3A_270, %parallel_loop3A_271], %parallel_loop3A_269 {strides = array<i32>} : memref<200x128xi32, #tpu.memory_space<vmem>>, vector<16xi32>,
      %parallel_loop3A_273 = arith.index_cast %parallel_loop3A_222 : i32 to index
      %parallel_loop3A_274 = arith.constant 80 : index
      %parallel_loop3A_275 = tpu.vector_load %arg6[%parallel_loop3A_273, %parallel_loop3A_274] {strides = array<i32>} : memref<200x128xi32, #tpu.memory_space<vmem>>, vector<16xi32>,
      %parallel_loop3A_276 = arith.index_cast %parallel_loop3A_222 : i32 to index
      %parallel_loop3A_277 = arith.constant 80 : index
      %parallel_loop3A_278 = tpu.vector_load %arg6[%parallel_loop3A_276, %parallel_loop3A_277] {strides = array<i32>} : memref<200x128xi32, #tpu.memory_space<vmem>>, vector<16xi32>,
      %parallel_loop3A_279 = arith.addi %parallel_loop3A_275, %parallel_loop3A_278 : vector<16xi32>
      %parallel_loop3A_280 = arith.index_cast %parallel_loop3A_222 : i32 to index
      %parallel_loop3A_281 = arith.constant 80 : index
      %parallel_loop3A_282 = tpu.vector_load %arg6[%parallel_loop3A_280, %parallel_loop3A_281] {strides = array<i32>} : memref<200x128xi32, #tpu.memory_space<vmem>>, vector<16xi32>,
      tpu.vector_store %arg6[%parallel_loop3A_280, %parallel_loop3A_281], %parallel_loop3A_279 {strides = array<i32>} : memref<200x128xi32, #tpu.memory_space<vmem>>, vector<16xi32>,
      %parallel_loop3A_283 = arith.index_cast %parallel_loop3A_222 : i32 to index
      %parallel_loop3A_284 = arith.constant 96 : index
      %parallel_loop3A_285 = tpu.vector_load %arg6[%parallel_loop3A_283, %parallel_loop3A_284] {strides = array<i32>} : memref<200x128xi32, #tpu.memory_space<vmem>>, vector<16xi32>,
      %parallel_loop3A_286 = arith.index_cast %parallel_loop3A_222 : i32 to index
      %parallel_loop3A_287 = arith.constant 96 : index
      %parallel_loop3A_288 = tpu.vector_load %arg6[%parallel_loop3A_286, %parallel_loop3A_287] {strides = array<i32>} : memref<200x128xi32, #tpu.memory_space<vmem>>, vector<16xi32>,
      %parallel_loop3A_289 = arith.addi %parallel_loop3A_285, %parallel_loop3A_288 : vector<16xi32>
      %parallel_loop3A_290 = arith.index_cast %parallel_loop3A_222 : i32 to index
      %parallel_loop3A_291 = arith.constant 96 : index
      %parallel_loop3A_292 = tpu.vector_load %arg6[%parallel_loop3A_290, %parallel_loop3A_291] {strides = array<i32>} : memref<200x128xi32, #tpu.memory_space<vmem>>, vector<16xi32>,
      tpu.vector_store %arg6[%parallel_loop3A_290, %parallel_loop3A_291], %parallel_loop3A_289 {strides = array<i32>} : memref<200x128xi32, #tpu.memory_space<vmem>>, vector<16xi32>,
      %parallel_loop3A_293 = arith.index_cast %parallel_loop3A_222 : i32 to index
      %parallel_loop3A_294 = arith.constant 112 : index
      %parallel_loop3A_295 = tpu.vector_load %arg6[%parallel_loop3A_293, %parallel_loop3A_294] {strides = array<i32>} : memref<200x128xi32, #tpu.memory_space<vmem>>, vector<16xi32>,
      %parallel_loop3A_296 = arith.index_cast %parallel_loop3A_222 : i32 to index
      %parallel_loop3A_297 = arith.constant 112 : index
      %parallel_loop3A_298 = tpu.vector_load %arg6[%parallel_loop3A_296, %parallel_loop3A_297] {strides = array<i32>} : memref<200x128xi32, #tpu.memory_space<vmem>>, vector<16xi32>,
      %parallel_loop3A_299 = arith.addi %parallel_loop3A_295, %parallel_loop3A_298 : vector<16xi32>
      %parallel_loop3A_300 = arith.index_cast %parallel_loop3A_222 : i32 to index
      %parallel_loop3A_301 = arith.constant 112 : index
      %parallel_loop3A_302 = tpu.vector_load %arg6[%parallel_loop3A_300, %parallel_loop3A_301] {strides = array<i32>} : memref<200x128xi32, #tpu.memory_space<vmem>>, vector<16xi32>,
      tpu.vector_store %arg6[%parallel_loop3A_300, %parallel_loop3A_301], %parallel_loop3A_299 {strides = array<i32>} : memref<200x128xi32, #tpu.memory_space<vmem>>, vector<16xi32>,
    } {sc.loop_unroll_factor = 4 : i64, sc.parallel_access}
    %iota3A = tpu.iota {dimensions = array<i32: 0>} : vector<16xi32>
    %add3A_5 = arith.constant 0 : i32
    %add3A_6 = vector.broadcast %add3A_5 : i32 to vector<16xi32>
    %add3A_7 = arith.addi %add3A_6, %iota3A : vector<16xi32>
    %shift_right_arithmetic3A = arith.constant 3 : i32
    %shift_right_arithmetic3A_8 = vector.broadcast %shift_right_arithmetic3A : i32 to vector<16xi32>
    %shift_right_arithmetic3A_9 = arith.shrsi %add3A_7, %shift_right_arithmetic3A_8 : vector<16xi32>
    %add3A_10 = arith.constant 16 : i32
    %add3A_11 = vector.broadcast %add3A_10 : i32 to vector<16xi32>
    %add3A_12 = arith.addi %add3A_11, %iota3A : vector<16xi32>
    %shift_right_arithmetic3A_13 = arith.constant 3 : i32
    %shift_right_arithmetic3A_14 = vector.broadcast %shift_right_arithmetic3A_13 : i32 to vector<16xi32>
    %shift_right_arithmetic3A_15 = arith.shrsi %add3A_12, %shift_right_arithmetic3A_14 : vector<16xi32>
    %add3A_16 = arith.constant 32 : i32
    %add3A_17 = vector.broadcast %add3A_16 : i32 to vector<16xi32>
    %add3A_18 = arith.addi %add3A_17, %iota3A : vector<16xi32>
    %shift_right_arithmetic3A_19 = arith.constant 3 : i32
    %shift_right_arithmetic3A_20 = vector.broadcast %shift_right_arithmetic3A_19 : i32 to vector<16xi32>
    %shift_right_arithmetic3A_21 = arith.shrsi %add3A_18, %shift_right_arithmetic3A_20 : vector<16xi32>
    %add3A_22 = arith.constant 48 : i32
    %add3A_23 = vector.broadcast %add3A_22 : i32 to vector<16xi32>
    %add3A_24 = arith.addi %add3A_23, %iota3A : vector<16xi32>
    %shift_right_arithmetic3A_25 = arith.constant 3 : i32
    %shift_right_arithmetic3A_26 = vector.broadcast %shift_right_arithmetic3A_25 : i32 to vector<16xi32>
    %shift_right_arithmetic3A_27 = arith.shrsi %add3A_24, %shift_right_arithmetic3A_26 : vector<16xi32>
    %add3A_28 = arith.constant 0 : i32
    %add3A_29 = vector.broadcast %add3A_28 : i32 to vector<16xi32>
    %add3A_30 = arith.addi %add3A_29, %iota3A : vector<16xi32>
    %and3A = arith.constant 7 : i32
    %and3A_31 = vector.broadcast %and3A : i32 to vector<16xi32>
    %and3A_32 = arith.andi %add3A_30, %and3A_31 : vector<16xi32>
    %add3A_33 = arith.constant 16 : i32
    %add3A_34 = vector.broadcast %add3A_33 : i32 to vector<16xi32>
    %add3A_35 = arith.addi %add3A_34, %iota3A : vector<16xi32>
    %and3A_36 = arith.constant 7 : i32
    %and3A_37 = vector.broadcast %and3A_36 : i32 to vector<16xi32>
    %and3A_38 = arith.andi %add3A_35, %and3A_37 : vector<16xi32>
    %add3A_39 = arith.constant 32 : i32
    %add3A_40 = vector.broadcast %add3A_39 : i32 to vector<16xi32>
    %add3A_41 = arith.addi %add3A_40, %iota3A : vector<16xi32>
    %and3A_42 = arith.constant 7 : i32
    %and3A_43 = vector.broadcast %and3A_42 : i32 to vector<16xi32>
    %and3A_44 = arith.andi %add3A_41, %and3A_43 : vector<16xi32>
    %add3A_45 = arith.constant 48 : i32
    %add3A_46 = vector.broadcast %add3A_45 : i32 to vector<16xi32>
    %add3A_47 = arith.addi %add3A_46, %iota3A : vector<16xi32>
    %and3A_48 = arith.constant 7 : i32
    %and3A_49 = vector.broadcast %and3A_48 : i32 to vector<16xi32>
    %and3A_50 = arith.andi %add3A_47, %and3A_49 : vector<16xi32>
    %dma_start3A = arith.constant 0 : i32
    %dma_start3A_51 = arith.constant 0 : i32
    %dma_start3A_52 = arith.constant 0 : i32
    %dma_start3A_53 = tpu.memref_slice %arg6[%dma_start3A, %dma_start3A_52] : memref<200x128xi32, #tpu.memory_space<vmem>> -> memref<1x128xi32, #tpu.memory_space<vmem>>
    %dma_start3A_54 = tpu.memref_squeeze %dma_start3A_53 : memref<1x128xi32, #tpu.memory_space<vmem>> -> memref<128xi32, #tpu.memory_space<vmem>>
    %dma_start3A_55 = arith.constant 0 : i32
    %dma_start3A_56 = arith.constant 0 : i32
    %dma_start3A_57 = tpu.memref_slice %arg3[%dma_start3A_55, %dma_start3A_56] : memref<1000000x64xf32, #tpu.memory_space<hbm>> -> memref<1000000x64xf32, #tpu.memory_space<hbm>>
    %dma_start3A_58 = tpu.memref_slice %arg16[%dma_start3A_51] : memref<4x!tpu.dma_semaphore, #tpu.memory_space<semaphore_mem>> -> memref<1x!tpu.dma_semaphore, #tpu.memory_space<semaphore_mem>>
    %dma_start3A_59 = tpu.memref_squeeze %dma_start3A_58 : memref<1x!tpu.dma_semaphore, #tpu.memory_space<semaphore_mem>> -> memref<!tpu.dma_semaphore, #tpu.memory_space<semaphore_mem>>
    tpu.enqueue_indirect_dma source(%dma_start3A_57 : memref<1000000x64xf32, #tpu.memory_space<hbm>>) target(%arg8 : memref<128x64xf32, #tpu.memory_space<vmem>>) offsets(%dma_start3A_54 : memref<128xi32, #tpu.memory_space<vmem>>) semaphore(%dma_start3A_59 : memref<!tpu.dma_semaphore, #tpu.memory_space<semaphore_mem>>)
    %dma_start3A_60 = arith.constant 1 : i32
    %dma_start3A_61 = arith.constant 1 : i32
    %dma_start3A_62 = arith.constant 0 : i32
    %dma_start3A_63 = tpu.memref_slice %arg6[%dma_start3A_60, %dma_start3A_62] : memref<200x128xi32, #tpu.memory_space<vmem>> -> memref<1x128xi32, #tpu.memory_space<vmem>>
    %dma_start3A_64 = tpu.memref_squeeze %dma_start3A_63 : memref<1x128xi32, #tpu.memory_space<vmem>> -> memref<128xi32, #tpu.memory_space<vmem>>
    %dma_start3A_65 = arith.constant 0 : i32
    %dma_start3A_66 = arith.constant 0 : i32
    %dma_start3A_67 = tpu.memref_slice %arg3[%dma_start3A_65, %dma_start3A_66] : memref<1000000x64xf32, #tpu.memory_space<hbm>> -> memref<1000000x64xf32, #tpu.memory_space<hbm>>
    %dma_start3A_68 = tpu.memref_slice %arg16[%dma_start3A_61] : memref<4x!tpu.dma_semaphore, #tpu.memory_space<semaphore_mem>> -> memref<1x!tpu.dma_semaphore, #tpu.memory_space<semaphore_mem>>
    %dma_start3A_69 = tpu.memref_squeeze %dma_start3A_68 : memref<1x!tpu.dma_semaphore, #tpu.memory_space<semaphore_mem>> -> memref<!tpu.dma_semaphore, #tpu.memory_space<semaphore_mem>>
    tpu.enqueue_indirect_dma source(%dma_start3A_67 : memref<1000000x64xf32, #tpu.memory_space<hbm>>) target(%arg9 : memref<128x64xf32, #tpu.memory_space<vmem>>) offsets(%dma_start3A_64 : memref<128xi32, #tpu.memory_space<vmem>>) semaphore(%dma_start3A_69 : memref<!tpu.dma_semaphore, #tpu.memory_space<semaphore_mem>>)
    %dma_start3A_70 = arith.constant 2 : i32
    %dma_start3A_71 = arith.constant 2 : i32
    %dma_start3A_72 = arith.constant 0 : i32
    %dma_start3A_73 = tpu.memref_slice %arg6[%dma_start3A_70, %dma_start3A_72] : memref<200x128xi32, #tpu.memory_space<vmem>> -> memref<1x128xi32, #tpu.memory_space<vmem>>
    %dma_start3A_74 = tpu.memref_squeeze %dma_start3A_73 : memref<1x128xi32, #tpu.memory_space<vmem>> -> memref<128xi32, #tpu.memory_space<vmem>>
    %dma_start3A_75 = arith.constant 0 : i32
    %dma_start3A_76 = arith.constant 0 : i32
    %dma_start3A_77 = tpu.memref_slice %arg3[%dma_start3A_75, %dma_start3A_76] : memref<1000000x64xf32, #tpu.memory_space<hbm>> -> memref<1000000x64xf32, #tpu.memory_space<hbm>>
    %dma_start3A_78 = tpu.memref_slice %arg16[%dma_start3A_71] : memref<4x!tpu.dma_semaphore, #tpu.memory_space<semaphore_mem>> -> memref<1x!tpu.dma_semaphore, #tpu.memory_space<semaphore_mem>>
    %dma_start3A_79 = tpu.memref_squeeze %dma_start3A_78 : memref<1x!tpu.dma_semaphore, #tpu.memory_space<semaphore_mem>> -> memref<!tpu.dma_semaphore, #tpu.memory_space<semaphore_mem>>
    tpu.enqueue_indirect_dma source(%dma_start3A_77 : memref<1000000x64xf32, #tpu.memory_space<hbm>>) target(%arg10 : memref<128x64xf32, #tpu.memory_space<vmem>>) offsets(%dma_start3A_74 : memref<128xi32, #tpu.memory_space<vmem>>) semaphore(%dma_start3A_79 : memref<!tpu.dma_semaphore, #tpu.memory_space<semaphore_mem>>)
    %dma_start3A_80 = arith.constant 3 : i32
    %dma_start3A_81 = arith.constant 3 : i32
    %dma_start3A_82 = arith.constant 0 : i32
    %dma_start3A_83 = tpu.memref_slice %arg6[%dma_start3A_80, %dma_start3A_82] : memref<200x128xi32, #tpu.memory_space<vmem>> -> memref<1x128xi32, #tpu.memory_space<vmem>>
    %dma_start3A_84 = tpu.memref_squeeze %dma_start3A_83 : memref<1x128xi32, #tpu.memory_space<vmem>> -> memref<128xi32, #tpu.memory_space<vmem>>
    %dma_start3A_85 = arith.constant 0 : i32
    %dma_start3A_86 = arith.constant 0 : i32
    %dma_start3A_87 = tpu.memref_slice %arg3[%dma_start3A_85, %dma_start3A_86] : memref<1000000x64xf32, #tpu.memory_space<hbm>> -> memref<1000000x64xf32, #tpu.memory_space<hbm>>
    %dma_start3A_88 = tpu.memref_slice %arg16[%dma_start3A_81] : memref<4x!tpu.dma_semaphore, #tpu.memory_space<semaphore_mem>> -> memref<1x!tpu.dma_semaphore, #tpu.memory_space<semaphore_mem>>
    %dma_start3A_89 = tpu.memref_squeeze %dma_start3A_88 : memref<1x!tpu.dma_semaphore, #tpu.memory_space<semaphore_mem>> -> memref<!tpu.dma_semaphore, #tpu.memory_space<semaphore_mem>>
    tpu.enqueue_indirect_dma source(%dma_start3A_87 : memref<1000000x64xf32, #tpu.memory_space<hbm>>) target(%arg11 : memref<128x64xf32, #tpu.memory_space<vmem>>) offsets(%dma_start3A_84 : memref<128xi32, #tpu.memory_space<vmem>>) semaphore(%dma_start3A_89 : memref<!tpu.dma_semaphore, #tpu.memory_space<semaphore_mem>>)
    %scan3A = arith.constant 0 : i32
    %scan3A_90 = arith.constant 0 : i32
    %scan3A_91 = arith.constant 50 : i32
    %scan3A_92 = arith.addi %scan3A_90, %scan3A_91 : i32
    %scan3A_93 = arith.constant 1 : i32
    scf.for %scan3A_222 = %scan3A_90 to %scan3A_92 step %scan3A_93  : i32 {
      %mul3A_223 = arith.constant 4 : i32
      %mul3A_224 = arith.muli %scan3A_222, %mul3A_223 : i32
      %add3A_225 = arith.constant 0 : i32
      %add3A_226 = arith.addi %mul3A_224, %add3A_225 : i32
      %dma_wait3A_227 = arith.constant 0 : i32
      %dma_wait3A_228 = arith.constant 0 : i32
      %dma_wait3A_229 = tpu.memref_slice %arg6[%add3A_226, %dma_wait3A_228] : memref<200x128xi32, #tpu.memory_space<vmem>> -> memref<1x128xi32, #tpu.memory_space<vmem>>
      %dma_wait3A_230 = tpu.memref_squeeze %dma_wait3A_229 : memref<1x128xi32, #tpu.memory_space<vmem>> -> memref<128xi32, #tpu.memory_space<vmem>>
      %dma_wait3A_231 = arith.constant 0 : i32
      %dma_wait3A_232 = arith.constant 0 : i32
      %dma_wait3A_233 = tpu.memref_slice %arg3[%dma_wait3A_231, %dma_wait3A_232] : memref<1000000x64xf32, #tpu.memory_space<hbm>> -> memref<1000000x64xf32, #tpu.memory_space<hbm>>
      %dma_wait3A_234 = tpu.memref_slice %arg16[%dma_wait3A_227] : memref<4x!tpu.dma_semaphore, #tpu.memory_space<semaphore_mem>> -> memref<1x!tpu.dma_semaphore, #tpu.memory_space<semaphore_mem>>
      %dma_wait3A_235 = tpu.memref_squeeze %dma_wait3A_234 : memref<1x!tpu.dma_semaphore, #tpu.memory_space<semaphore_mem>> -> memref<!tpu.dma_semaphore, #tpu.memory_space<semaphore_mem>>
      tpu.wait_indirect_dma semaphore(%dma_wait3A_235 : memref<!tpu.dma_semaphore, #tpu.memory_space<semaphore_mem>>) src(%dma_wait3A_233 : memref<1000000x64xf32, #tpu.memory_space<hbm>>) dst(%arg8 : memref<128x64xf32, #tpu.memory_space<vmem>>)
      %get3A = arith.index_cast %add3A_226 : i32 to index
      %get3A_236 = arith.constant 0 : index
      %get3A_237 = tpu.vector_load %arg7[%get3A, %get3A_236] {strides = array<i32>} : memref<200x64xf32, #tpu.memory_space<vmem>>, vector<16xf32>,
      %get3A_238 = arith.index_cast %add3A_226 : i32 to index
      %get3A_239 = arith.constant 16 : index
      %get3A_240 = tpu.vector_load %arg7[%get3A_238, %get3A_239] {strides = array<i32>} : memref<200x64xf32, #tpu.memory_space<vmem>>, vector<16xf32>,
      %get3A_241 = arith.index_cast %add3A_226 : i32 to index
      %get3A_242 = arith.constant 32 : index
      %get3A_243 = tpu.vector_load %arg7[%get3A_241, %get3A_242] {strides = array<i32>} : memref<200x64xf32, #tpu.memory_space<vmem>>, vector<16xf32>,
      %get3A_244 = arith.index_cast %add3A_226 : i32 to index
      %get3A_245 = arith.constant 48 : index
      %get3A_246 = tpu.vector_load %arg7[%get3A_244, %get3A_245] {strides = array<i32>} : memref<200x64xf32, #tpu.memory_space<vmem>>, vector<16xf32>,
      %parallel_loop3A_247 = arith.constant 0 : i32
      %parallel_loop3A_248 = arith.constant 128 : i32
      %parallel_loop3A_249 = arith.constant 1 : i32
      scf.for %parallel_loop3A_486 = %parallel_loop3A_247 to %parallel_loop3A_248 step %parallel_loop3A_249  : i32 {
        %parallel_loop3A_487 = vector.broadcast %parallel_loop3A_486 : i32 to vector<16xi32>
        %parallel_loop3A_488 = arith.index_cast %parallel_loop3A_486 : i32 to index
        %parallel_loop3A_489 = arith.constant 0 : index
        %parallel_loop3A_490 = tpu.vector_load %arg8[%parallel_loop3A_488, %parallel_loop3A_489] {strides = array<i32>} : memref<128x64xf32, #tpu.memory_space<vmem>>, vector<16xf32>,
        %parallel_loop3A_491 = arith.addf %parallel_loop3A_490, %get3A_237 : vector<16xf32>
        tpu.vector_store_idx %arg12[%shift_right_arithmetic3A_9, %and3A_32, %parallel_loop3A_487], %parallel_loop3A_491 : memref<8x8x129xf32, #tpu.memory_space<vmem>>[vector<16xi32>, vector<16xi32>, vector<16xi32>], vector<16xf32>,
        %parallel_loop3A_492 = arith.index_cast %parallel_loop3A_486 : i32 to index
        %parallel_loop3A_493 = arith.constant 16 : index
        %parallel_loop3A_494 = tpu.vector_load %arg8[%parallel_loop3A_492, %parallel_loop3A_493] {strides = array<i32>} : memref<128x64xf32, #tpu.memory_space<vmem>>, vector<16xf32>,
        %parallel_loop3A_495 = arith.addf %parallel_loop3A_494, %get3A_240 : vector<16xf32>
        tpu.vector_store_idx %arg12[%shift_right_arithmetic3A_15, %and3A_38, %parallel_loop3A_487], %parallel_loop3A_495 : memref<8x8x129xf32, #tpu.memory_space<vmem>>[vector<16xi32>, vector<16xi32>, vector<16xi32>], vector<16xf32>,
        %parallel_loop3A_496 = arith.index_cast %parallel_loop3A_486 : i32 to index
        %parallel_loop3A_497 = arith.constant 32 : index
        %parallel_loop3A_498 = tpu.vector_load %arg8[%parallel_loop3A_496, %parallel_loop3A_497] {strides = array<i32>} : memref<128x64xf32, #tpu.memory_space<vmem>>, vector<16xf32>,
        %parallel_loop3A_499 = arith.addf %parallel_loop3A_498, %get3A_243 : vector<16xf32>
        tpu.vector_store_idx %arg12[%shift_right_arithmetic3A_21, %and3A_44, %parallel_loop3A_487], %parallel_loop3A_499 : memref<8x8x129xf32, #tpu.memory_space<vmem>>[vector<16xi32>, vector<16xi32>, vector<16xi32>], vector<16xf32>,
        %parallel_loop3A_500 = arith.index_cast %parallel_loop3A_486 : i32 to index
        %parallel_loop3A_501 = arith.constant 48 : index
        %parallel_loop3A_502 = tpu.vector_load %arg8[%parallel_loop3A_500, %parallel_loop3A_501] {strides = array<i32>} : memref<128x64xf32, #tpu.memory_space<vmem>>, vector<16xf32>,
        %parallel_loop3A_503 = arith.addf %parallel_loop3A_502, %get3A_246 : vector<16xf32>
        tpu.vector_store_idx %arg12[%shift_right_arithmetic3A_27, %and3A_50, %parallel_loop3A_487], %parallel_loop3A_503 : memref<8x8x129xf32, #tpu.memory_space<vmem>>[vector<16xi32>, vector<16xi32>, vector<16xi32>], vector<16xf32>,
      } {sc.loop_unroll_factor = 8 : i64, sc.parallel_access}
      %add3A_250 = arith.constant 4 : i32
      %add3A_251 = arith.addi %add3A_226, %add3A_250 : i32
      %rem3A = arith.constant 200 : i32
      %rem3A_252 = arith.remsi %add3A_251, %rem3A : i32
      %dma_start3A_253 = arith.constant 0 : i32
      %dma_start3A_254 = arith.constant 0 : i32
      %dma_start3A_255 = tpu.memref_slice %arg6[%rem3A_252, %dma_start3A_254] : memref<200x128xi32, #tpu.memory_space<vmem>> -> memref<1x128xi32, #tpu.memory_space<vmem>>
      %dma_start3A_256 = tpu.memref_squeeze %dma_start3A_255 : memref<1x128xi32, #tpu.memory_space<vmem>> -> memref<128xi32, #tpu.memory_space<vmem>>
      %dma_start3A_257 = arith.constant 0 : i32
      %dma_start3A_258 = arith.constant 0 : i32
      %dma_start3A_259 = tpu.memref_slice %arg3[%dma_start3A_257, %dma_start3A_258] : memref<1000000x64xf32, #tpu.memory_space<hbm>> -> memref<1000000x64xf32, #tpu.memory_space<hbm>>
      %dma_start3A_260 = tpu.memref_slice %arg16[%dma_start3A_253] : memref<4x!tpu.dma_semaphore, #tpu.memory_space<semaphore_mem>> -> memref<1x!tpu.dma_semaphore, #tpu.memory_space<semaphore_mem>>
      %dma_start3A_261 = tpu.memref_squeeze %dma_start3A_260 : memref<1x!tpu.dma_semaphore, #tpu.memory_space<semaphore_mem>> -> memref<!tpu.dma_semaphore, #tpu.memory_space<semaphore_mem>>
      tpu.enqueue_indirect_dma source(%dma_start3A_259 : memref<1000000x64xf32, #tpu.memory_space<hbm>>) target(%arg8 : memref<128x64xf32, #tpu.memory_space<vmem>>) offsets(%dma_start3A_256 : memref<128xi32, #tpu.memory_space<vmem>>) semaphore(%dma_start3A_261 : memref<!tpu.dma_semaphore, #tpu.memory_space<semaphore_mem>>)
      %gt3A = arith.constant 0 : i32
      %gt3A_262 = arith.cmpi sgt, %scan3A_222, %gt3A : i32
      %convert_element_type3A = arith.extui %gt3A_262 : i1 to i32
      %cond3A = arith.constant 0 : i32
      %cond3A_263 = arith.cmpi ne, %convert_element_type3A, %cond3A : i32
      scf.if %cond3A_263 {
        %dma_wait3A_486 = arith.constant 0 : i32
        %dma_wait3A_487 = arith.constant 0 : i32
        %dma_wait3A_488 = arith.constant 0 : i32
        %dma_wait3A_489 = arith.constant 0 : i32
        %dma_wait3A_490 = tpu.memref_slice %arg12[%dma_wait3A_487, %dma_wait3A_488, %dma_wait3A_489] : memref<8x8x129xf32, #tpu.memory_space<vmem>> -> memref<8x8x128xf32, #tpu.memory_space<vmem>>
        %dma_wait3A_491 = arith.constant 0 : i32
        %dma_wait3A_492 = arith.constant 0 : i32
        %dma_wait3A_493 = arith.constant 0 : i32
        %dma_wait3A_494 = tpu.memref_slice %arg5[%add3A_226, %dma_wait3A_491, %add3A, %dma_wait3A_492, %dma_wait3A_493] : memref<200x8x32x8x128xf32, #tpu.memory_space<hbm>> -> memref<1x8x1x8x128xf32, #tpu.memory_space<hbm>>
        %dma_wait3A_495 = tpu.memref_squeeze %dma_wait3A_494 : memref<1x8x1x8x128xf32, #tpu.memory_space<hbm>> -> memref<8x8x128xf32, #tpu.memory_space<hbm>>
        %dma_wait3A_496 = tpu.memref_slice %arg17[%dma_wait3A_486] : memref<4x!tpu.dma_semaphore, #tpu.memory_space<semaphore_mem>> -> memref<1x!tpu.dma_semaphore, #tpu.memory_space<semaphore_mem>>
        %dma_wait3A_497 = tpu.memref_squeeze %dma_wait3A_496 : memref<1x!tpu.dma_semaphore, #tpu.memory_space<semaphore_mem>> -> memref<!tpu.dma_semaphore, #tpu.memory_space<semaphore_mem>>
        %dma_wait3A_498 = arith.constant 0 : i32
        %dma_wait3A_499 = arith.constant 0 : i32
        %dma_wait3A_500 = arith.constant 0 : i32
        %dma_wait3A_501 = tpu.memref_slice %arg5[%add3A_226, %dma_wait3A_498, %add3A, %dma_wait3A_499, %dma_wait3A_500] : memref<200x8x32x8x128xf32, #tpu.memory_space<hbm>> -> memref<1x8x1x8x128xf32, #tpu.memory_space<hbm>>
        %dma_wait3A_502 = tpu.memref_squeeze %dma_wait3A_501 : memref<1x8x1x8x128xf32, #tpu.memory_space<hbm>> -> memref<8x8x128xf32, #tpu.memory_space<hbm>>
        %dma_wait3A_503 = arith.constant 0 : i32
        %dma_wait3A_504 = arith.constant 0 : i32
        %dma_wait3A_505 = arith.constant 0 : i32
        %dma_wait3A_506 = tpu.memref_slice %arg12[%dma_wait3A_503, %dma_wait3A_504, %dma_wait3A_505] : memref<8x8x129xf32, #tpu.memory_space<vmem>> -> memref<8x8x128xf32, #tpu.memory_space<vmem>>
        tpu.wait_dma2 semaphore(%dma_wait3A_497 : memref<!tpu.dma_semaphore, #tpu.memory_space<semaphore_mem>>) src(%dma_wait3A_506 : memref<8x8x128xf32, #tpu.memory_space<vmem>>) dst(%dma_wait3A_502 : memref<8x8x128xf32, #tpu.memory_space<hbm>>)
      } else {
      }
      %dma_start3A_264 = arith.constant 0 : i32
      %dma_start3A_265 = arith.constant 0 : i32
      %dma_start3A_266 = arith.constant 0 : i32
      %dma_start3A_267 = arith.constant 0 : i32
      %dma_start3A_268 = tpu.memref_slice %arg12[%dma_start3A_265, %dma_start3A_266, %dma_start3A_267] : memref<8x8x129xf32, #tpu.memory_space<vmem>> -> memref<8x8x128xf32, #tpu.memory_space<vmem>>
      %dma_start3A_269 = arith.constant 0 : i32
      %dma_start3A_270 = arith.constant 0 : i32
      %dma_start3A_271 = arith.constant 0 : i32
      %dma_start3A_272 = tpu.memref_slice %arg5[%add3A_226, %dma_start3A_269, %add3A, %dma_start3A_270, %dma_start3A_271] : memref<200x8x32x8x128xf32, #tpu.memory_space<hbm>> -> memref<1x8x1x8x128xf32, #tpu.memory_space<hbm>>
      %dma_start3A_273 = tpu.memref_squeeze %dma_start3A_272 : memref<1x8x1x8x128xf32, #tpu.memory_space<hbm>> -> memref<8x8x128xf32, #tpu.memory_space<hbm>>
      %dma_start3A_274 = tpu.memref_slice %arg17[%dma_start3A_264] : memref<4x!tpu.dma_semaphore, #tpu.memory_space<semaphore_mem>> -> memref<1x!tpu.dma_semaphore, #tpu.memory_space<semaphore_mem>>
      %dma_start3A_275 = tpu.memref_squeeze %dma_start3A_274 : memref<1x!tpu.dma_semaphore, #tpu.memory_space<semaphore_mem>> -> memref<!tpu.dma_semaphore, #tpu.memory_space<semaphore_mem>>
      %dma_start3A_276 = arith.constant 0 : i32
      %dma_start3A_277 = arith.constant 0 : i32
      %dma_start3A_278 = arith.constant 0 : i32
      %dma_start3A_279 = tpu.memref_slice %arg5[%add3A_226, %dma_start3A_276, %add3A, %dma_start3A_277, %dma_start3A_278] : memref<200x8x32x8x128xf32, #tpu.memory_space<hbm>> -> memref<1x8x1x8x128xf32, #tpu.memory_space<hbm>>
      %dma_start3A_280 = tpu.memref_squeeze %dma_start3A_279 : memref<1x8x1x8x128xf32, #tpu.memory_space<hbm>> -> memref<8x8x128xf32, #tpu.memory_space<hbm>>
      %dma_start3A_281 = arith.constant 0 : i32
      %dma_start3A_282 = arith.constant 0 : i32
      %dma_start3A_283 = arith.constant 0 : i32
      %dma_start3A_284 = tpu.memref_slice %arg12[%dma_start3A_281, %dma_start3A_282, %dma_start3A_283] : memref<8x8x129xf32, #tpu.memory_space<vmem>> -> memref<8x8x128xf32, #tpu.memory_space<vmem>>
      tpu.enqueue_dma source(%dma_start3A_284 : memref<8x8x128xf32, #tpu.memory_space<vmem>>) target(%dma_start3A_280 : memref<8x8x128xf32, #tpu.memory_space<hbm>>) target_semaphore(%dma_start3A_275 : memref<!tpu.dma_semaphore, #tpu.memory_space<semaphore_mem>>)
      %mul3A_285 = arith.constant 4 : i32
      %mul3A_286 = arith.muli %scan3A_222, %mul3A_285 : i32
      %add3A_287 = arith.constant 1 : i32
      %add3A_288 = arith.addi %mul3A_286, %add3A_287 : i32
      %dma_wait3A_289 = arith.constant 1 : i32
      %dma_wait3A_290 = arith.constant 0 : i32
      %dma_wait3A_291 = tpu.memref_slice %arg6[%add3A_288, %dma_wait3A_290] : memref<200x128xi32, #tpu.memory_space<vmem>> -> memref<1x128xi32, #tpu.memory_space<vmem>>
      %dma_wait3A_292 = tpu.memref_squeeze %dma_wait3A_291 : memref<1x128xi32, #tpu.memory_space<vmem>> -> memref<128xi32, #tpu.memory_space<vmem>>
      %dma_wait3A_293 = arith.constant 0 : i32
      %dma_wait3A_294 = arith.constant 0 : i32
      %dma_wait3A_295 = tpu.memref_slice %arg3[%dma_wait3A_293, %dma_wait3A_294] : memref<1000000x64xf32, #tpu.memory_space<hbm>> -> memref<1000000x64xf32, #tpu.memory_space<hbm>>
      %dma_wait3A_296 = tpu.memref_slice %arg16[%dma_wait3A_289] : memref<4x!tpu.dma_semaphore, #tpu.memory_space<semaphore_mem>> -> memref<1x!tpu.dma_semaphore, #tpu.memory_space<semaphore_mem>>
      %dma_wait3A_297 = tpu.memref_squeeze %dma_wait3A_296 : memref<1x!tpu.dma_semaphore, #tpu.memory_space<semaphore_mem>> -> memref<!tpu.dma_semaphore, #tpu.memory_space<semaphore_mem>>
      tpu.wait_indirect_dma semaphore(%dma_wait3A_297 : memref<!tpu.dma_semaphore, #tpu.memory_space<semaphore_mem>>) src(%dma_wait3A_295 : memref<1000000x64xf32, #tpu.memory_space<hbm>>) dst(%arg9 : memref<128x64xf32, #tpu.memory_space<vmem>>)
      %get3A_298 = arith.index_cast %add3A_288 : i32 to index
      %get3A_299 = arith.constant 0 : index
      %get3A_300 = tpu.vector_load %arg7[%get3A_298, %get3A_299] {strides = array<i32>} : memref<200x64xf32, #tpu.memory_space<vmem>>, vector<16xf32>,
      %get3A_301 = arith.index_cast %add3A_288 : i32 to index
      %get3A_302 = arith.constant 16 : index
      %get3A_303 = tpu.vector_load %arg7[%get3A_301, %get3A_302] {strides = array<i32>} : memref<200x64xf32, #tpu.memory_space<vmem>>, vector<16xf32>,
      %get3A_304 = arith.index_cast %add3A_288 : i32 to index
      %get3A_305 = arith.constant 32 : index
      %get3A_306 = tpu.vector_load %arg7[%get3A_304, %get3A_305] {strides = array<i32>} : memref<200x64xf32, #tpu.memory_space<vmem>>, vector<16xf32>,
      %get3A_307 = arith.index_cast %add3A_288 : i32 to index
      %get3A_308 = arith.constant 48 : index
      %get3A_309 = tpu.vector_load %arg7[%get3A_307, %get3A_308] {strides = array<i32>} : memref<200x64xf32, #tpu.memory_space<vmem>>, vector<16xf32>,
      %parallel_loop3A_310 = arith.constant 0 : i32
      %parallel_loop3A_311 = arith.constant 128 : i32
      %parallel_loop3A_312 = arith.constant 1 : i32
      scf.for %parallel_loop3A_486 = %parallel_loop3A_310 to %parallel_loop3A_311 step %parallel_loop3A_312  : i32 {
        %parallel_loop3A_487 = vector.broadcast %parallel_loop3A_486 : i32 to vector<16xi32>
        %parallel_loop3A_488 = arith.index_cast %parallel_loop3A_486 : i32 to index
        %parallel_loop3A_489 = arith.constant 0 : index
        %parallel_loop3A_490 = tpu.vector_load %arg9[%parallel_loop3A_488, %parallel_loop3A_489] {strides = array<i32>} : memref<128x64xf32, #tpu.memory_space<vmem>>, vector<16xf32>,
        %parallel_loop3A_491 = arith.addf %parallel_loop3A_490, %get3A_300 : vector<16xf32>
        tpu.vector_store_idx %arg13[%shift_right_arithmetic3A_9, %and3A_32, %parallel_loop3A_487], %parallel_loop3A_491 : memref<8x8x129xf32, #tpu.memory_space<vmem>>[vector<16xi32>, vector<16xi32>, vector<16xi32>], vector<16xf32>,
        %parallel_loop3A_492 = arith.index_cast %parallel_loop3A_486 : i32 to index
        %parallel_loop3A_493 = arith.constant 16 : index
        %parallel_loop3A_494 = tpu.vector_load %arg9[%parallel_loop3A_492, %parallel_loop3A_493] {strides = array<i32>} : memref<128x64xf32, #tpu.memory_space<vmem>>, vector<16xf32>,
        %parallel_loop3A_495 = arith.addf %parallel_loop3A_494, %get3A_303 : vector<16xf32>
        tpu.vector_store_idx %arg13[%shift_right_arithmetic3A_15, %and3A_38, %parallel_loop3A_487], %parallel_loop3A_495 : memref<8x8x129xf32, #tpu.memory_space<vmem>>[vector<16xi32>, vector<16xi32>, vector<16xi32>], vector<16xf32>,
        %parallel_loop3A_496 = arith.index_cast %parallel_loop3A_486 : i32 to index
        %parallel_loop3A_497 = arith.constant 32 : index
        %parallel_loop3A_498 = tpu.vector_load %arg9[%parallel_loop3A_496, %parallel_loop3A_497] {strides = array<i32>} : memref<128x64xf32, #tpu.memory_space<vmem>>, vector<16xf32>,
        %parallel_loop3A_499 = arith.addf %parallel_loop3A_498, %get3A_306 : vector<16xf32>
        tpu.vector_store_idx %arg13[%shift_right_arithmetic3A_21, %and3A_44, %parallel_loop3A_487], %parallel_loop3A_499 : memref<8x8x129xf32, #tpu.memory_space<vmem>>[vector<16xi32>, vector<16xi32>, vector<16xi32>], vector<16xf32>,
        %parallel_loop3A_500 = arith.index_cast %parallel_loop3A_486 : i32 to index
        %parallel_loop3A_501 = arith.constant 48 : index
        %parallel_loop3A_502 = tpu.vector_load %arg9[%parallel_loop3A_500, %parallel_loop3A_501] {strides = array<i32>} : memref<128x64xf32, #tpu.memory_space<vmem>>, vector<16xf32>,
        %parallel_loop3A_503 = arith.addf %parallel_loop3A_502, %get3A_309 : vector<16xf32>
        tpu.vector_store_idx %arg13[%shift_right_arithmetic3A_27, %and3A_50, %parallel_loop3A_487], %parallel_loop3A_503 : memref<8x8x129xf32, #tpu.memory_space<vmem>>[vector<16xi32>, vector<16xi32>, vector<16xi32>], vector<16xf32>,
      } {sc.loop_unroll_factor = 8 : i64, sc.parallel_access}
      %add3A_313 = arith.constant 4 : i32
      %add3A_314 = arith.addi %add3A_288, %add3A_313 : i32
      %rem3A_315 = arith.constant 200 : i32
      %rem3A_316 = arith.remsi %add3A_314, %rem3A_315 : i32
      %dma_start3A_317 = arith.constant 1 : i32
      %dma_start3A_318 = arith.constant 0 : i32
      %dma_start3A_319 = tpu.memref_slice %arg6[%rem3A_316, %dma_start3A_318] : memref<200x128xi32, #tpu.memory_space<vmem>> -> memref<1x128xi32, #tpu.memory_space<vmem>>
      %dma_start3A_320 = tpu.memref_squeeze %dma_start3A_319 : memref<1x128xi32, #tpu.memory_space<vmem>> -> memref<128xi32, #tpu.memory_space<vmem>>
      %dma_start3A_321 = arith.constant 0 : i32
      %dma_start3A_322 = arith.constant 0 : i32
      %dma_start3A_323 = tpu.memref_slice %arg3[%dma_start3A_321, %dma_start3A_322] : memref<1000000x64xf32, #tpu.memory_space<hbm>> -> memref<1000000x64xf32, #tpu.memory_space<hbm>>
      %dma_start3A_324 = tpu.memref_slice %arg16[%dma_start3A_317] : memref<4x!tpu.dma_semaphore, #tpu.memory_space<semaphore_mem>> -> memref<1x!tpu.dma_semaphore, #tpu.memory_space<semaphore_mem>>
      %dma_start3A_325 = tpu.memref_squeeze %dma_start3A_324 : memref<1x!tpu.dma_semaphore, #tpu.memory_space<semaphore_mem>> -> memref<!tpu.dma_semaphore, #tpu.memory_space<semaphore_mem>>
      tpu.enqueue_indirect_dma source(%dma_start3A_323 : memref<1000000x64xf32, #tpu.memory_space<hbm>>) target(%arg9 : memref<128x64xf32, #tpu.memory_space<vmem>>) offsets(%dma_start3A_320 : memref<128xi32, #tpu.memory_space<vmem>>) semaphore(%dma_start3A_325 : memref<!tpu.dma_semaphore, #tpu.memory_space<semaphore_mem>>)
      %gt3A_326 = arith.constant 0 : i32
      %gt3A_327 = arith.cmpi sgt, %scan3A_222, %gt3A_326 : i32
      %convert_element_type3A_328 = arith.extui %gt3A_327 : i1 to i32
      %cond3A_329 = arith.constant 0 : i32
      %cond3A_330 = arith.cmpi ne, %convert_element_type3A_328, %cond3A_329 : i32
      scf.if %cond3A_330 {
        %dma_wait3A_486 = arith.constant 1 : i32
        %dma_wait3A_487 = arith.constant 0 : i32
        %dma_wait3A_488 = arith.constant 0 : i32
        %dma_wait3A_489 = arith.constant 0 : i32
        %dma_wait3A_490 = tpu.memref_slice %arg13[%dma_wait3A_487, %dma_wait3A_488, %dma_wait3A_489] : memref<8x8x129xf32, #tpu.memory_space<vmem>> -> memref<8x8x128xf32, #tpu.memory_space<vmem>>
        %dma_wait3A_491 = arith.constant 0 : i32
        %dma_wait3A_492 = arith.constant 0 : i32
        %dma_wait3A_493 = arith.constant 0 : i32
        %dma_wait3A_494 = tpu.memref_slice %arg5[%add3A_288, %dma_wait3A_491, %add3A, %dma_wait3A_492, %dma_wait3A_493] : memref<200x8x32x8x128xf32, #tpu.memory_space<hbm>> -> memref<1x8x1x8x128xf32, #tpu.memory_space<hbm>>
        %dma_wait3A_495 = tpu.memref_squeeze %dma_wait3A_494 : memref<1x8x1x8x128xf32, #tpu.memory_space<hbm>> -> memref<8x8x128xf32, #tpu.memory_space<hbm>>
        %dma_wait3A_496 = tpu.memref_slice %arg17[%dma_wait3A_486] : memref<4x!tpu.dma_semaphore, #tpu.memory_space<semaphore_mem>> -> memref<1x!tpu.dma_semaphore, #tpu.memory_space<semaphore_mem>>
        %dma_wait3A_497 = tpu.memref_squeeze %dma_wait3A_496 : memref<1x!tpu.dma_semaphore, #tpu.memory_space<semaphore_mem>> -> memref<!tpu.dma_semaphore, #tpu.memory_space<semaphore_mem>>
        %dma_wait3A_498 = arith.constant 0 : i32
        %dma_wait3A_499 = arith.constant 0 : i32
        %dma_wait3A_500 = arith.constant 0 : i32
        %dma_wait3A_501 = tpu.memref_slice %arg5[%add3A_288, %dma_wait3A_498, %add3A, %dma_wait3A_499, %dma_wait3A_500] : memref<200x8x32x8x128xf32, #tpu.memory_space<hbm>> -> memref<1x8x1x8x128xf32, #tpu.memory_space<hbm>>
        %dma_wait3A_502 = tpu.memref_squeeze %dma_wait3A_501 : memref<1x8x1x8x128xf32, #tpu.memory_space<hbm>> -> memref<8x8x128xf32, #tpu.memory_space<hbm>>
        %dma_wait3A_503 = arith.constant 0 : i32
        %dma_wait3A_504 = arith.constant 0 : i32
        %dma_wait3A_505 = arith.constant 0 : i32
        %dma_wait3A_506 = tpu.memref_slice %arg13[%dma_wait3A_503, %dma_wait3A_504, %dma_wait3A_505] : memref<8x8x129xf32, #tpu.memory_space<vmem>> -> memref<8x8x128xf32, #tpu.memory_space<vmem>>
        tpu.wait_dma2 semaphore(%dma_wait3A_497 : memref<!tpu.dma_semaphore, #tpu.memory_space<semaphore_mem>>) src(%dma_wait3A_506 : memref<8x8x128xf32, #tpu.memory_space<vmem>>) dst(%dma_wait3A_502 : memref<8x8x128xf32, #tpu.memory_space<hbm>>)
      } else {
      }
      %dma_start3A_331 = arith.constant 1 : i32
      %dma_start3A_332 = arith.constant 0 : i32
      %dma_start3A_333 = arith.constant 0 : i32
      %dma_start3A_334 = arith.constant 0 : i32
      %dma_start3A_335 = tpu.memref_slice %arg13[%dma_start3A_332, %dma_start3A_333, %dma_start3A_334] : memref<8x8x129xf32, #tpu.memory_space<vmem>> -> memref<8x8x128xf32, #tpu.memory_space<vmem>>
      %dma_start3A_336 = arith.constant 0 : i32
      %dma_start3A_337 = arith.constant 0 : i32
      %dma_start3A_338 = arith.constant 0 : i32
      %dma_start3A_339 = tpu.memref_slice %arg5[%add3A_288, %dma_start3A_336, %add3A, %dma_start3A_337, %dma_start3A_338] : memref<200x8x32x8x128xf32, #tpu.memory_space<hbm>> -> memref<1x8x1x8x128xf32, #tpu.memory_space<hbm>>
      %dma_start3A_340 = tpu.memref_squeeze %dma_start3A_339 : memref<1x8x1x8x128xf32, #tpu.memory_space<hbm>> -> memref<8x8x128xf32, #tpu.memory_space<hbm>>
      %dma_start3A_341 = tpu.memref_slice %arg17[%dma_start3A_331] : memref<4x!tpu.dma_semaphore, #tpu.memory_space<semaphore_mem>> -> memref<1x!tpu.dma_semaphore, #tpu.memory_space<semaphore_mem>>
      %dma_start3A_342 = tpu.memref_squeeze %dma_start3A_341 : memref<1x!tpu.dma_semaphore, #tpu.memory_space<semaphore_mem>> -> memref<!tpu.dma_semaphore, #tpu.memory_space<semaphore_mem>>
      %dma_start3A_343 = arith.constant 0 : i32
      %dma_start3A_344 = arith.constant 0 : i32
      %dma_start3A_345 = arith.constant 0 : i32
      %dma_start3A_346 = tpu.memref_slice %arg5[%add3A_288, %dma_start3A_343, %add3A, %dma_start3A_344, %dma_start3A_345] : memref<200x8x32x8x128xf32, #tpu.memory_space<hbm>> -> memref<1x8x1x8x128xf32, #tpu.memory_space<hbm>>
      %dma_start3A_347 = tpu.memref_squeeze %dma_start3A_346 : memref<1x8x1x8x128xf32, #tpu.memory_space<hbm>> -> memref<8x8x128xf32, #tpu.memory_space<hbm>>
      %dma_start3A_348 = arith.constant 0 : i32
      %dma_start3A_349 = arith.constant 0 : i32
      %dma_start3A_350 = arith.constant 0 : i32
      %dma_start3A_351 = tpu.memref_slice %arg13[%dma_start3A_348, %dma_start3A_349, %dma_start3A_350] : memref<8x8x129xf32, #tpu.memory_space<vmem>> -> memref<8x8x128xf32, #tpu.memory_space<vmem>>
      tpu.enqueue_dma source(%dma_start3A_351 : memref<8x8x128xf32, #tpu.memory_space<vmem>>) target(%dma_start3A_347 : memref<8x8x128xf32, #tpu.memory_space<hbm>>) target_semaphore(%dma_start3A_342 : memref<!tpu.dma_semaphore, #tpu.memory_space<semaphore_mem>>)
      %mul3A_352 = arith.constant 4 : i32
      %mul3A_353 = arith.muli %scan3A_222, %mul3A_352 : i32
      %add3A_354 = arith.constant 2 : i32
      %add3A_355 = arith.addi %mul3A_353, %add3A_354 : i32
      %dma_wait3A_356 = arith.constant 2 : i32
      %dma_wait3A_357 = arith.constant 0 : i32
      %dma_wait3A_358 = tpu.memref_slice %arg6[%add3A_355, %dma_wait3A_357] : memref<200x128xi32, #tpu.memory_space<vmem>> -> memref<1x128xi32, #tpu.memory_space<vmem>>
      %dma_wait3A_359 = tpu.memref_squeeze %dma_wait3A_358 : memref<1x128xi32, #tpu.memory_space<vmem>> -> memref<128xi32, #tpu.memory_space<vmem>>
      %dma_wait3A_360 = arith.constant 0 : i32
      %dma_wait3A_361 = arith.constant 0 : i32
      %dma_wait3A_362 = tpu.memref_slice %arg3[%dma_wait3A_360, %dma_wait3A_361] : memref<1000000x64xf32, #tpu.memory_space<hbm>> -> memref<1000000x64xf32, #tpu.memory_space<hbm>>
      %dma_wait3A_363 = tpu.memref_slice %arg16[%dma_wait3A_356] : memref<4x!tpu.dma_semaphore, #tpu.memory_space<semaphore_mem>> -> memref<1x!tpu.dma_semaphore, #tpu.memory_space<semaphore_mem>>
      %dma_wait3A_364 = tpu.memref_squeeze %dma_wait3A_363 : memref<1x!tpu.dma_semaphore, #tpu.memory_space<semaphore_mem>> -> memref<!tpu.dma_semaphore, #tpu.memory_space<semaphore_mem>>
      tpu.wait_indirect_dma semaphore(%dma_wait3A_364 : memref<!tpu.dma_semaphore, #tpu.memory_space<semaphore_mem>>) src(%dma_wait3A_362 : memref<1000000x64xf32, #tpu.memory_space<hbm>>) dst(%arg10 : memref<128x64xf32, #tpu.memory_space<vmem>>)
      %get3A_365 = arith.index_cast %add3A_355 : i32 to index
      %get3A_366 = arith.constant 0 : index
      %get3A_367 = tpu.vector_load %arg7[%get3A_365, %get3A_366] {strides = array<i32>} : memref<200x64xf32, #tpu.memory_space<vmem>>, vector<16xf32>,
      %get3A_368 = arith.index_cast %add3A_355 : i32 to index
      %get3A_369 = arith.constant 16 : index
      %get3A_370 = tpu.vector_load %arg7[%get3A_368, %get3A_369] {strides = array<i32>} : memref<200x64xf32, #tpu.memory_space<vmem>>, vector<16xf32>,
      %get3A_371 = arith.index_cast %add3A_355 : i32 to index
      %get3A_372 = arith.constant 32 : index
      %get3A_373 = tpu.vector_load %arg7[%get3A_371, %get3A_372] {strides = array<i32>} : memref<200x64xf32, #tpu.memory_space<vmem>>, vector<16xf32>,
      %get3A_374 = arith.index_cast %add3A_355 : i32 to index
      %get3A_375 = arith.constant 48 : index
      %get3A_376 = tpu.vector_load %arg7[%get3A_374, %get3A_375] {strides = array<i32>} : memref<200x64xf32, #tpu.memory_space<vmem>>, vector<16xf32>,
      %parallel_loop3A_377 = arith.constant 0 : i32
      %parallel_loop3A_378 = arith.constant 128 : i32
      %parallel_loop3A_379 = arith.constant 1 : i32
      scf.for %parallel_loop3A_486 = %parallel_loop3A_377 to %parallel_loop3A_378 step %parallel_loop3A_379  : i32 {
        %parallel_loop3A_487 = vector.broadcast %parallel_loop3A_486 : i32 to vector<16xi32>
        %parallel_loop3A_488 = arith.index_cast %parallel_loop3A_486 : i32 to index
        %parallel_loop3A_489 = arith.constant 0 : index
        %parallel_loop3A_490 = tpu.vector_load %arg10[%parallel_loop3A_488, %parallel_loop3A_489] {strides = array<i32>} : memref<128x64xf32, #tpu.memory_space<vmem>>, vector<16xf32>,
        %parallel_loop3A_491 = arith.addf %parallel_loop3A_490, %get3A_367 : vector<16xf32>
        tpu.vector_store_idx %arg14[%shift_right_arithmetic3A_9, %and3A_32, %parallel_loop3A_487], %parallel_loop3A_491 : memref<8x8x129xf32, #tpu.memory_space<vmem>>[vector<16xi32>, vector<16xi32>, vector<16xi32>], vector<16xf32>,
        %parallel_loop3A_492 = arith.index_cast %parallel_loop3A_486 : i32 to index
        %parallel_loop3A_493 = arith.constant 16 : index
        %parallel_loop3A_494 = tpu.vector_load %arg10[%parallel_loop3A_492, %parallel_loop3A_493] {strides = array<i32>} : memref<128x64xf32, #tpu.memory_space<vmem>>, vector<16xf32>,
        %parallel_loop3A_495 = arith.addf %parallel_loop3A_494, %get3A_370 : vector<16xf32>
        tpu.vector_store_idx %arg14[%shift_right_arithmetic3A_15, %and3A_38, %parallel_loop3A_487], %parallel_loop3A_495 : memref<8x8x129xf32, #tpu.memory_space<vmem>>[vector<16xi32>, vector<16xi32>, vector<16xi32>], vector<16xf32>,
        %parallel_loop3A_496 = arith.index_cast %parallel_loop3A_486 : i32 to index
        %parallel_loop3A_497 = arith.constant 32 : index
        %parallel_loop3A_498 = tpu.vector_load %arg10[%parallel_loop3A_496, %parallel_loop3A_497] {strides = array<i32>} : memref<128x64xf32, #tpu.memory_space<vmem>>, vector<16xf32>,
        %parallel_loop3A_499 = arith.addf %parallel_loop3A_498, %get3A_373 : vector<16xf32>
        tpu.vector_store_idx %arg14[%shift_right_arithmetic3A_21, %and3A_44, %parallel_loop3A_487], %parallel_loop3A_499 : memref<8x8x129xf32, #tpu.memory_space<vmem>>[vector<16xi32>, vector<16xi32>, vector<16xi32>], vector<16xf32>,
        %parallel_loop3A_500 = arith.index_cast %parallel_loop3A_486 : i32 to index
        %parallel_loop3A_501 = arith.constant 48 : index
        %parallel_loop3A_502 = tpu.vector_load %arg10[%parallel_loop3A_500, %parallel_loop3A_501] {strides = array<i32>} : memref<128x64xf32, #tpu.memory_space<vmem>>, vector<16xf32>,
        %parallel_loop3A_503 = arith.addf %parallel_loop3A_502, %get3A_376 : vector<16xf32>
        tpu.vector_store_idx %arg14[%shift_right_arithmetic3A_27, %and3A_50, %parallel_loop3A_487], %parallel_loop3A_503 : memref<8x8x129xf32, #tpu.memory_space<vmem>>[vector<16xi32>, vector<16xi32>, vector<16xi32>], vector<16xf32>,
      } {sc.loop_unroll_factor = 8 : i64, sc.parallel_access}
      %add3A_380 = arith.constant 4 : i32
      %add3A_381 = arith.addi %add3A_355, %add3A_380 : i32
      %rem3A_382 = arith.constant 200 : i32
      %rem3A_383 = arith.remsi %add3A_381, %rem3A_382 : i32
      %dma_start3A_384 = arith.constant 2 : i32
      %dma_start3A_385 = arith.constant 0 : i32
      %dma_start3A_386 = tpu.memref_slice %arg6[%rem3A_383, %dma_start3A_385] : memref<200x128xi32, #tpu.memory_space<vmem>> -> memref<1x128xi32, #tpu.memory_space<vmem>>
      %dma_start3A_387 = tpu.memref_squeeze %dma_start3A_386 : memref<1x128xi32, #tpu.memory_space<vmem>> -> memref<128xi32, #tpu.memory_space<vmem>>
      %dma_start3A_388 = arith.constant 0 : i32
      %dma_start3A_389 = arith.constant 0 : i32
      %dma_start3A_390 = tpu.memref_slice %arg3[%dma_start3A_388, %dma_start3A_389] : memref<1000000x64xf32, #tpu.memory_space<hbm>> -> memref<1000000x64xf32, #tpu.memory_space<hbm>>
      %dma_start3A_391 = tpu.memref_slice %arg16[%dma_start3A_384] : memref<4x!tpu.dma_semaphore, #tpu.memory_space<semaphore_mem>> -> memref<1x!tpu.dma_semaphore, #tpu.memory_space<semaphore_mem>>
      %dma_start3A_392 = tpu.memref_squeeze %dma_start3A_391 : memref<1x!tpu.dma_semaphore, #tpu.memory_space<semaphore_mem>> -> memref<!tpu.dma_semaphore, #tpu.memory_space<semaphore_mem>>
      tpu.enqueue_indirect_dma source(%dma_start3A_390 : memref<1000000x64xf32, #tpu.memory_space<hbm>>) target(%arg10 : memref<128x64xf32, #tpu.memory_space<vmem>>) offsets(%dma_start3A_387 : memref<128xi32, #tpu.memory_space<vmem>>) semaphore(%dma_start3A_392 : memref<!tpu.dma_semaphore, #tpu.memory_space<semaphore_mem>>)
      %gt3A_393 = arith.constant 0 : i32
      %gt3A_394 = arith.cmpi sgt, %scan3A_222, %gt3A_393 : i32
      %convert_element_type3A_395 = arith.extui %gt3A_394 : i1 to i32
      %cond3A_396 = arith.constant 0 : i32
      %cond3A_397 = arith.cmpi ne, %convert_element_type3A_395, %cond3A_396 : i32
      scf.if %cond3A_397 {
        %dma_wait3A_486 = arith.constant 2 : i32
        %dma_wait3A_487 = arith.constant 0 : i32
        %dma_wait3A_488 = arith.constant 0 : i32
        %dma_wait3A_489 = arith.constant 0 : i32
        %dma_wait3A_490 = tpu.memref_slice %arg14[%dma_wait3A_487, %dma_wait3A_488, %dma_wait3A_489] : memref<8x8x129xf32, #tpu.memory_space<vmem>> -> memref<8x8x128xf32, #tpu.memory_space<vmem>>
        %dma_wait3A_491 = arith.constant 0 : i32
        %dma_wait3A_492 = arith.constant 0 : i32
        %dma_wait3A_493 = arith.constant 0 : i32
        %dma_wait3A_494 = tpu.memref_slice %arg5[%add3A_355, %dma_wait3A_491, %add3A, %dma_wait3A_492, %dma_wait3A_493] : memref<200x8x32x8x128xf32, #tpu.memory_space<hbm>> -> memref<1x8x1x8x128xf32, #tpu.memory_space<hbm>>
        %dma_wait3A_495 = tpu.memref_squeeze %dma_wait3A_494 : memref<1x8x1x8x128xf32, #tpu.memory_space<hbm>> -> memref<8x8x128xf32, #tpu.memory_space<hbm>>
        %dma_wait3A_496 = tpu.memref_slice %arg17[%dma_wait3A_486] : memref<4x!tpu.dma_semaphore, #tpu.memory_space<semaphore_mem>> -> memref<1x!tpu.dma_semaphore, #tpu.memory_space<semaphore_mem>>
        %dma_wait3A_497 = tpu.memref_squeeze %dma_wait3A_496 : memref<1x!tpu.dma_semaphore, #tpu.memory_space<semaphore_mem>> -> memref<!tpu.dma_semaphore, #tpu.memory_space<semaphore_mem>>
        %dma_wait3A_498 = arith.constant 0 : i32
        %dma_wait3A_499 = arith.constant 0 : i32
        %dma_wait3A_500 = arith.constant 0 : i32
        %dma_wait3A_501 = tpu.memref_slice %arg5[%add3A_355, %dma_wait3A_498, %add3A, %dma_wait3A_499, %dma_wait3A_500] : memref<200x8x32x8x128xf32, #tpu.memory_space<hbm>> -> memref<1x8x1x8x128xf32, #tpu.memory_space<hbm>>
        %dma_wait3A_502 = tpu.memref_squeeze %dma_wait3A_501 : memref<1x8x1x8x128xf32, #tpu.memory_space<hbm>> -> memref<8x8x128xf32, #tpu.memory_space<hbm>>
        %dma_wait3A_503 = arith.constant 0 : i32
        %dma_wait3A_504 = arith.constant 0 : i32
        %dma_wait3A_505 = arith.constant 0 : i32
        %dma_wait3A_506 = tpu.memref_slice %arg14[%dma_wait3A_503, %dma_wait3A_504, %dma_wait3A_505] : memref<8x8x129xf32, #tpu.memory_space<vmem>> -> memref<8x8x128xf32, #tpu.memory_space<vmem>>
        tpu.wait_dma2 semaphore(%dma_wait3A_497 : memref<!tpu.dma_semaphore, #tpu.memory_space<semaphore_mem>>) src(%dma_wait3A_506 : memref<8x8x128xf32, #tpu.memory_space<vmem>>) dst(%dma_wait3A_502 : memref<8x8x128xf32, #tpu.memory_space<hbm>>)
      } else {
      }
      %dma_start3A_398 = arith.constant 2 : i32
      %dma_start3A_399 = arith.constant 0 : i32
      %dma_start3A_400 = arith.constant 0 : i32
      %dma_start3A_401 = arith.constant 0 : i32
      %dma_start3A_402 = tpu.memref_slice %arg14[%dma_start3A_399, %dma_start3A_400, %dma_start3A_401] : memref<8x8x129xf32, #tpu.memory_space<vmem>> -> memref<8x8x128xf32, #tpu.memory_space<vmem>>
      %dma_start3A_403 = arith.constant 0 : i32
      %dma_start3A_404 = arith.constant 0 : i32
      %dma_start3A_405 = arith.constant 0 : i32
      %dma_start3A_406 = tpu.memref_slice %arg5[%add3A_355, %dma_start3A_403, %add3A, %dma_start3A_404, %dma_start3A_405] : memref<200x8x32x8x128xf32, #tpu.memory_space<hbm>> -> memref<1x8x1x8x128xf32, #tpu.memory_space<hbm>>
      %dma_start3A_407 = tpu.memref_squeeze %dma_start3A_406 : memref<1x8x1x8x128xf32, #tpu.memory_space<hbm>> -> memref<8x8x128xf32, #tpu.memory_space<hbm>>
      %dma_start3A_408 = tpu.memref_slice %arg17[%dma_start3A_398] : memref<4x!tpu.dma_semaphore, #tpu.memory_space<semaphore_mem>> -> memref<1x!tpu.dma_semaphore, #tpu.memory_space<semaphore_mem>>
      %dma_start3A_409 = tpu.memref_squeeze %dma_start3A_408 : memref<1x!tpu.dma_semaphore, #tpu.memory_space<semaphore_mem>> -> memref<!tpu.dma_semaphore, #tpu.memory_space<semaphore_mem>>
      %dma_start3A_410 = arith.constant 0 : i32
      %dma_start3A_411 = arith.constant 0 : i32
      %dma_start3A_412 = arith.constant 0 : i32
      %dma_start3A_413 = tpu.memref_slice %arg5[%add3A_355, %dma_start3A_410, %add3A, %dma_start3A_411, %dma_start3A_412] : memref<200x8x32x8x128xf32, #tpu.memory_space<hbm>> -> memref<1x8x1x8x128xf32, #tpu.memory_space<hbm>>
      %dma_start3A_414 = tpu.memref_squeeze %dma_start3A_413 : memref<1x8x1x8x128xf32, #tpu.memory_space<hbm>> -> memref<8x8x128xf32, #tpu.memory_space<hbm>>
      %dma_start3A_415 = arith.constant 0 : i32
      %dma_start3A_416 = arith.constant 0 : i32
      %dma_start3A_417 = arith.constant 0 : i32
      %dma_start3A_418 = tpu.memref_slice %arg14[%dma_start3A_415, %dma_start3A_416, %dma_start3A_417] : memref<8x8x129xf32, #tpu.memory_space<vmem>> -> memref<8x8x128xf32, #tpu.memory_space<vmem>>
      tpu.enqueue_dma source(%dma_start3A_418 : memref<8x8x128xf32, #tpu.memory_space<vmem>>) target(%dma_start3A_414 : memref<8x8x128xf32, #tpu.memory_space<hbm>>) target_semaphore(%dma_start3A_409 : memref<!tpu.dma_semaphore, #tpu.memory_space<semaphore_mem>>)
      %mul3A_419 = arith.constant 4 : i32
      %mul3A_420 = arith.muli %scan3A_222, %mul3A_419 : i32
      %add3A_421 = arith.constant 3 : i32
      %add3A_422 = arith.addi %mul3A_420, %add3A_421 : i32
      %dma_wait3A_423 = arith.constant 3 : i32
      %dma_wait3A_424 = arith.constant 0 : i32
      %dma_wait3A_425 = tpu.memref_slice %arg6[%add3A_422, %dma_wait3A_424] : memref<200x128xi32, #tpu.memory_space<vmem>> -> memref<1x128xi32, #tpu.memory_space<vmem>>
      %dma_wait3A_426 = tpu.memref_squeeze %dma_wait3A_425 : memref<1x128xi32, #tpu.memory_space<vmem>> -> memref<128xi32, #tpu.memory_space<vmem>>
      %dma_wait3A_427 = arith.constant 0 : i32
      %dma_wait3A_428 = arith.constant 0 : i32
      %dma_wait3A_429 = tpu.memref_slice %arg3[%dma_wait3A_427, %dma_wait3A_428] : memref<1000000x64xf32, #tpu.memory_space<hbm>> -> memref<1000000x64xf32, #tpu.memory_space<hbm>>
      %dma_wait3A_430 = tpu.memref_slice %arg16[%dma_wait3A_423] : memref<4x!tpu.dma_semaphore, #tpu.memory_space<semaphore_mem>> -> memref<1x!tpu.dma_semaphore, #tpu.memory_space<semaphore_mem>>
      %dma_wait3A_431 = tpu.memref_squeeze %dma_wait3A_430 : memref<1x!tpu.dma_semaphore, #tpu.memory_space<semaphore_mem>> -> memref<!tpu.dma_semaphore, #tpu.memory_space<semaphore_mem>>
      tpu.wait_indirect_dma semaphore(%dma_wait3A_431 : memref<!tpu.dma_semaphore, #tpu.memory_space<semaphore_mem>>) src(%dma_wait3A_429 : memref<1000000x64xf32, #tpu.memory_space<hbm>>) dst(%arg11 : memref<128x64xf32, #tpu.memory_space<vmem>>)
      %get3A_432 = arith.index_cast %add3A_422 : i32 to index
      %get3A_433 = arith.constant 0 : index
      %get3A_434 = tpu.vector_load %arg7[%get3A_432, %get3A_433] {strides = array<i32>} : memref<200x64xf32, #tpu.memory_space<vmem>>, vector<16xf32>,
      %get3A_435 = arith.index_cast %add3A_422 : i32 to index
      %get3A_436 = arith.constant 16 : index
      %get3A_437 = tpu.vector_load %arg7[%get3A_435, %get3A_436] {strides = array<i32>} : memref<200x64xf32, #tpu.memory_space<vmem>>, vector<16xf32>,
      %get3A_438 = arith.index_cast %add3A_422 : i32 to index
      %get3A_439 = arith.constant 32 : index
      %get3A_440 = tpu.vector_load %arg7[%get3A_438, %get3A_439] {strides = array<i32>} : memref<200x64xf32, #tpu.memory_space<vmem>>, vector<16xf32>,
      %get3A_441 = arith.index_cast %add3A_422 : i32 to index
      %get3A_442 = arith.constant 48 : index
      %get3A_443 = tpu.vector_load %arg7[%get3A_441, %get3A_442] {strides = array<i32>} : memref<200x64xf32, #tpu.memory_space<vmem>>, vector<16xf32>,
      %parallel_loop3A_444 = arith.constant 0 : i32
      %parallel_loop3A_445 = arith.constant 128 : i32
      %parallel_loop3A_446 = arith.constant 1 : i32
      scf.for %parallel_loop3A_486 = %parallel_loop3A_444 to %parallel_loop3A_445 step %parallel_loop3A_446  : i32 {
        %parallel_loop3A_487 = vector.broadcast %parallel_loop3A_486 : i32 to vector<16xi32>
        %parallel_loop3A_488 = arith.index_cast %parallel_loop3A_486 : i32 to index
        %parallel_loop3A_489 = arith.constant 0 : index
        %parallel_loop3A_490 = tpu.vector_load %arg11[%parallel_loop3A_488, %parallel_loop3A_489] {strides = array<i32>} : memref<128x64xf32, #tpu.memory_space<vmem>>, vector<16xf32>,
        %parallel_loop3A_491 = arith.addf %parallel_loop3A_490, %get3A_434 : vector<16xf32>
        tpu.vector_store_idx %arg15[%shift_right_arithmetic3A_9, %and3A_32, %parallel_loop3A_487], %parallel_loop3A_491 : memref<8x8x129xf32, #tpu.memory_space<vmem>>[vector<16xi32>, vector<16xi32>, vector<16xi32>], vector<16xf32>,
        %parallel_loop3A_492 = arith.index_cast %parallel_loop3A_486 : i32 to index
        %parallel_loop3A_493 = arith.constant 16 : index
        %parallel_loop3A_494 = tpu.vector_load %arg11[%parallel_loop3A_492, %parallel_loop3A_493] {strides = array<i32>} : memref<128x64xf32, #tpu.memory_space<vmem>>, vector<16xf32>,
        %parallel_loop3A_495 = arith.addf %parallel_loop3A_494, %get3A_437 : vector<16xf32>
        tpu.vector_store_idx %arg15[%shift_right_arithmetic3A_15, %and3A_38, %parallel_loop3A_487], %parallel_loop3A_495 : memref<8x8x129xf32, #tpu.memory_space<vmem>>[vector<16xi32>, vector<16xi32>, vector<16xi32>], vector<16xf32>,
        %parallel_loop3A_496 = arith.index_cast %parallel_loop3A_486 : i32 to index
        %parallel_loop3A_497 = arith.constant 32 : index
        %parallel_loop3A_498 = tpu.vector_load %arg11[%parallel_loop3A_496, %parallel_loop3A_497] {strides = array<i32>} : memref<128x64xf32, #tpu.memory_space<vmem>>, vector<16xf32>,
        %parallel_loop3A_499 = arith.addf %parallel_loop3A_498, %get3A_440 : vector<16xf32>
        tpu.vector_store_idx %arg15[%shift_right_arithmetic3A_21, %and3A_44, %parallel_loop3A_487], %parallel_loop3A_499 : memref<8x8x129xf32, #tpu.memory_space<vmem>>[vector<16xi32>, vector<16xi32>, vector<16xi32>], vector<16xf32>,
        %parallel_loop3A_500 = arith.index_cast %parallel_loop3A_486 : i32 to index
        %parallel_loop3A_501 = arith.constant 48 : index
        %parallel_loop3A_502 = tpu.vector_load %arg11[%parallel_loop3A_500, %parallel_loop3A_501] {strides = array<i32>} : memref<128x64xf32, #tpu.memory_space<vmem>>, vector<16xf32>,
        %parallel_loop3A_503 = arith.addf %parallel_loop3A_502, %get3A_443 : vector<16xf32>
        tpu.vector_store_idx %arg15[%shift_right_arithmetic3A_27, %and3A_50, %parallel_loop3A_487], %parallel_loop3A_503 : memref<8x8x129xf32, #tpu.memory_space<vmem>>[vector<16xi32>, vector<16xi32>, vector<16xi32>], vector<16xf32>,
      } {sc.loop_unroll_factor = 8 : i64, sc.parallel_access}
      %add3A_447 = arith.constant 4 : i32
      %add3A_448 = arith.addi %add3A_422, %add3A_447 : i32
      %rem3A_449 = arith.constant 200 : i32
      %rem3A_450 = arith.remsi %add3A_448, %rem3A_449 : i32
      %dma_start3A_451 = arith.constant 3 : i32
      %dma_start3A_452 = arith.constant 0 : i32
      %dma_start3A_453 = tpu.memref_slice %arg6[%rem3A_450, %dma_start3A_452] : memref<200x128xi32, #tpu.memory_space<vmem>> -> memref<1x128xi32, #tpu.memory_space<vmem>>
      %dma_start3A_454 = tpu.memref_squeeze %dma_start3A_453 : memref<1x128xi32, #tpu.memory_space<vmem>> -> memref<128xi32, #tpu.memory_space<vmem>>
      %dma_start3A_455 = arith.constant 0 : i32
      %dma_start3A_456 = arith.constant 0 : i32
      %dma_start3A_457 = tpu.memref_slice %arg3[%dma_start3A_455, %dma_start3A_456] : memref<1000000x64xf32, #tpu.memory_space<hbm>> -> memref<1000000x64xf32, #tpu.memory_space<hbm>>
      %dma_start3A_458 = tpu.memref_slice %arg16[%dma_start3A_451] : memref<4x!tpu.dma_semaphore, #tpu.memory_space<semaphore_mem>> -> memref<1x!tpu.dma_semaphore, #tpu.memory_space<semaphore_mem>>
      %dma_start3A_459 = tpu.memref_squeeze %dma_start3A_458 : memref<1x!tpu.dma_semaphore, #tpu.memory_space<semaphore_mem>> -> memref<!tpu.dma_semaphore, #tpu.memory_space<semaphore_mem>>
      tpu.enqueue_indirect_dma source(%dma_start3A_457 : memref<1000000x64xf32, #tpu.memory_space<hbm>>) target(%arg11 : memref<128x64xf32, #tpu.memory_space<vmem>>) offsets(%dma_start3A_454 : memref<128xi32, #tpu.memory_space<vmem>>) semaphore(%dma_start3A_459 : memref<!tpu.dma_semaphore, #tpu.memory_space<semaphore_mem>>)
      %gt3A_460 = arith.constant 0 : i32
      %gt3A_461 = arith.cmpi sgt, %scan3A_222, %gt3A_460 : i32
      %convert_element_type3A_462 = arith.extui %gt3A_461 : i1 to i32
      %cond3A_463 = arith.constant 0 : i32
      %cond3A_464 = arith.cmpi ne, %convert_element_type3A_462, %cond3A_463 : i32
      scf.if %cond3A_464 {
        %dma_wait3A_486 = arith.constant 3 : i32
        %dma_wait3A_487 = arith.constant 0 : i32
        %dma_wait3A_488 = arith.constant 0 : i32
        %dma_wait3A_489 = arith.constant 0 : i32
        %dma_wait3A_490 = tpu.memref_slice %arg15[%dma_wait3A_487, %dma_wait3A_488, %dma_wait3A_489] : memref<8x8x129xf32, #tpu.memory_space<vmem>> -> memref<8x8x128xf32, #tpu.memory_space<vmem>>
        %dma_wait3A_491 = arith.constant 0 : i32
        %dma_wait3A_492 = arith.constant 0 : i32
        %dma_wait3A_493 = arith.constant 0 : i32
        %dma_wait3A_494 = tpu.memref_slice %arg5[%add3A_422, %dma_wait3A_491, %add3A, %dma_wait3A_492, %dma_wait3A_493] : memref<200x8x32x8x128xf32, #tpu.memory_space<hbm>> -> memref<1x8x1x8x128xf32, #tpu.memory_space<hbm>>
        %dma_wait3A_495 = tpu.memref_squeeze %dma_wait3A_494 : memref<1x8x1x8x128xf32, #tpu.memory_space<hbm>> -> memref<8x8x128xf32, #tpu.memory_space<hbm>>
        %dma_wait3A_496 = tpu.memref_slice %arg17[%dma_wait3A_486] : memref<4x!tpu.dma_semaphore, #tpu.memory_space<semaphore_mem>> -> memref<1x!tpu.dma_semaphore, #tpu.memory_space<semaphore_mem>>
        %dma_wait3A_497 = tpu.memref_squeeze %dma_wait3A_496 : memref<1x!tpu.dma_semaphore, #tpu.memory_space<semaphore_mem>> -> memref<!tpu.dma_semaphore, #tpu.memory_space<semaphore_mem>>
        %dma_wait3A_498 = arith.constant 0 : i32
        %dma_wait3A_499 = arith.constant 0 : i32
        %dma_wait3A_500 = arith.constant 0 : i32
        %dma_wait3A_501 = tpu.memref_slice %arg5[%add3A_422, %dma_wait3A_498, %add3A, %dma_wait3A_499, %dma_wait3A_500] : memref<200x8x32x8x128xf32, #tpu.memory_space<hbm>> -> memref<1x8x1x8x128xf32, #tpu.memory_space<hbm>>
        %dma_wait3A_502 = tpu.memref_squeeze %dma_wait3A_501 : memref<1x8x1x8x128xf32, #tpu.memory_space<hbm>> -> memref<8x8x128xf32, #tpu.memory_space<hbm>>
        %dma_wait3A_503 = arith.constant 0 : i32
        %dma_wait3A_504 = arith.constant 0 : i32
        %dma_wait3A_505 = arith.constant 0 : i32
        %dma_wait3A_506 = tpu.memref_slice %arg15[%dma_wait3A_503, %dma_wait3A_504, %dma_wait3A_505] : memref<8x8x129xf32, #tpu.memory_space<vmem>> -> memref<8x8x128xf32, #tpu.memory_space<vmem>>
        tpu.wait_dma2 semaphore(%dma_wait3A_497 : memref<!tpu.dma_semaphore, #tpu.memory_space<semaphore_mem>>) src(%dma_wait3A_506 : memref<8x8x128xf32, #tpu.memory_space<vmem>>) dst(%dma_wait3A_502 : memref<8x8x128xf32, #tpu.memory_space<hbm>>)
      } else {
      }
      %dma_start3A_465 = arith.constant 3 : i32
      %dma_start3A_466 = arith.constant 0 : i32
      %dma_start3A_467 = arith.constant 0 : i32
      %dma_start3A_468 = arith.constant 0 : i32
      %dma_start3A_469 = tpu.memref_slice %arg15[%dma_start3A_466, %dma_start3A_467, %dma_start3A_468] : memref<8x8x129xf32, #tpu.memory_space<vmem>> -> memref<8x8x128xf32, #tpu.memory_space<vmem>>
      %dma_start3A_470 = arith.constant 0 : i32
      %dma_start3A_471 = arith.constant 0 : i32
      %dma_start3A_472 = arith.constant 0 : i32
      %dma_start3A_473 = tpu.memref_slice %arg5[%add3A_422, %dma_start3A_470, %add3A, %dma_start3A_471, %dma_start3A_472] : memref<200x8x32x8x128xf32, #tpu.memory_space<hbm>> -> memref<1x8x1x8x128xf32, #tpu.memory_space<hbm>>
      %dma_start3A_474 = tpu.memref_squeeze %dma_start3A_473 : memref<1x8x1x8x128xf32, #tpu.memory_space<hbm>> -> memref<8x8x128xf32, #tpu.memory_space<hbm>>
      %dma_start3A_475 = tpu.memref_slice %arg17[%dma_start3A_465] : memref<4x!tpu.dma_semaphore, #tpu.memory_space<semaphore_mem>> -> memref<1x!tpu.dma_semaphore, #tpu.memory_space<semaphore_mem>>
      %dma_start3A_476 = tpu.memref_squeeze %dma_start3A_475 : memref<1x!tpu.dma_semaphore, #tpu.memory_space<semaphore_mem>> -> memref<!tpu.dma_semaphore, #tpu.memory_space<semaphore_mem>>
      %dma_start3A_477 = arith.constant 0 : i32
      %dma_start3A_478 = arith.constant 0 : i32
      %dma_start3A_479 = arith.constant 0 : i32
      %dma_start3A_480 = tpu.memref_slice %arg5[%add3A_422, %dma_start3A_477, %add3A, %dma_start3A_478, %dma_start3A_479] : memref<200x8x32x8x128xf32, #tpu.memory_space<hbm>> -> memref<1x8x1x8x128xf32, #tpu.memory_space<hbm>>
      %dma_start3A_481 = tpu.memref_squeeze %dma_start3A_480 : memref<1x8x1x8x128xf32, #tpu.memory_space<hbm>> -> memref<8x8x128xf32, #tpu.memory_space<hbm>>
      %dma_start3A_482 = arith.constant 0 : i32
      %dma_start3A_483 = arith.constant 0 : i32
      %dma_start3A_484 = arith.constant 0 : i32
      %dma_start3A_485 = tpu.memref_slice %arg15[%dma_start3A_482, %dma_start3A_483, %dma_start3A_484] : memref<8x8x129xf32, #tpu.memory_space<vmem>> -> memref<8x8x128xf32, #tpu.memory_space<vmem>>
      tpu.enqueue_dma source(%dma_start3A_485 : memref<8x8x128xf32, #tpu.memory_space<vmem>>) target(%dma_start3A_481 : memref<8x8x128xf32, #tpu.memory_space<hbm>>) target_semaphore(%dma_start3A_476 : memref<!tpu.dma_semaphore, #tpu.memory_space<semaphore_mem>>)
    }
    %scan3A_94 = arith.constant 50 : i32
    %dma_wait3A = arith.constant 0 : i32
    %dma_wait3A_95 = arith.constant 0 : i32
    %dma_wait3A_96 = arith.constant 0 : i32
    %dma_wait3A_97 = tpu.memref_slice %arg6[%dma_wait3A, %dma_wait3A_96] : memref<200x128xi32, #tpu.memory_space<vmem>> -> memref<1x128xi32, #tpu.memory_space<vmem>>
    %dma_wait3A_98 = tpu.memref_squeeze %dma_wait3A_97 : memref<1x128xi32, #tpu.memory_space<vmem>> -> memref<128xi32, #tpu.memory_space<vmem>>
    %dma_wait3A_99 = arith.constant 0 : i32
    %dma_wait3A_100 = arith.constant 0 : i32
    %dma_wait3A_101 = tpu.memref_slice %arg3[%dma_wait3A_99, %dma_wait3A_100] : memref<1000000x64xf32, #tpu.memory_space<hbm>> -> memref<1000000x64xf32, #tpu.memory_space<hbm>>
    %dma_wait3A_102 = tpu.memref_slice %arg16[%dma_wait3A_95] : memref<4x!tpu.dma_semaphore, #tpu.memory_space<semaphore_mem>> -> memref<1x!tpu.dma_semaphore, #tpu.memory_space<semaphore_mem>>
    %dma_wait3A_103 = tpu.memref_squeeze %dma_wait3A_102 : memref<1x!tpu.dma_semaphore, #tpu.memory_space<semaphore_mem>> -> memref<!tpu.dma_semaphore, #tpu.memory_space<semaphore_mem>>
    tpu.wait_indirect_dma semaphore(%dma_wait3A_103 : memref<!tpu.dma_semaphore, #tpu.memory_space<semaphore_mem>>) src(%dma_wait3A_101 : memref<1000000x64xf32, #tpu.memory_space<hbm>>) dst(%arg8 : memref<128x64xf32, #tpu.memory_space<vmem>>)
    %dma_wait3A_104 = arith.constant 196 : i32
    %dma_wait3A_105 = arith.constant 0 : i32
    %dma_wait3A_106 = arith.constant 0 : i32
    %dma_wait3A_107 = arith.constant 0 : i32
    %dma_wait3A_108 = arith.constant 0 : i32
    %dma_wait3A_109 = tpu.memref_slice %arg12[%dma_wait3A_106, %dma_wait3A_107, %dma_wait3A_108] : memref<8x8x129xf32, #tpu.memory_space<vmem>> -> memref<8x8x128xf32, #tpu.memory_space<vmem>>
    %dma_wait3A_110 = arith.constant 0 : i32
    %dma_wait3A_111 = arith.constant 0 : i32
    %dma_wait3A_112 = arith.constant 0 : i32
    %dma_wait3A_113 = tpu.memref_slice %arg5[%dma_wait3A_104, %dma_wait3A_110, %add3A, %dma_wait3A_111, %dma_wait3A_112] : memref<200x8x32x8x128xf32, #tpu.memory_space<hbm>> -> memref<1x8x1x8x128xf32, #tpu.memory_space<hbm>>
    %dma_wait3A_114 = tpu.memref_squeeze %dma_wait3A_113 : memref<1x8x1x8x128xf32, #tpu.memory_space<hbm>> -> memref<8x8x128xf32, #tpu.memory_space<hbm>>
    %dma_wait3A_115 = tpu.memref_slice %arg17[%dma_wait3A_105] : memref<4x!tpu.dma_semaphore, #tpu.memory_space<semaphore_mem>> -> memref<1x!tpu.dma_semaphore, #tpu.memory_space<semaphore_mem>>
    %dma_wait3A_116 = tpu.memref_squeeze %dma_wait3A_115 : memref<1x!tpu.dma_semaphore, #tpu.memory_space<semaphore_mem>> -> memref<!tpu.dma_semaphore, #tpu.memory_space<semaphore_mem>>
    %dma_wait3A_117 = arith.constant 0 : i32
    %dma_wait3A_118 = arith.constant 0 : i32
    %dma_wait3A_119 = arith.constant 0 : i32
    %dma_wait3A_120 = tpu.memref_slice %arg5[%dma_wait3A_104, %dma_wait3A_117, %add3A, %dma_wait3A_118, %dma_wait3A_119] : memref<200x8x32x8x128xf32, #tpu.memory_space<hbm>> -> memref<1x8x1x8x128xf32, #tpu.memory_space<hbm>>
    %dma_wait3A_121 = tpu.memref_squeeze %dma_wait3A_120 : memref<1x8x1x8x128xf32, #tpu.memory_space<hbm>> -> memref<8x8x128xf32, #tpu.memory_space<hbm>>
    %dma_wait3A_122 = arith.constant 0 : i32
    %dma_wait3A_123 = arith.constant 0 : i32
    %dma_wait3A_124 = arith.constant 0 : i32
    %dma_wait3A_125 = tpu.memref_slice %arg12[%dma_wait3A_122, %dma_wait3A_123, %dma_wait3A_124] : memref<8x8x129xf32, #tpu.memory_space<vmem>> -> memref<8x8x128xf32, #tpu.memory_space<vmem>>
    tpu.wait_dma2 semaphore(%dma_wait3A_116 : memref<!tpu.dma_semaphore, #tpu.memory_space<semaphore_mem>>) src(%dma_wait3A_125 : memref<8x8x128xf32, #tpu.memory_space<vmem>>) dst(%dma_wait3A_121 : memref<8x8x128xf32, #tpu.memory_space<hbm>>)
    %dma_wait3A_126 = arith.constant 1 : i32
    %dma_wait3A_127 = arith.constant 1 : i32
    %dma_wait3A_128 = arith.constant 0 : i32
    %dma_wait3A_129 = tpu.memref_slice %arg6[%dma_wait3A_126, %dma_wait3A_128] : memref<200x128xi32, #tpu.memory_space<vmem>> -> memref<1x128xi32, #tpu.memory_space<vmem>>
    %dma_wait3A_130 = tpu.memref_squeeze %dma_wait3A_129 : memref<1x128xi32, #tpu.memory_space<vmem>> -> memref<128xi32, #tpu.memory_space<vmem>>
    %dma_wait3A_131 = arith.constant 0 : i32
    %dma_wait3A_132 = arith.constant 0 : i32
    %dma_wait3A_133 = tpu.memref_slice %arg3[%dma_wait3A_131, %dma_wait3A_132] : memref<1000000x64xf32, #tpu.memory_space<hbm>> -> memref<1000000x64xf32, #tpu.memory_space<hbm>>
    %dma_wait3A_134 = tpu.memref_slice %arg16[%dma_wait3A_127] : memref<4x!tpu.dma_semaphore, #tpu.memory_space<semaphore_mem>> -> memref<1x!tpu.dma_semaphore, #tpu.memory_space<semaphore_mem>>
    %dma_wait3A_135 = tpu.memref_squeeze %dma_wait3A_134 : memref<1x!tpu.dma_semaphore, #tpu.memory_space<semaphore_mem>> -> memref<!tpu.dma_semaphore, #tpu.memory_space<semaphore_mem>>
    tpu.wait_indirect_dma semaphore(%dma_wait3A_135 : memref<!tpu.dma_semaphore, #tpu.memory_space<semaphore_mem>>) src(%dma_wait3A_133 : memref<1000000x64xf32, #tpu.memory_space<hbm>>) dst(%arg9 : memref<128x64xf32, #tpu.memory_space<vmem>>)
    %dma_wait3A_136 = arith.constant 197 : i32
    %dma_wait3A_137 = arith.constant 1 : i32
    %dma_wait3A_138 = arith.constant 0 : i32
    %dma_wait3A_139 = arith.constant 0 : i32
    %dma_wait3A_140 = arith.constant 0 : i32
    %dma_wait3A_141 = tpu.memref_slice %arg13[%dma_wait3A_138, %dma_wait3A_139, %dma_wait3A_140] : memref<8x8x129xf32, #tpu.memory_space<vmem>> -> memref<8x8x128xf32, #tpu.memory_space<vmem>>
    %dma_wait3A_142 = arith.constant 0 : i32
    %dma_wait3A_143 = arith.constant 0 : i32
    %dma_wait3A_144 = arith.constant 0 : i32
    %dma_wait3A_145 = tpu.memref_slice %arg5[%dma_wait3A_136, %dma_wait3A_142, %add3A, %dma_wait3A_143, %dma_wait3A_144] : memref<200x8x32x8x128xf32, #tpu.memory_space<hbm>> -> memref<1x8x1x8x128xf32, #tpu.memory_space<hbm>>
    %dma_wait3A_146 = tpu.memref_squeeze %dma_wait3A_145 : memref<1x8x1x8x128xf32, #tpu.memory_space<hbm>> -> memref<8x8x128xf32, #tpu.memory_space<hbm>>
    %dma_wait3A_147 = tpu.memref_slice %arg17[%dma_wait3A_137] : memref<4x!tpu.dma_semaphore, #tpu.memory_space<semaphore_mem>> -> memref<1x!tpu.dma_semaphore, #tpu.memory_space<semaphore_mem>>
    %dma_wait3A_148 = tpu.memref_squeeze %dma_wait3A_147 : memref<1x!tpu.dma_semaphore, #tpu.memory_space<semaphore_mem>> -> memref<!tpu.dma_semaphore, #tpu.memory_space<semaphore_mem>>
    %dma_wait3A_149 = arith.constant 0 : i32
    %dma_wait3A_150 = arith.constant 0 : i32
    %dma_wait3A_151 = arith.constant 0 : i32
    %dma_wait3A_152 = tpu.memref_slice %arg5[%dma_wait3A_136, %dma_wait3A_149, %add3A, %dma_wait3A_150, %dma_wait3A_151] : memref<200x8x32x8x128xf32, #tpu.memory_space<hbm>> -> memref<1x8x1x8x128xf32, #tpu.memory_space<hbm>>
    %dma_wait3A_153 = tpu.memref_squeeze %dma_wait3A_152 : memref<1x8x1x8x128xf32, #tpu.memory_space<hbm>> -> memref<8x8x128xf32, #tpu.memory_space<hbm>>
    %dma_wait3A_154 = arith.constant 0 : i32
    %dma_wait3A_155 = arith.constant 0 : i32
    %dma_wait3A_156 = arith.constant 0 : i32
    %dma_wait3A_157 = tpu.memref_slice %arg13[%dma_wait3A_154, %dma_wait3A_155, %dma_wait3A_156] : memref<8x8x129xf32, #tpu.memory_space<vmem>> -> memref<8x8x128xf32, #tpu.memory_space<vmem>>
    tpu.wait_dma2 semaphore(%dma_wait3A_148 : memref<!tpu.dma_semaphore, #tpu.memory_space<semaphore_mem>>) src(%dma_wait3A_157 : memref<8x8x128xf32, #tpu.memory_space<vmem>>) dst(%dma_wait3A_153 : memref<8x8x128xf32, #tpu.memory_space<hbm>>)
    %dma_wait3A_158 = arith.constant 2 : i32
    %dma_wait3A_159 = arith.constant 2 : i32
    %dma_wait3A_160 = arith.constant 0 : i32
    %dma_wait3A_161 = tpu.memref_slice %arg6[%dma_wait3A_158, %dma_wait3A_160] : memref<200x128xi32, #tpu.memory_space<vmem>> -> memref<1x128xi32, #tpu.memory_space<vmem>>
    %dma_wait3A_162 = tpu.memref_squeeze %dma_wait3A_161 : memref<1x128xi32, #tpu.memory_space<vmem>> -> memref<128xi32, #tpu.memory_space<vmem>>
    %dma_wait3A_163 = arith.constant 0 : i32
    %dma_wait3A_164 = arith.constant 0 : i32
    %dma_wait3A_165 = tpu.memref_slice %arg3[%dma_wait3A_163, %dma_wait3A_164] : memref<1000000x64xf32, #tpu.memory_space<hbm>> -> memref<1000000x64xf32, #tpu.memory_space<hbm>>
    %dma_wait3A_166 = tpu.memref_slice %arg16[%dma_wait3A_159] : memref<4x!tpu.dma_semaphore, #tpu.memory_space<semaphore_mem>> -> memref<1x!tpu.dma_semaphore, #tpu.memory_space<semaphore_mem>>
    %dma_wait3A_167 = tpu.memref_squeeze %dma_wait3A_166 : memref<1x!tpu.dma_semaphore, #tpu.memory_space<semaphore_mem>> -> memref<!tpu.dma_semaphore, #tpu.memory_space<semaphore_mem>>
    tpu.wait_indirect_dma semaphore(%dma_wait3A_167 : memref<!tpu.dma_semaphore, #tpu.memory_space<semaphore_mem>>) src(%dma_wait3A_165 : memref<1000000x64xf32, #tpu.memory_space<hbm>>) dst(%arg10 : memref<128x64xf32, #tpu.memory_space<vmem>>)
    %dma_wait3A_168 = arith.constant 198 : i32
    %dma_wait3A_169 = arith.constant 2 : i32
    %dma_wait3A_170 = arith.constant 0 : i32
    %dma_wait3A_171 = arith.constant 0 : i32
    %dma_wait3A_172 = arith.constant 0 : i32
    %dma_wait3A_173 = tpu.memref_slice %arg14[%dma_wait3A_170, %dma_wait3A_171, %dma_wait3A_172] : memref<8x8x129xf32, #tpu.memory_space<vmem>> -> memref<8x8x128xf32, #tpu.memory_space<vmem>>
    %dma_wait3A_174 = arith.constant 0 : i32
    %dma_wait3A_175 = arith.constant 0 : i32
    %dma_wait3A_176 = arith.constant 0 : i32
    %dma_wait3A_177 = tpu.memref_slice %arg5[%dma_wait3A_168, %dma_wait3A_174, %add3A, %dma_wait3A_175, %dma_wait3A_176] : memref<200x8x32x8x128xf32, #tpu.memory_space<hbm>> -> memref<1x8x1x8x128xf32, #tpu.memory_space<hbm>>
    %dma_wait3A_178 = tpu.memref_squeeze %dma_wait3A_177 : memref<1x8x1x8x128xf32, #tpu.memory_space<hbm>> -> memref<8x8x128xf32, #tpu.memory_space<hbm>>
    %dma_wait3A_179 = tpu.memref_slice %arg17[%dma_wait3A_169] : memref<4x!tpu.dma_semaphore, #tpu.memory_space<semaphore_mem>> -> memref<1x!tpu.dma_semaphore, #tpu.memory_space<semaphore_mem>>
    %dma_wait3A_180 = tpu.memref_squeeze %dma_wait3A_179 : memref<1x!tpu.dma_semaphore, #tpu.memory_space<semaphore_mem>> -> memref<!tpu.dma_semaphore, #tpu.memory_space<semaphore_mem>>
    %dma_wait3A_181 = arith.constant 0 : i32
    %dma_wait3A_182 = arith.constant 0 : i32
    %dma_wait3A_183 = arith.constant 0 : i32
    %dma_wait3A_184 = tpu.memref_slice %arg5[%dma_wait3A_168, %dma_wait3A_181, %add3A, %dma_wait3A_182, %dma_wait3A_183] : memref<200x8x32x8x128xf32, #tpu.memory_space<hbm>> -> memref<1x8x1x8x128xf32, #tpu.memory_space<hbm>>
    %dma_wait3A_185 = tpu.memref_squeeze %dma_wait3A_184 : memref<1x8x1x8x128xf32, #tpu.memory_space<hbm>> -> memref<8x8x128xf32, #tpu.memory_space<hbm>>
    %dma_wait3A_186 = arith.constant 0 : i32
    %dma_wait3A_187 = arith.constant 0 : i32
    %dma_wait3A_188 = arith.constant 0 : i32
    %dma_wait3A_189 = tpu.memref_slice %arg14[%dma_wait3A_186, %dma_wait3A_187, %dma_wait3A_188] : memref<8x8x129xf32, #tpu.memory_space<vmem>> -> memref<8x8x128xf32, #tpu.memory_space<vmem>>
    tpu.wait_dma2 semaphore(%dma_wait3A_180 : memref<!tpu.dma_semaphore, #tpu.memory_space<semaphore_mem>>) src(%dma_wait3A_189 : memref<8x8x128xf32, #tpu.memory_space<vmem>>) dst(%dma_wait3A_185 : memref<8x8x128xf32, #tpu.memory_space<hbm>>)
    %dma_wait3A_190 = arith.constant 3 : i32
    %dma_wait3A_191 = arith.constant 3 : i32
    %dma_wait3A_192 = arith.constant 0 : i32
    %dma_wait3A_193 = tpu.memref_slice %arg6[%dma_wait3A_190, %dma_wait3A_192] : memref<200x128xi32, #tpu.memory_space<vmem>> -> memref<1x128xi32, #tpu.memory_space<vmem>>
    %dma_wait3A_194 = tpu.memref_squeeze %dma_wait3A_193 : memref<1x128xi32, #tpu.memory_space<vmem>> -> memref<128xi32, #tpu.memory_space<vmem>>
    %dma_wait3A_195 = arith.constant 0 : i32
    %dma_wait3A_196 = arith.constant 0 : i32
    %dma_wait3A_197 = tpu.memref_slice %arg3[%dma_wait3A_195, %dma_wait3A_196] : memref<1000000x64xf32, #tpu.memory_space<hbm>> -> memref<1000000x64xf32, #tpu.memory_space<hbm>>
    %dma_wait3A_198 = tpu.memref_slice %arg16[%dma_wait3A_191] : memref<4x!tpu.dma_semaphore, #tpu.memory_space<semaphore_mem>> -> memref<1x!tpu.dma_semaphore, #tpu.memory_space<semaphore_mem>>
    %dma_wait3A_199 = tpu.memref_squeeze %dma_wait3A_198 : memref<1x!tpu.dma_semaphore, #tpu.memory_space<semaphore_mem>> -> memref<!tpu.dma_semaphore, #tpu.memory_space<semaphore_mem>>
    tpu.wait_indirect_dma semaphore(%dma_wait3A_199 : memref<!tpu.dma_semaphore, #tpu.memory_space<semaphore_mem>>) src(%dma_wait3A_197 : memref<1000000x64xf32, #tpu.memory_space<hbm>>) dst(%arg11 : memref<128x64xf32, #tpu.memory_space<vmem>>)
    %dma_wait3A_200 = arith.constant 199 : i32
    %dma_wait3A_201 = arith.constant 3 : i32
    %dma_wait3A_202 = arith.constant 0 : i32
    %dma_wait3A_203 = arith.constant 0 : i32
    %dma_wait3A_204 = arith.constant 0 : i32
    %dma_wait3A_205 = tpu.memref_slice %arg15[%dma_wait3A_202, %dma_wait3A_203, %dma_wait3A_204] : memref<8x8x129xf32, #tpu.memory_space<vmem>> -> memref<8x8x128xf32, #tpu.memory_space<vmem>>
    %dma_wait3A_206 = arith.constant 0 : i32
    %dma_wait3A_207 = arith.constant 0 : i32
    %dma_wait3A_208 = arith.constant 0 : i32
    %dma_wait3A_209 = tpu.memref_slice %arg5[%dma_wait3A_200, %dma_wait3A_206, %add3A, %dma_wait3A_207, %dma_wait3A_208] : memref<200x8x32x8x128xf32, #tpu.memory_space<hbm>> -> memref<1x8x1x8x128xf32, #tpu.memory_space<hbm>>
    %dma_wait3A_210 = tpu.memref_squeeze %dma_wait3A_209 : memref<1x8x1x8x128xf32, #tpu.memory_space<hbm>> -> memref<8x8x128xf32, #tpu.memory_space<hbm>>
    %dma_wait3A_211 = tpu.memref_slice %arg17[%dma_wait3A_201] : memref<4x!tpu.dma_semaphore, #tpu.memory_space<semaphore_mem>> -> memref<1x!tpu.dma_semaphore, #tpu.memory_space<semaphore_mem>>
    %dma_wait3A_212 = tpu.memref_squeeze %dma_wait3A_211 : memref<1x!tpu.dma_semaphore, #tpu.memory_space<semaphore_mem>> -> memref<!tpu.dma_semaphore, #tpu.memory_space<semaphore_mem>>
    %dma_wait3A_213 = arith.constant 0 : i32
    %dma_wait3A_214 = arith.constant 0 : i32
    %dma_wait3A_215 = arith.constant 0 : i32
    %dma_wait3A_216 = tpu.memref_slice %arg5[%dma_wait3A_200, %dma_wait3A_213, %add3A, %dma_wait3A_214, %dma_wait3A_215] : memref<200x8x32x8x128xf32, #tpu.memory_space<hbm>> -> memref<1x8x1x8x128xf32, #tpu.memory_space<hbm>>
    %dma_wait3A_217 = tpu.memref_squeeze %dma_wait3A_216 : memref<1x8x1x8x128xf32, #tpu.memory_space<hbm>> -> memref<8x8x128xf32, #tpu.memory_space<hbm>>
    %dma_wait3A_218 = arith.constant 0 : i32
    %dma_wait3A_219 = arith.constant 0 : i32
    %dma_wait3A_220 = arith.constant 0 : i32
    %dma_wait3A_221 = tpu.memref_slice %arg15[%dma_wait3A_218, %dma_wait3A_219, %dma_wait3A_220] : memref<8x8x129xf32, #tpu.memory_space<vmem>> -> memref<8x8x128xf32, #tpu.memory_space<vmem>>
    tpu.wait_dma2 semaphore(%dma_wait3A_212 : memref<!tpu.dma_semaphore, #tpu.memory_space<semaphore_mem>>) src(%dma_wait3A_221 : memref<8x8x128xf32, #tpu.memory_space<vmem>>) dst(%dma_wait3A_217 : memref<8x8x128xf32, #tpu.memory_space<hbm>>)
    return
  }
}

</mosaic_0001>

<sc_bundles>
// kernel: _embed.3.cloned.1.call-start
scs
__scs_entry_jumppad:
0x0: {  	(pc) =	sbr.rel $0x88, $3  }
0x1: {  	(tag) =	ssettag $0x0;
	lr =	simm.s32 $0x1  }
0x2: {  	[smem:$0x3F9E] =	sst lr;
	_ =	strace $0xD0000000  }
0x3: {  	_ = 	snop  }
0x4: {  	_ = 	snop  }
0x5: {  	_ = 	snop  }
0x6: {  	_ = 	snop  }
0x7: {  	_ = 	snop  }
__scs_overlays_trampoline_lowered:
0x8: {  	[smem:$0x3FAD] =	sst s0  }
0x9: {  	[smem:$0x3FAE] =	sst s1  }
0xa: {  	[smem:$0x3FAF] =	sst s2  }
0xb: {  	[smem:$0x3FB0] =	sst s3  }
0xc: {  	[smem:$0x3FB1] =	sst s4  }
0xd: {  	[smem:$0x3FB2] =	sst s5  }
0xe: {  	[smem:$0x3FB3] =	sst s6  }
0xf: {  	[smem:$0x3FB4] =	sst s7  }
0x10: {  	[smem:$0x3FB5] =	sst s8  }
0x11: {  	[smem:$0x3FB6] =	sst s9;
	s0 =	simm.s32 @!p0 $0x0  }
0x12: {  	s1 =	sld [smem:$0x3F9C];
	s0 =	simm.s32 @p0 $0x1  }
0x13: {  	[smem:$0x3FB7] =	sst s0;
	s0 =	simm.s32 @!p1 $0x0  }
0x14: {  	s2 =	sld [smem:$0x3F9B];
	s0 =	simm.s32 @p1 $0x1  }
0x15: {  	[smem:$0x3FB8] =	sst s0;
	s0 =	simm.s32 @!p2 $0x0  }
0x16: {  	s3 =	sld [smem:$0x3FDB];
	s0 =	simm.s32 @p2 $0x1  }
0x17: {  	s4 =	simm.s32 $0x1BF5;
	[smem:$0x3FBA] =	sst s0  }
0x18: {  	s0 =	sld [smem:$0x3F9D];
	_ =	swait.ge [sflag:s4], $0x0  }
0x19: {  	s7 =	sld [smem:$0x3F9E]  }
0x1a: {  	s8 =	sadd.s32 $0xFFFFE003, lr  }
0x1b: {  	s9 =	sadd.s32 $0xFFFFFEF7, lr;
	s5 =	simm.s32 $0xFFFFFFFF;
	p2 =	slt.u32 s8, $0xFFFFF086  }
0x1c: {  	p1 =	slt.u32 s9, $0xF7A;
	s5 =	simm.s32 @!p2 $0x0  }
0x1d: {  	s5 =	simm.s32 @p1 $0x1;
	p0 =	seq.s32 s7, s2  }
0x1e: {  	s7 =	smul.u32 @!p0 $0xF7A, s2;
	p2 =	seq.s32 @!p0 s5, $0x0  }
0x1f: {  	s9 =	smul.u32 $0xF7A, s1;
	s8 =	simm.s32 @!p0 $0x1BF5;
	p2 =	por !p2, p0  }
0x20: {  	[sflag:s8] =	ssyncset.s32 @!p0 $0xFFFFF086;
	s6 =	sadd.s32 @!p0 s3, s7;
	s7 =	simm.s32 @!p0 $0x108  }
0x21: {  	s3 =	sadd.s32 s3, s9;
	s6 =	sadd.s32 @!p0 $0x88, s6;
	s7 =	simm.s32 @p2 $0x1082  }
0x22: {  	[simem:s7], [sflag:s8] =	dma.local @!p0 [hbm:s6], $0xF7A  }
0x23: {  	s9 =	sor.u32 $0xD0000000, s2;
	s6 =	simm.s32 $0x108;
	_ =	swait.ge @!p0 [sflag:s8], $0x0  }
0x24: {  	s3 =	sadd.s32 $0x88, s3;
	s6 =	simm.s32 @!p1 $0x1082;
	[sflag:s4] =	ssyncset.s32 $0xFFFFF086  }
0x25: {  	[simem:s6], [sflag:s4] =	dma.local [hbm:s3], $0xF7A  }
0x26: {  	[smem:$0x3F9E] =	sst s1;
	(tag) =	ssettag s2;
	_ =	strace s9  }
0x27: {  	s1 =	sld [smem:$0x3FAE]  }
0x28: {  	s2 =	sld [smem:$0x3FAF]  }
0x29: {  	s4 =	sld [smem:$0x3FB1]  }
0x2a: {  	p0 =	seq.s32 s5, $0x0;
	s5 =	sld [smem:$0x3FB2]  }
0x2b: {  	s6 =	sld [smem:$0x3FB3]  }
0x2c: {  	s7 =	sld [smem:$0x3FB4]  }
0x2d: {  	s3 =	simm.s32 $0x108;
	s8 =	sld [smem:$0x3FB5]  }
0x2e: {  	s3 =	simm.s32 @!p0 $0x1082;
	s9 =	sld [smem:$0x3FB6]  }
0x2f: {  	lr =	sadd.s32 s0, s3;
	s0 =	sld [smem:$0x3FAD]  }
0x30: {  	s3 =	sld [smem:$0x3FB0]  }
0x31: {  	[smem:$0x3FB9] =	sst s10  }
0x32: {  	s10 =	sld [smem:$0x3FB7];
	_ =	sdelay $0x3  }
0x33: {  	p0 =	seq.s32 s10, $0x1;
	s10 =	sld [smem:$0x3FB9];
	_ =	sdelay $0x3  }
0x34: {  	[smem:$0x3FB9] =	sst s10  }
0x35: {  	s10 =	sld [smem:$0x3FB8];
	_ =	sdelay $0x3  }
0x36: {  	p1 =	seq.s32 s10, $0x1;
	s10 =	sld [smem:$0x3FB9];
	_ =	sdelay $0x3  }
0x37: {  	[smem:$0x3FB9] =	sst s10  }
0x38: {  	s10 =	sld [smem:$0x3FBA]  }
0x39: {  	_ = 	snop;
	(pc) =	sbr.ind lr, $3  }
0x3a: {  	_ = 	snop  }
0x3b: {  	_ = 	snop  }
0x3c: {  	p2 =	seq.s32 s10, $0x1;
	s10 =	sld [smem:$0x3FB9]  }
0x3d: {  	_ =	shalt  }
0x3e: {  	_ =	shalt  }
0x3f: {  	_ =	shalt  }
0x40: {  	_ =	shalt  }
0x41: {  	_ =	shalt  }
0x42: {  	_ =	shalt  }
0x43: {  	_ =	shalt  }
0x44: {  	_ =	shalt  }
0x45: {  	_ =	shalt  }
0x46: {  	_ =	shalt  }
0x47: {  	_ =	shalt  }
0x48: {  	_ =	shalt  }
0x49: {  	_ =	shalt  }
0x4a: {  	_ =	shalt  }
0x4b: {  	_ =	shalt  }
0x4c: {  	_ =	shalt  }
0x4d: {  	_ =	shalt  }
0x4e: {  	_ =	shalt  }
0x4f: {  	_ =	shalt  }
0x50: {  	_ =	shalt  }
0x51: {  	_ =	shalt  }
0x52: {  	_ =	shalt  }
0x53: {  	_ =	shalt  }
0x54: {  	_ =	shalt  }
0x55: {  	_ =	shalt  }
0x56: {  	_ =	shalt  }
0x57: {  	_ =	shalt  }
0x58: {  	_ =	shalt  }
0x59: {  	_ =	shalt  }
0x5a: {  	_ =	shalt  }
0x5b: {  	_ =	shalt  }
0x5c: {  	_ =	shalt  }
0x5d: {  	_ =	shalt  }
0x5e: {  	_ =	shalt  }
0x5f: {  	_ =	shalt  }
0x60: {  	_ =	shalt  }
0x61: {  	_ =	shalt  }
0x62: {  	_ =	shalt  }
0x63: {  	_ =	shalt  }
0x64: {  	_ =	shalt  }
0x65: {  	_ =	shalt  }
0x66: {  	_ =	shalt  }
0x67: {  	_ =	shalt  }
0x68: {  	_ =	shalt  }
0x69: {  	_ =	shalt  }
0x6a: {  	_ =	shalt  }
0x6b: {  	_ =	shalt  }
0x6c: {  	_ =	shalt  }
0x6d: {  	_ =	shalt  }
0x6e: {  	_ =	shalt  }
0x6f: {  	_ =	shalt  }
0x70: {  	_ =	shalt  }
0x71: {  	_ =	shalt  }
0x72: {  	_ =	shalt  }
0x73: {  	_ =	shalt  }
0x74: {  	_ =	shalt  }
0x75: {  	_ =	shalt  }
0x76: {  	_ =	shalt  }
0x77: {  	_ =	shalt  }
0x78: {  	_ =	shalt  }
0x79: {  	_ =	shalt  }
0x7a: {  	_ =	shalt  }
0x7b: {  	_ =	shalt  }
0x7c: {  	_ =	shalt  }
0x7d: {  	_ =	shalt  }
0x7e: {  	_ =	shalt  }
0x7f: {  	_ =	shalt  }
0x80: {  	_ =	shalt  }
0x81: {  	_ =	shalt  }
0x82: {  	_ =	shalt  }
0x83: {  	_ =	shalt  }
0x84: {  	_ =	shalt  }
0x85: {  	_ =	shalt  }
0x86: {  	_ =	shalt  }
0x87: {  	_ =	shalt  }
.Lfunc_end0:
.L_simem_size_0:
called_computation_lowered:
.L_overlay_start_0:
0x88: {  	s2 =	sld [smem:$0x3FD9]  }
0x89: {  	s3 =	sld [smem:$0x3FFE];
	_ =	sdelay $0x1  }
0x8a: {  	s1 =	srdreg.scid  }
0x8b: {  	s0 =	sand.u32 $0x1, s1  }
0x8c: {  	s17 =	sshll.u32 s0, $0xA;
	s2 =	sadd.s32 s3, s2  }
0x8d: {  	s2 =	sadd.s32 s2, s17  }
0x8e: {  	[smem:$0x3FC5] =	sst s2  }
0x8f: {  	_ = 	snop  }
0x90: {  	s2 =	sld [smem:$0x3FD0];
	(tm) =	ssettm $0x1  }
0x91: {  	s18 =	sld [smem:$0x3FFB];
	_ =	sdelay $0x3  }
0x92: {  	_ =	strace s18  }
0x93: {  	s3 =	sld [smem:$0x3FFC];
	_ =	sdelay $0x3  }
0x94: {  	_ =	strace s3  }
0x95: {  	s3 =	sld [smem:$0x3FFD];
	_ =	sdelay $0x3  }
0x96: {  	_ =	strace s3  }
0x97: {  	_ =	strace $0x8FFFFFFF  }
0x98: {  	s19 =	sld [smem:$0x3FDB];
	_ =	sdelay $0x1  }
0x99: {  	s4 =	simm.s32 $_scs_section_size  }
0x9a: {  	s5 =	simm.s32 $_size__tile_overlayer_lowered;
	s6 =	simm.s32 $_tile_overlayer_lowered  }
0x9b: {  	s22 =	simm.s32 $0x1BFF;
	s21 =	sshll.u32 s6, $0x1;
	s3 =	sadd.s32 s4, s19  }
0x9c: {  	s7 =	simm.s32 $0x0;
	s20 =	sshll.u32 s5, $0x1;
	s5 =	sadd.s32 s21, s3  }
0x9d: {  	[timem:s7], [sflag:s22] =	dma.local [hbm:s5], s20  }
0x9e: {  	_ =	swait.ge [sflag:s22], s20  }
0x9f: {  	s4 =	ssub.s32 $0x0, s20;
	[sflag:s22] =	ssyncset.done $0x0  }
0xa0: {  	[sflag:s22] =	ssyncadd.s32 s4;
	_ =	sdelay $0x1  }
0xa1: {  	s23 =	simm.s32 $0x1B8B  }
0xa2: {  	_ =	swait.ge [sflag:s23], $0x1  }
0xa3: {  	[sflag:s23] =	ssyncset.done $0x0  }
0xa4: {  	s25 =	simm.s32 $0x1B8E;
	s24 =	sld [smem:$0x3FFE];
	[sflag:s23] =	ssyncadd.s32 $0xFFFFFFFF  }
0xa5: {  	s26 =	simm.s32 $execute0_lowered;
	[smem:$0x3FD2] =	sst s25  }
0xa6: {  	s5 =	sshll.u32 s26, $0x1;
	_ =	strace $0x80000046;
	[dreg:$0x1] =	wrdreg $0xFFFFFFFF  }
0xa7: {  	s28 =	simm.s32 $_size_execute0_lowered;
	s3 =	sadd.s32 s3, s5;
	[dreg:$0x0] =	wrdreg $0x0  }
0xa8: {  	s5 =	sshll.u32 s28, $0x1;
	[dreg:$0x2] =	wrdreg s3  }
0xa9: {  	[dreg:$0x3] =	wrdreg s5  }
0xaa: {  	[dreg:$0x4] =	wrdreg $0xC0  }
0xab: {  	_ =	task [dreg:s7], $0x5FFFF  }
0xac: {  	[dreg:$0x1] =	wrdreg $0xFFFFFFFF  }
0xad: {  	[dreg:$0x0] =	wrdreg $0x60  }
0xae: {  	[dreg:$0x2] =	wrdreg s24  }
0xaf: {  	[dreg:$0x3] =	wrdreg s2  }
0xb0: {  	[dreg:$0x4] =	wrdreg $0x9  }
0xb1: {  	_ =	task.clear_ibuf [dreg:s7], $0x5FFFF;
	_ =	strace $0x90000046  }
0xb2: {  	s29 =	simm.s32 $0x9;
	_ =	strace $0x80000048  }
0xb3: {  	_ =	swait.ge [sflag:s29], $0x1  }
0xb4: {  	[sflag:s29] =	ssyncadd.s32 $0xFFFFFFFF  }
0xb5: {  	_ =	strace $0x90000048  }
0xb6: {  	_ =	sfence  }
0xb7: {  	s30 =	sld [smem:$0x0];
	_ =	sdelay $0x2  }
0xb8: {  	s31 =	sshll.u32 s1, $0xD;
	s1 =	sshrl.u32 s1, $0x2  }
0xb9: {  	s3 =	sand.u32 $0x4000, s31;
	s1 =	sadd.s32 s1, s30  }
0xba: {  	s0 =	sor.u32 s3, s0;
	s1 =	sshll.u32 s1, $0x11  }
0xbb: {  	s0 =	sor.u32 s1, s0  }
0xbc: {  	s0 =	sadd.s32 $0x8F2B, s0  }
0xbd: {  	[sflag:s0] =	ssyncadd.remote.s32 $0x1  }
0xbe: {  	_ =	sfence.sel $0xFFFF  }
0xbf: {  	[dreg:$0x0] =	wrdreg $0xFFFFFFFF;
	(pc) =	sbr.abs _section_cstart, $3  }
0xc0: {  	[dreg:$0x1] =	wrdreg $0xFFFFFFFF  }
0xc1: {  	_ =	task.clear_ibuf [dreg:s7], $0x2FFFF;
	_ =	strace $0x9FFFFFFF  }
0xc2: {  	(tm) =	ssettm $0x7FFFFFFF  }
0xc3: {  	_ =	shalt  }
tec
execute0_lowered:
.L_overlay_start_1:
0x0: {  	(tag) =	ssettag $0x1  }
0x1: {  	s3 =	stileid.u32;
	v0 =	vlaneseq.u32  }
0x2: {  	s0 =	rddreg [dreg:$0x0];
	s4 =	sshll.u32 s3, $0x1;
	s3 =	simm.s32 $0x0;
	v25 =	vmul.u32 $0x88, v0  }
0x3: {  	vm0 =	vcmask $0x300;
	v0 =	vimm.s32 $0x0;
	[smem:$0x7FF] =	sst s3  }
0x4: {  	s2 =	rddreg [dreg:$0x1];
	v1 =	vsel vm0, $0x3, v0;
	_ =	strace $0x80000047;
	v0 =	vadd.s32 $0x1983, v25;
	[tilespmem:$0x1FED0] =	vst v25  }
0x5: {  	v30 =	vadd.s32 $0x880, v25;
	[tilespmem:$0x1FE00] =	vst v0  }
0x6: {  	v40 =	vadd.s32 $0x1100, v25;
	[tilespmem:$0x1FE70] =	vst v30  }
0x7: {  	v9 =	vadd.s32 $0x1980, v25;
	[tilespmem:$0x1FE80] =	vst v40  }
0x8: {  	v62 =	vor.u32 $0x1, v25;
	[tilespmem:$0x1FE90] =	vst v9  }
0x9: {  	v50 =	vadd.s32 $0x881, v25;
	[tilespmem:$0x1FEA0] =	vst v62  }
0xa: {  	v19 =	vadd.s32 $0x1101, v25;
	[tilespmem:$0x1FEB0] =	vst v50  }
0xb: {  	v60 =	vadd.s32 $0x1981, v25;
	[tilespmem:$0x1FEC0] =	vst v19  }
0xc: {  	v18 =	vor.u32 $0x2, v25;
	[tilespmem:$0x1FEE0] =	vst v60  }
0xd: {  	v22 =	vadd.s32 $0x882, v25;
	[tilespmem:$0x1FEF0] =	vst v18  }
0xe: {  	v21 =	vadd.s32 $0x1982, v25;
	[tilespmem:$0x1FF00] =	vst v22  }
0xf: {  	v32 =	vor.u32 $0x3, v25;
	[tilespmem:$0x1FF10] =	vst v21  }
0x10: {  	v43 =	vadd.s32 $0x883, v25;
	[tilespmem:$0x1FF20] =	vst v32  }
0x11: {  	v27 =	vadd.s32 $0x1103, v25;
	[tilespmem:$0x1FF30] =	vst v43  }
0x12: {  	v26 =	vor.u32 $0x4, v25;
	[tilespmem:$0x1FF40] =	vst v27  }
0x13: {  	v28 =	vadd.s32 $0x884, v25;
	[tilespmem:$0x1FF50] =	vst v26  }
0x14: {  	v20 =	vadd.s32 $0x1102, v25;
	[tilespmem:$0x1FF60] =	vst v28  }
0x15: {  	v31 =	vor.u32 $0x5, v25;
	[tilespmem:$0x1FF70] =	vst v20  }
0x16: {  	v46 =	vadd.s32 $0x885, v25;
	[tilespmem:$0x1FF80] =	vst v31  }
0x17: {  	v23 =	vadd.s32 $0x1105, v25;
	[tilespmem:$0x1FF90] =	vst v46  }
0x18: {  	v24 =	vor.u32 $0x6, v25;
	[tilespmem:$0x1FFA0] =	vst v23  }
0x19: {  	s1 =	srdreg.scid;
	v45 =	vadd.s32 $0x886, v25;
	[tilespmem:$0x1FFB0] =	vst v24  }
0x1a: {  	s9 =	simm.s32 $0x80;
	s13 =	simm.s32 $0x9600;
	s14 =	simm.s32 $0xB600;
	v49 =	vadd.s32 $0x1106, v25;
	[tilespmem:$0x1FFC0] =	vst v45  }
0x1b: {  	s15 =	simm.s32 $0x100;
	s16 =	simm.s32 $0xD600;
	s18 =	simm.s32 $0xF600;
	v51 =	vor.u32 $0x7, v25;
	[tilespmem:$0x1FFD0] =	vst v49  }
0x1c: {  	s19 =	simm.s32 $0x1;
	s20 =	simm.s32 $0x11600;
	s21 =	simm.s32 $0x2;
	v57 =	vadd.s32 $0x887, v25;
	[tilespmem:$0x1FFE0] =	vst v51  }
0x1d: {  	s22 =	simm.s32 $0x13800;
	s23 =	simm.s32 $0x3;
	s1 =	sand.u32 $0x1, s1;
	v0 =	vadd.s32 $0x1104, v25;
	[tilespmem:$0x1FFF0] =	vst v57  }
0x1e: {  	s24 =	simm.s32 $0x15A00;
	s5 =	sor.u32 s1, s4;
	s1 =	ssub.s32 $0x2, s1;
	[tilespmem:$0x1FE10] =	vst v0;
	v0 =	vadd.s32 $0x1984, v25  }
0x1f: {  	s25 =	simm.s32 $0x4;
	s4 =	sshll.u32 s5, $0x4;
	s30 =	sshrl.u32 s1, $0x1;
	[tilespmem:$0x1FE20] =	vst v0;
	v0 =	vadd.s32 $0x1985, v25  }
0x20: {  	s6 =	sadd.s32 s4, s0;
	s4 =	sadd.s32 $0xF42C00, s0;
	s0 =	sadd.s32 $0x19800, s0;
	[tilespmem:$0x1FE30] =	vst v0;
	v0 =	vadd.s32 $0x1986, v25  }
0x21: {  	[dreg:$0x3] =	wrdreg s0;
	s0 =	ssub.s32 s1, s30;
	s31 =	sadd.s32 $0x800, s6;
	[tilespmem:$0x1FE40] =	vst v0;
	v0 =	vadd.s32 $0x1107, v25  }
0x22: {  	s26 =	simm.s32 $0x17C00;
	[dreg:$0x4] =	wrdreg s31;
	s0 =	smax.u32 s0, $0x1;
	[tilespmem:$0x1FE50] =	vst v0;
	v0 =	vadd.s32 $0x1987, v25  }
0x23: {  	s7 =	sshll.u32 s5, $0xA;
	s5 =	simm.s32 $0x0;
	[dreg:$0x5] =	wrdreg s0;
	[tilespmem:$0x1FE60] =	vst v0  }
.LBB2_1:
0x24: {  	[dreg:$0x6] =	wrdreg s5  }
0x25: {  	s0 =	rddreg [dreg:$0x4];
	s1 =	simm.s32 $0x1000;
	s29 =	simm.s32 $0x9  }
0x26: {  	[tilespmem:s3], [sflag:$0x9] =	stream.strided.gather [hbm4b:s0+s9], $0x6400, s1, s9, $0x38;
	[tilespmem:$0x19E00] =	vst v63  }
0x27: {  	_ =	swait.ge [sflag:s29], $0x6400  }
0x28: {  	[sflag:s29] =	ssyncset.done $0x0  }
0x29: {  	s31 =	simm.s32 $0x6400;
	s30 =	rddreg [dreg:$0x3];
	[sflag:s29] =	ssyncadd.s32 $0xFFFF9C00  }
0x2a: {  	[tilespmem:s31], [sflag:$0x9] =	stream.linear.gather [hbm4b:s30+s3], $0x3200, $0x38;
	[tilespmem:$0x19E00] =	vst v63  }
0x2b: {  	_ =	swait.ge [sflag:s29], $0x3200  }
0x2c: {  	[sflag:s29] =	ssyncset.done $0x0  }
0x2d: {  	[sflag:s29] =	ssyncadd.s32 $0xFFFFCE00  }
0x2e: {  	v0 =	vld [tilespmem:s15+$0xF0]  }
0x2f: {  	v2 =	vld [tilespmem:s15+$0xFFFFFF10]  }
0x30: {  	v3 =	vld [tilespmem:s15+$0xFFFFFF20]  }
0x31: {  	v4 =	vld [tilespmem:s15+$0xFFFFFF30]  }
0x32: {  	v5 =	vld [tilespmem:s15+$0xFFFFFF40]  }
0x33: {  	v6 =	vld [tilespmem:s15+$0xFFFFFF50];
	v0 =	vshll.u32 v0, $0x1  }
0x34: {  	v7 =	vld [tilespmem:s15+$0xFFFFFF60];
	v2 =	vshll.u32 v2, $0x1;
	[tilespmem:s15+$0xF0] =	vst v0  }
0x35: {  	[tilespmem:s15+$0xFFFFFF10] =	vst v2;
	v0 =	vshll.u32 v3, $0x1;
	v2 =	vld [tilespmem:s15+$0xFFFFFF70]  }
0x36: {  	v3 =	vld [tilespmem:s15+$0xFFFFFF80];
	[tilespmem:s15+$0xFFFFFF20] =	vst v0;
	v0 =	vshll.u32 v4, $0x1  }
0x37: {  	v4 =	vld [tilespmem:s15+$0xFFFFFF90];
	[tilespmem:s15+$0xFFFFFF30] =	vst v0;
	v0 =	vshll.u32 v5, $0x1  }
0x38: {  	v5 =	vld [tilespmem:s15+$0xFFFFFFA0];
	[tilespmem:s15+$0xFFFFFF40] =	vst v0;
	v0 =	vshll.u32 v6, $0x1  }
0x39: {  	v6 =	vld [tilespmem:s15+$0xFFFFFFB0];
	[tilespmem:s15+$0xFFFFFF50] =	vst v0;
	v0 =	vshll.u32 v7, $0x1  }
0x3a: {  	[tilespmem:s15+$0xFFFFFF60] =	vst v0;
	v0 =	vshll.u32 v2, $0x1;
	v2 =	vld [tilespmem:s15+$0xFFFFFFC0]  }
0x3b: {  	[tilespmem:s15+$0xFFFFFF70] =	vst v0;
	v0 =	vshll.u32 v3, $0x1;
	v3 =	vld [tilespmem:s15+$0xFFFFFFD0]  }
0x3c: {  	[tilespmem:s15+$0xFFFFFF80] =	vst v0;
	v0 =	vshll.u32 v4, $0x1;
	v4 =	vld [tilespmem:s15+$0xFFFFFFE0]  }
0x3d: {  	[tilespmem:s15+$0xFFFFFF90] =	vst v0;
	v0 =	vshll.u32 v5, $0x1;
	v5 =	vld [tilespmem:s15+$0xFFFFFFF0]  }
0x3e: {  	[tilespmem:s15+$0xFFFFFFA0] =	vst v0;
	v0 =	vshll.u32 v6, $0x1;
	v6 =	vld [tilespmem:s15+$0x0]  }
0x3f: {  	[tilespmem:s15+$0xFFFFFFB0] =	vst v0;
	v0 =	vshll.u32 v2, $0x1;
	v2 =	vld [tilespmem:s15+$0x10]  }
0x40: {  	[tilespmem:s15+$0xFFFFFFC0] =	vst v0;
	v0 =	vshll.u32 v3, $0x1;
	v3 =	vld [tilespmem:s15+$0x20]  }
0x41: {  	[tilespmem:s15+$0xFFFFFFD0] =	vst v0;
	v0 =	vshll.u32 v4, $0x1;
	v4 =	vld [tilespmem:s15+$0x30]  }
0x42: {  	[tilespmem:s15+$0xFFFFFFE0] =	vst v0;
	v0 =	vshll.u32 v5, $0x1;
	v5 =	vld [tilespmem:s15+$0x40]  }
0x43: {  	[tilespmem:s15+$0xFFFFFFF0] =	vst v0;
	v0 =	vshll.u32 v6, $0x1;
	v6 =	vld [tilespmem:s15+$0x50]  }
0x44: {  	[tilespmem:s15+$0x0] =	vst v0;
	v0 =	vshll.u32 v2, $0x1;
	v2 =	vld [tilespmem:s15+$0x60]  }
0x45: {  	[tilespmem:s15+$0x10] =	vst v0;
	v0 =	vshll.u32 v3, $0x1;
	v3 =	vld [tilespmem:s15+$0x70]  }
0x46: {  	[tilespmem:s15+$0x20] =	vst v0;
	v0 =	vshll.u32 v4, $0x1;
	v4 =	vld [tilespmem:s15+$0x80]  }
0x47: {  	[tilespmem:s15+$0x30] =	vst v0;
	v0 =	vshll.u32 v5, $0x1;
	v5 =	vld [tilespmem:s15+$0x90]  }
0x48: {  	[tilespmem:s15+$0x40] =	vst v0;
	v0 =	vshll.u32 v6, $0x1;
	v6 =	vld [tilespmem:s15+$0xA0]  }
0x49: {  	[tilespmem:s15+$0x50] =	vst v0;
	v2 =	vshll.u32 v2, $0x1;
	v0 =	vld [tilespmem:s15+$0xB0]  }
0x4a: {  	[tilespmem:s15+$0x60] =	vst v2;
	v3 =	vshll.u32 v3, $0x1;
	v2 =	vld [tilespmem:s15+$0xC0]  }
0x4b: {  	[tilespmem:s15+$0x70] =	vst v3;
	v4 =	vshll.u32 v4, $0x1;
	v3 =	vld [tilespmem:s15+$0xD0]  }
0x4c: {  	[tilespmem:s15+$0x80] =	vst v4;
	v7 =	vshll.u32 v5, $0x1;
	v4 =	vld [tilespmem:s15+$0xE0]  }
0x4d: {  	s5 =	simm.s32 $0x0;
	s6 =	simm.s32 $0x300;
	s0 =	simm.s32 $0x100;
	v5 =	vld [tilespmem:s15+$0xFFFFFF00];
	[tilespmem:s15+$0x90] =	vst v7;
	v6 =	vshll.u32 v6, $0x1  }
.LBB2_2:
0x4e: {  	v7 =	vld [tilespmem:s6+$0xF0];
	s5 =	sadd.s32 $0x4, s5;
	[tilespmem:s0+$0xA0] =	vst v6;
	v0 =	vshll.u32 v0, $0x1  }
0x4f: {  	v6 =	vld [tilespmem:s6+$0xFFFFFF10];
	p0 =	slt.u32 s5, $0xC4;
	[tilespmem:s0+$0xB0] =	vst v0;
	v0 =	vshll.u32 v2, $0x1  }
0x50: {  	v2 =	vld [tilespmem:s6+$0xFFFFFF20];
	[tilespmem:s0+$0xC0] =	vst v0;
	v0 =	vshll.u32 v3, $0x1  }
0x51: {  	v3 =	vld [tilespmem:s6+$0xFFFFFF30];
	[tilespmem:s0+$0xD0] =	vst v0;
	v0 =	vshll.u32 v4, $0x1  }
0x52: {  	v4 =	vld [tilespmem:s6+$0xFFFFFF40];
	v5 =	vshll.u32 v5, $0x1;
	[tilespmem:s0+$0xE0] =	vst v0  }
0x53: {  	v0 =	vld [tilespmem:s6+$0xFFFFFF50];
	v7 =	vshll.u32 v7, $0x1;
	[tilespmem:s0+$0xFFFFFF00] =	vst v5;
	s0 =	smov.u32 s6  }
0x54: {  	v5 =	vshll.u32 v6, $0x1;
	v6 =	vld [tilespmem:s6+$0xFFFFFF60];
	[tilespmem:s6+$0xF0] =	vst v7  }
0x55: {  	[tilespmem:s6+$0xFFFFFF10] =	vst v5;
	v2 =	vshll.u32 v2, $0x1;
	v5 =	vld [tilespmem:s6+$0xFFFFFF70]  }
0x56: {  	[tilespmem:s6+$0xFFFFFF20] =	vst v2;
	v2 =	vshll.u32 v3, $0x1;
	v3 =	vld [tilespmem:s6+$0xFFFFFF80]  }
0x57: {  	[tilespmem:s6+$0xFFFFFF30] =	vst v2;
	v2 =	vshll.u32 v4, $0x1;
	v4 =	vld [tilespmem:s6+$0xFFFFFF90]  }
0x58: {  	[tilespmem:s6+$0xFFFFFF40] =	vst v2;
	v0 =	vshll.u32 v0, $0x1;
	v2 =	vld [tilespmem:s6+$0xFFFFFFA0]  }
0x59: {  	[tilespmem:s6+$0xFFFFFF50] =	vst v0;
	v0 =	vshll.u32 v6, $0x1;
	v6 =	vld [tilespmem:s6+$0xFFFFFFB0]  }
0x5a: {  	[tilespmem:s6+$0xFFFFFF60] =	vst v0;
	v0 =	vshll.u32 v5, $0x1;
	v5 =	vld [tilespmem:s6+$0xFFFFFFC0]  }
0x5b: {  	[tilespmem:s6+$0xFFFFFF70] =	vst v0;
	v0 =	vshll.u32 v3, $0x1;
	v3 =	vld [tilespmem:s6+$0xFFFFFFD0]  }
0x5c: {  	[tilespmem:s6+$0xFFFFFF80] =	vst v0;
	v0 =	vshll.u32 v4, $0x1;
	v4 =	vld [tilespmem:s6+$0xFFFFFFE0]  }
0x5d: {  	[tilespmem:s6+$0xFFFFFF90] =	vst v0;
	v0 =	vshll.u32 v2, $0x1;
	v2 =	vld [tilespmem:s6+$0xFFFFFFF0]  }
0x5e: {  	[tilespmem:s6+$0xFFFFFFA0] =	vst v0;
	v0 =	vshll.u32 v6, $0x1;
	v6 =	vld [tilespmem:s6+$0x0]  }
0x5f: {  	[tilespmem:s6+$0xFFFFFFB0] =	vst v0;
	v0 =	vshll.u32 v5, $0x1;
	v5 =	vld [tilespmem:s6+$0x10]  }
0x60: {  	[tilespmem:s6+$0xFFFFFFC0] =	vst v0;
	v0 =	vshll.u32 v3, $0x1;
	v3 =	vld [tilespmem:s6+$0x20]  }
0x61: {  	[tilespmem:s6+$0xFFFFFFD0] =	vst v0;
	v0 =	vshll.u32 v4, $0x1;
	v4 =	vld [tilespmem:s6+$0x30]  }
0x62: {  	[tilespmem:s6+$0xFFFFFFE0] =	vst v0;
	v0 =	vshll.u32 v2, $0x1;
	v2 =	vld [tilespmem:s6+$0x40]  }
0x63: {  	[tilespmem:s6+$0xFFFFFFF0] =	vst v0;
	v0 =	vshll.u32 v6, $0x1;
	v6 =	vld [tilespmem:s6+$0x50]  }
0x64: {  	[tilespmem:s6+$0x0] =	vst v0;
	v0 =	vshll.u32 v5, $0x1;
	v5 =	vld [tilespmem:s6+$0x60]  }
0x65: {  	[tilespmem:s6+$0x10] =	vst v0;
	v0 =	vshll.u32 v3, $0x1;
	v3 =	vld [tilespmem:s6+$0x70]  }
0x66: {  	[tilespmem:s6+$0x20] =	vst v0;
	v0 =	vshll.u32 v4, $0x1;
	v4 =	vld [tilespmem:s6+$0x80]  }
0x67: {  	[tilespmem:s6+$0x30] =	vst v0;
	v0 =	vshll.u32 v2, $0x1;
	v7 =	vld [tilespmem:s6+$0x90]  }
0x68: {  	[tilespmem:s6+$0x40] =	vst v0;
	v0 =	vshll.u32 v6, $0x1;
	v6 =	vld [tilespmem:s6+$0xA0]  }
.Ltmp0:
0x69: {  	[tilespmem:s6+$0x50] =	vst v0;
	v2 =	vshll.u32 v5, $0x1;
	v0 =	vld [tilespmem:s6+$0xB0];
	(pc) =	sbr.rel @p0 .LBB2_2-.Ltmp0, $4  }
0x6a: {  	[tilespmem:s6+$0x60] =	vst v2;
	v3 =	vshll.u32 v3, $0x1;
	v2 =	vld [tilespmem:s6+$0xC0]  }
0x6b: {  	[tilespmem:s6+$0x70] =	vst v3;
	v4 =	vshll.u32 v4, $0x1;
	v3 =	vld [tilespmem:s6+$0xD0]  }
0x6c: {  	[tilespmem:s6+$0x80] =	vst v4;
	v7 =	vshll.u32 v7, $0x1;
	v4 =	vld [tilespmem:s6+$0xE0]  }
0x6d: {  	s6 =	sadd.s32 $0x200, s6;
	v5 =	vld [tilespmem:s0+$0xFFFFFF00];
	[tilespmem:s0+$0x90] =	vst v7;
	v6 =	vshll.u32 v6, $0x1  }
0x6e: {  	[tilespmem:s0+$0xA0] =	vst v6;
	v0 =	vshll.u32 v0, $0x1  }
0x6f: {  	[tilespmem:s0+$0xB0] =	vst v0;
	v0 =	vshll.u32 v2, $0x1  }
0x70: {  	[tilespmem:s0+$0xC0] =	vst v0;
	v0 =	vshll.u32 v3, $0x1  }
0x71: {  	[tilespmem:s0+$0xD0] =	vst v0;
	v0 =	vshll.u32 v4, $0x1  }
0x72: {  	v2 =	vshll.u32 v5, $0x1;
	[tilespmem:s0+$0xE0] =	vst v0  }
0x73: {  	[tilespmem:s0+$0xFFFFFF00] =	vst v2;
	s0 =	simm.s32 $0x0  }
0x74: {  	[tilespmem:s13], [sflag:$0x1] =	stream.indirect.gather [hbm4b:s4+s9], $0x40, s0, s9, $0xb8;
	[tilespmem:$0x19E00] =	vst v63  }
0x75: {  	_ = 	snop  }
0x76: {  	[tilespmem:s14], [sflag:$0x2] =	stream.indirect.gather [hbm4b:s4+s9], $0x40, s9, s9, $0xb8;
	[tilespmem:$0x19E00] =	vst v63  }
0x77: {  	_ = 	snop  }
0x78: {  	[tilespmem:s16], [sflag:$0x3] =	stream.indirect.gather [hbm4b:s4+s9], $0x40, s15, s9, $0xb8;
	[tilespmem:$0x19E00] =	vst v63  }
0x79: {  	s1 =	simm.s32 $0x180;
	s10 =	simm.s32 $0x0  }
0x7a: {  	[tilespmem:s18], [sflag:$0x4] =	stream.indirect.gather [hbm4b:s4+s9], $0x40, s1, s9, $0xb8;
	[tilespmem:$0x19E00] =	vst v63  }
.LBB2_4:
0x7b: {  	_ =	swait.ge [sflag:s19], $0x2000  }
0x7c: {  	s5 =	sshll.u32 s10, $0x8;
	[sflag:s19] =	ssyncset.done $0x0  }
0x7d: {  	s11 =	simm.s32 $0x1;
	s5 =	sand.u32 $0x3FFFFF00, s5;
	[sflag:s19] =	ssyncadd.s32 $0xFFFFE000  }
0x7e: {  	s8 =	simm.s32 $0x4;
	v5 =	vmov s11;
	v36 =	vld [tilespmem:s5+$0x6400]  }
0x7f: {  	v3 =	vmov s8;
	v5 =	vshrl.u32 v5, $0x3;
	v35 =	vld [tilespmem:s5+$0x6410]  }
0x80: {  	s17 =	simm.s32 $0x2;
	v3 =	vshrl.u32 v3, $0x3;
	v34 =	vld [tilespmem:s5+$0x6420];
	v5 =	vshll.u32 v5, v1  }
0x81: {  	s28 =	simm.s32 $0x3;
	v6 =	vmov s17;
	v33 =	vld [tilespmem:s5+$0x6430];
	s5 =	simm.s32 $0x9700;
	v3 =	vshll.u32 v3, v1;
	v5 =	vbroadcast v5, $0x0  }
0x82: {  	v6 =	vshrl.u32 v6, $0x3;
	v7 =	vld [tilespmem:s5+$0x0];
	v44 =	vbroadcast v3, $0x0;
	v3 =	vmov s28  }
0x83: {  	v6 =	vshll.u32 v6, v1;
	v8 =	vld [tilespmem:s5+$0xFFFFFF40];
	v3 =	vshrl.u32 v3, $0x3;
	v11 =	vadd.s32 v60, v5  }
0x84: {  	v9 =	vld [tilespmem:s5+$0xFFFFFF80];
	v37 =	vbroadcast v6, $0x0;
	v6 =	vadd.s32 v26, v44;
	v3 =	vshll.u32 v3, v1;
	[tilespmem:$0x1FDA0] =	vst v11  }
0x85: {  	v0 =	vmov s0;
	s12 =	simm.s32 $0x5;
	v10 =	vadd.s32 v62, v5;
	v56 =	vbroadcast v3, $0x0;
	v11 =	vld [tilespmem:s5+$0xFFFFFFC0]  }
0x86: {  	s29 =	simm.s32 $0x6;
	v4 =	vmov s12;
	v0 =	vshrl.u32 v0, $0x3;
	v12 =	vadd.s32 v18, v37;
	v3 =	vld [tilespmem:s5+$0xFFFFFF00]  }
0x87: {  	v14 =	vmov s29;
	v13 =	vld [tilespmem:s5+$0xC0];
	v7 =	vadd.f32 v7, v36;
	v15 =	vadd.s32 v32, v56  }
0x88: {  	v17 =	vshll.u32 v0, v1;
	v4 =	vshrl.u32 v4, $0x3;
	v16 =	vld [tilespmem:s5+$0x80];
	v0 =	vadd.f32 v8, v36  }
0x89: {  	v4 =	vshll.u32 v4, v1;
	v8 =	vshrl.u32 v14, $0x3;
	v14 =	vld [tilespmem:s5+$0x40];
	v9 =	vadd.f32 v9, v36;
	[tilespmem:v6+s20+$0x0] =	vst.idx.msk $0xffff, v7  }
0x8a: {  	v55 =	vbroadcast v4, $0x0;
	[tilespmem:v10+s20+$0x0] =	vst.idx.msk $0xffff, v0;
	v6 =	vld [tilespmem:s5+$0x10];
	v7 =	vadd.f32 v11, v36  }
0x8b: {  	s6 =	simm.s32 $0x7;
	[tilespmem:v12+s20+$0x0] =	vst.idx.msk $0xffff, v9;
	v4 =	vld [tilespmem:s5+$0xFFFFFF50]  }
0x8c: {  	v2 =	vmov s6;
	v0 =	vadd.s32 v46, v55;
	v10 =	vld [tilespmem:s5+$0xFFFFFF90];
	[tilespmem:v15+s20+$0x0] =	vst.idx.msk $0xffff, v7  }
0x8d: {  	v54 =	vbroadcast v17, $0x0;
	v17 =	vadd.s32 v22, v37;
	[tilespmem:$0x1FD90] =	vst v0;
	v0 =	vadd.s32 v27, v56;
	v27 =	vmovc v22;
	v22 =	vld [tilespmem:$0x1FE50]  }
0x8e: {  	s1 =	simm.s32 $0x9;
	v2 =	vshrl.u32 v2, $0x3;
	v8 =	vshll.u32 v8, v1  }
0x8f: {  	v59 =	vmov s1;
	v2 =	vshll.u32 v2, v1;
	v52 =	vbroadcast v8, $0x0  }
0x90: {  	v59 =	vshrl.u32 v59, $0x3;
	v12 =	vbroadcast v2, $0x0  }
0x91: {  	v8 =	vadd.f32 v13, v36;
	v7 =	vadd.s32 v24, v52;
	v13 =	vld [tilespmem:s5+$0xFFFFFFD0];
	[tilespmem:$0x1FDC0] =	vst v0;
	v0 =	vadd.s32 v23, v55  }
0x92: {  	v38 =	vadd.f32 v4, v35;
	v4 =	vadd.f32 v10, v35;
	[tilespmem:$0x1FDE0] =	vst v0;
	v0 =	vadd.s32 v22, v12  }
0x93: {  	v21 =	vshll.u32 v59, v1;
	v41 =	vadd.s32 v25, v54;
	v9 =	vadd.s32 v50, v5;
	[tilespmem:$0x1FDB0] =	vst v0  }
0x94: {  	s12 =	simm.s32 $0x9900;
	v39 =	vadd.s32 v31, v55;
	v0 =	vadd.s32 v49, v52;
	[tilespmem:v17+s20+$0x0] =	vst.idx.msk $0xffff, v4  }
0x95: {  	v11 =	vadd.s32 v28, v44;
	v16 =	vadd.f32 v16, v36;
	v48 =	vld [tilespmem:s12+$0xFFFFFF40];
	[tilespmem:$0x1FDD0] =	vst v0;
	v0 =	vadd.s32 v40, v54  }
0x96: {  	v29 =	vmovc v24;
	v47 =	vadd.s32 v20, v37;
	v24 =	vmov v43;
	v43 =	vadd.s32 v43, v56;
	[tilespmem:$0x1FDF0] =	vst v0  }
0x97: {  	s31 =	simm.s32 $0xF;
	v14 =	vadd.f32 v14, v36;
	v15 =	vadd.s32 v51, v12;
	v0 =	vld [tilespmem:$0x1FE10];
	[tilespmem:v7+s20+$0x0] =	vst.idx.msk $0xffff, v16  }
0x98: {  	v53 =	vmov s31;
	s28 =	simm.s32 $0xA;
	v42 =	vadd.s32 v45, v52;
	v6 =	vadd.f32 v6, v35;
	[tilespmem:v9+s20+$0x0] =	vst.idx.msk $0xffff, v38;
	v23 =	vld [tilespmem:s5+$0x90]  }
0x99: {  	s11 =	simm.s32 $0xC;
	v45 =	vadd.s32 v19, v5;
	v13 =	vadd.f32 v13, v35;
	v40 =	vld [tilespmem:s5+$0xFFFFFFA0];
	v16 =	vmov s28;
	[tilespmem:v39+s20+$0x0] =	vst.idx.msk $0xffff, v14  }
0x9a: {  	v5 =	vmovc v51;
	v51 =	vbroadcast v21, $0x0;
	v7 =	vmov s11;
	[tilespmem:v11+s20+$0x0] =	vst.idx.msk $0xffff, v6;
	v16 =	vshrl.u32 v16, $0x3  }
0x9b: {  	v3 =	vadd.f32 v3, v36;
	[tilespmem:v43+s20+$0x0] =	vst.idx.msk $0xffff, v13;
	v7 =	vshrl.u32 v7, $0x3;
	v14 =	vshll.u32 v16, v1;
	v16 =	vld [tilespmem:s5+$0xFFFFFF60]  }
0x9c: {  	[tilespmem:v15+s20+$0x0] =	vst.idx.msk $0xffff, v8;
	v39 =	vbroadcast v14, $0x0;
	v14 =	vshrl.u32 v53, $0x3;
	v53 =	vadd.s32 v62, v51;
	v62 =	vld [tilespmem:s12+$0x0]  }
0x9d: {  	v7 =	vshll.u32 v7, v1;
	v17 =	vadd.s32 v0, v44;
	v0 =	vmovc v60;
	v60 =	vld [tilespmem:s12+$0xFFFFFF80];
	v15 =	vadd.f32 v23, v35  }
0x9e: {  	[tilespmem:v41+s20+$0x0] =	vst.idx.msk $0xffff, v3;
	v11 =	vadd.f32 v40, v34;
	v40 =	vbroadcast v7, $0x0;
	v7 =	vld [tilespmem:s12+$0xFFFFFF00]  }
0x9f: {  	v63 =	vadd.s32 v18, v39;
	[tilespmem:v42+s20+$0x0] =	vst.idx.msk $0xffff, v15;
	v42 =	vld [tilespmem:s5+$0xD0]  }
0xa0: {  	v38 =	vadd.s32 v0, v51;
	v0 =	vadd.f32 v48, v36;
	v8 =	vadd.s32 v26, v40  }
0xa1: {  	s31 =	simm.s32 $0xE;
	v10 =	vadd.s32 v57, v12;
	[tilespmem:v47+s20+$0x0] =	vst.idx.msk $0xffff, v11;
	v16 =	vadd.f32 v16, v34  }
0xa2: {  	v15 =	vmov s31;
	[tilespmem:v53+s20+$0x0] =	vst.idx.msk $0xffff, v0;
	v3 =	vadd.f32 v60, v36  }
0xa3: {  	v59 =	vadd.f32 v62, v36;
	[tilespmem:v45+s20+$0x0] =	vst.idx.msk $0xffff, v16;
	v15 =	vshrl.u32 v15, $0x3;
	v48 =	vadd.f32 v7, v36  }
0xa4: {  	v7 =	vshll.u32 v15, v1;
	[tilespmem:v63+s20+$0x0] =	vst.idx.msk $0xffff, v3;
	v3 =	vadd.f32 v42, v35  }
0xa5: {  	v41 =	vbroadcast v7, $0x0;
	[tilespmem:v8+s20+$0x0] =	vst.idx.msk $0xffff, v59  }
0xa6: {  	v4 =	vmov v49;
	[tilespmem:v10+s20+$0x0] =	vst.idx.msk $0xffff, v3  }
0xa7: {  	v59 =	vadd.s32 v29, v41;
	v29 =	vmov v4;
	v4 =	vld [tilespmem:$0x1FD90]  }
0xa8: {  	s30 =	simm.s32 $0x8;
	v6 =	vld [tilespmem:s5+$0x50]  }
0xa9: {  	v49 =	vmov s30;
	s30 =	simm.s32 $0xB  }
0xaa: {  	v21 =	vmov s30  }
0xab: {  	v43 =	vshrl.u32 v21, $0x3;
	v16 =	vld [tilespmem:s5+$0x20]  }
0xac: {  	v60 =	vld [tilespmem:s5+$0xFFFFFF10];
	v15 =	vshll.u32 v43, v1  }
0xad: {  	v6 =	vadd.f32 v6, v35;
	v62 =	vld [tilespmem:s12+$0xFFFFFFC0];
	v43 =	vbroadcast v15, $0x0  }
0xae: {  	v61 =	vadd.s32 v30, v54  }
0xaf: {  	v0 =	vadd.s32 v32, v43;
	[tilespmem:v4+s20+$0x0] =	vst.idx.msk $0xffff, v6  }
0xb0: {  	v3 =	vadd.f32 v16, v34;
	v4 =	vld [tilespmem:$0x1FE20]  }
0xb1: {  	v8 =	vadd.f32 v60, v35  }
0xb2: {  	v10 =	vadd.f32 v62, v36;
	[tilespmem:v17+s20+$0x0] =	vst.idx.msk $0xffff, v3  }
0xb3: {  	[tilespmem:v61+s20+$0x0] =	vst.idx.msk $0xffff, v8  }
0xb4: {  	v18 =	vld [tilespmem:$0x1FF40];
	[tilespmem:v0+s20+$0x0] =	vst.idx.msk $0xffff, v10  }
0xb5: {  	v16 =	vadd.s32 v4, v44;
	v4 =	vld [tilespmem:$0x1FE30];
	_ =	sdelay $0x4  }
0xb6: {  	v60 =	vadd.s32 v4, v55;
	v4 =	vld [tilespmem:$0x1FDA0]  }
0xb7: {  	v7 =	vld [tilespmem:s5+$0xFFFFFF70];
	_ =	sdelay $0x4  }
0xb8: {  	v14 =	vshll.u32 v14, v1;
	v7 =	vadd.f32 v7, v33  }
0xb9: {  	v45 =	vbroadcast v14, $0x0  }
0xba: {  	[tilespmem:v4+s20+$0x0] =	vst.idx.msk $0xffff, v7  }
0xbb: {  	v53 =	vadd.s32 v5, v45;
	v5 =	vld [tilespmem:$0x1FDB0]  }
0xbc: {  	v6 =	vld [tilespmem:s5+$0xE0];
	_ =	sdelay $0x4  }
0xbd: {  	v6 =	vadd.f32 v6, v34;
	_ =	sdelay $0x1  }
0xbe: {  	v2 =	vld [tilespmem:s5+$0xFFFFFFB0];
	[tilespmem:v5+s20+$0x0] =	vst.idx.msk $0xffff, v6  }
0xbf: {  	v6 =	vld [tilespmem:$0x1FDC0]  }
0xc0: {  	v14 =	vld [tilespmem:s5+$0xFFFFFFE0];
	_ =	sdelay $0x4  }
0xc1: {  	v61 =	vadd.f32 v2, v33;
	v2 =	vadd.f32 v14, v34;
	_ =	sdelay $0x1  }
0xc2: {  	v58 =	vld [tilespmem:s12+$0x80];
	[tilespmem:v6+s20+$0x0] =	vst.idx.msk $0xffff, v2  }
0xc3: {  	s29 =	simm.s32 $0xD;
	v2 =	vld [tilespmem:$0x1FFC0]  }
0xc4: {  	v9 =	vmov s29  }
0xc5: {  	v9 =	vshrl.u32 v9, $0x3  }
0xc6: {  	v9 =	vshll.u32 v9, v1;
	v11 =	vld [tilespmem:s12+$0x40]  }
0xc7: {  	v42 =	vbroadcast v9, $0x0;
	v9 =	vld [tilespmem:s5+$0xA0]  }
0xc8: {  	v8 =	vadd.f32 v58, v36;
	v58 =	vadd.s32 v2, v41;
	v2 =	vld [tilespmem:$0x1FE00];
	_ =	sdelay $0x4  }
0xc9: {  	v62 =	vadd.f32 v11, v36;
	v11 =	vadd.f32 v9, v34;
	v9 =	vadd.s32 v2, v56;
	v2 =	vld [tilespmem:$0x1FDD0];
	_ =	sdelay $0x7  }
0xca: {  	[tilespmem:v2+s20+$0x0] =	vst.idx.msk $0xffff, v11  }
0xcb: {  	v6 =	vld [tilespmem:$0x1FE60];
	_ =	sdelay $0x4  }
0xcc: {  	v11 =	vadd.s32 v6, v12;
	v6 =	vld [tilespmem:$0x1FDE0]  }
0xcd: {  	v0 =	vld [tilespmem:s5+$0x60];
	_ =	sdelay $0x3  }
0xce: {  	v17 =	vld [tilespmem:s12+$0xFFFFFF50]  }
0xcf: {  	v15 =	vld [tilespmem:s12+$0x10];
	v0 =	vadd.f32 v0, v34  }
0xd0: {  	v10 =	vld [tilespmem:s5+$0x30]  }
0xd1: {  	v7 =	vld [tilespmem:s12+$0xFFFFFF90];
	[tilespmem:v6+s20+$0x0] =	vst.idx.msk $0xffff, v0  }
0xd2: {  	v0 =	vld [tilespmem:$0x1FE40]  }
0xd3: {  	v13 =	vshrl.u32 v49, $0x3;
	v21 =	vadd.s32 v28, v40;
	v4 =	vadd.f32 v17, v35;
	v17 =	vld [tilespmem:s5+$0xFFFFFF20]  }
0xd4: {  	v13 =	vshll.u32 v13, v1;
	v2 =	vld [tilespmem:s5+$0xF0]  }
0xd5: {  	v23 =	vld [tilespmem:s12+$0xC0];
	v44 =	vbroadcast v13, $0x0;
	v13 =	vadd.f32 v15, v35;
	v15 =	vadd.f32 v10, v33  }
0xd6: {  	v5 =	vld [tilespmem:s12+$0xFFFFFFD0]  }
0xd7: {  	v10 =	vadd.s32 v0, v52;
	v0 =	vld [tilespmem:$0x1FE90];
	[tilespmem:v16+s20+$0x0] =	vst.idx.msk $0xffff, v15  }
0xd8: {  	v63 =	vadd.s32 v24, v43;
	v14 =	vadd.f32 v7, v35;
	v24 =	vld [tilespmem:$0x1FF80];
	[tilespmem:v21+s20+$0x0] =	vst.idx.msk $0xffff, v13  }
0xd9: {  	v7 =	vadd.f32 v17, v34;
	v17 =	vadd.f32 v2, v33;
	v2 =	vld [tilespmem:$0x1FDF0];
	_ =	sdelay $0x1  }
0xda: {  	v49 =	vadd.f32 v23, v36;
	v23 =	vadd.s32 v50, v51;
	_ =	sdelay $0x1  }
0xdb: {  	v6 =	vadd.f32 v5, v35;
	v5 =	vadd.s32 v0, v54;
	v54 =	vadd.s32 v30, v44;
	v30 =	vld [tilespmem:$0x1FFA0]  }
0xdc: {  	v31 =	vmov v19;
	v47 =	vadd.s32 v46, v42;
	v3 =	vadd.s32 v27, v39  }
0xdd: {  	v19 =	vmovc v46;
	v46 =	vadd.s32 v18, v43;
	v55 =	vadd.s32 v25, v44;
	v56 =	vadd.s32 v57, v45;
	v12 =	vld [tilespmem:s5+$0xB0]  }
0xde: {  	v15 =	vld [tilespmem:s5+$0xFFFFFFF0];
	v52 =	vadd.s32 v22, v45;
	v0 =	vadd.s32 v31, v51;
	[tilespmem:v23+s20+$0x0] =	vst.idx.msk $0xffff, v4  }
0xdf: {  	v4 =	vadd.s32 v20, v39;
	v51 =	vadd.s32 v29, v41;
	[tilespmem:v2+s20+$0x0] =	vst.idx.msk $0xffff, v7;
	v2 =	vld [tilespmem:s5+$0x70]  }
0xe0: {  	s6 =	simm.s32 $0x10;
	s8 =	simm.s32 $0x9B00;
	v27 =	vmovc v18;
	v29 =	vmovc v19;
	v16 =	vadd.s32 v24, v42;
	v31 =	vmov v24;
	v50 =	vadd.s32 v30, v42;
	v13 =	vld [tilespmem:s5+$0xFFFFFF30]  }
.LBB2_5:
0xe1: {  	v21 =	vld [tilespmem:$0x1FF10]  }
0xe2: {  	v18 =	vld [tilespmem:s8+$0xFFFFFF40]  }
0xe3: {  	v7 =	vld [tilespmem:$0x1FE80];
	[tilespmem:v59+s20+$0x0] =	vst.idx.msk $0xffff, v8  }
0xe4: {  	s28 =	smov.u32 s6;
	[tilespmem:v3+s20+$0x0] =	vst.idx.msk $0xffff, v14;
	v8 =	vld [tilespmem:s8+$0x80]  }
0xe5: {  	[tilespmem:v16+s20+$0x0] =	vst.idx.msk $0xffff, v62;
	s31 =	sadd.s32 $0x2, s28;
	v20 =	vld [tilespmem:s12+$0xFFFFFFA0]  }
0xe6: {  	[tilespmem:v11+s20+$0x0] =	vst.idx.msk $0xffff, v17;
	v17 =	vmov s31;
	v22 =	vld [tilespmem:s8+$0xFFFFFF80];
	v3 =	vadd.f32 v15, v33;
	v21 =	vadd.s32 v21, v37  }
0xe7: {  	v16 =	vshrl.u32 v17, $0x3;
	v17 =	vld [tilespmem:s12+$0x50];
	v12 =	vadd.f32 v12, v33  }
0xe8: {  	s29 =	sadd.s32 $0x4, s28;
	v13 =	vadd.f32 v13, v33;
	[tilespmem:v9+s20+$0x0] =	vst.idx.msk $0xffff, v3;
	v9 =	vshll.u32 v16, v1;
	v16 =	vld [tilespmem:s12+$0x90]  }
0xe9: {  	v14 =	vmov s29;
	[tilespmem:v10+s20+$0x0] =	vst.idx.msk $0xffff, v12;
	v12 =	vld [tilespmem:s12+$0xFFFFFF60]  }
0xea: {  	s11 =	sadd.s32 $0x1, s28;
	v3 =	vadd.f32 v2, v33;
	v10 =	vshrl.u32 v14, $0x3;
	v14 =	vld [tilespmem:$0x1FEA0];
	[tilespmem:v5+s20+$0x0] =	vst.idx.msk $0xffff, v13  }
0xeb: {  	v59 =	vmov s28;
	v11 =	vmov s11;
	[tilespmem:v21+s20+$0x0] =	vst.idx.msk $0xffff, v61;
	v21 =	vld [tilespmem:$0x1FEF0]  }
0xec: {  	v11 =	vshrl.u32 v11, $0x3;
	v57 =	vadd.s32 v7, v44;
	v5 =	vld [tilespmem:s8+$0xFFFFFF00];
	[tilespmem:v60+s20+$0x0] =	vst.idx.msk $0xffff, v3;
	v3 =	vshll.u32 v10, v1  }
0xed: {  	s30 =	sadd.s32 $0x5, s28;
	s5 =	sadd.s32 $0x6, s28;
	s28 =	sadd.s32 $0x3, s28;
	v2 =	vshll.u32 v11, v1;
	v10 =	vadd.f32 v20, v34;
	v20 =	vld [tilespmem:s8+$0x0];
	v3 =	vbroadcast v3, $0x0  }
0xee: {  	v7 =	vld [tilespmem:$0x1FE10];
	v37 =	vmovc v39;
	v13 =	vshrl.u32 v59, $0x3;
	v59 =	vmov s28;
	v39 =	vbroadcast v9, $0x0;
	[tilespmem:v63+s20+$0x0] =	vst.idx.msk $0xffff, v6  }
0xef: {  	v2 =	vbroadcast v2, $0x0;
	v59 =	vshrl.u32 v59, $0x3;
	[tilespmem:v55+s20+$0x0] =	vst.idx.msk $0xffff, v48;
	v60 =	vld [tilespmem:s12+$0x20];
	v6 =	vadd.s32 v26, v3  }
0xf0: {  	v63 =	vshll.u32 v59, v1;
	v9 =	vld [tilespmem:s8+$0x40];
	v12 =	vadd.f32 v12, v34;
	v21 =	vadd.s32 v21, v39  }
0xf1: {  	v61 =	vld [tilespmem:s8+$0xC0];
	v14 =	vadd.s32 v14, v2;
	v16 =	vadd.f32 v16, v35;
	[tilespmem:v4+s20+$0x0] =	vst.idx.msk $0xffff, v10  }
0xf2: {  	v5 =	vadd.f32 v5, v36;
	v20 =	vadd.f32 v20, v36;
	[tilespmem:v0+s20+$0x0] =	vst.idx.msk $0xffff, v12;
	v0 =	vld [tilespmem:s12+$0xFFFFFFB0]  }
0xf3: {  	v7 =	vadd.s32 v7, v40;
	[tilespmem:v58+s20+$0x0] =	vst.idx.msk $0xffff, v16;
	v12 =	vadd.f32 v22, v36;
	v22 =	vld [tilespmem:s12+$0xFFFFFF70]  }
0xf4: {  	v4 =	vadd.f32 v18, v36;
	v48 =	vmov v5;
	v5 =	vbroadcast v63, $0x0;
	v63 =	vld [tilespmem:$0x1FE30];
	[tilespmem:v6+s20+$0x0] =	vst.idx.msk $0xffff, v20  }
0xf5: {  	v17 =	vadd.f32 v17, v35;
	v18 =	vmov s5;
	[tilespmem:v21+s20+$0x0] =	vst.idx.msk $0xffff, v12;
	v21 =	vld [tilespmem:$0x1FFB0]  }
0xf6: {  	s17 =	sadd.s32 $0x7, s6;
	v15 =	vmov s30;
	v18 =	vshrl.u32 v18, $0x3;
	v58 =	vadd.f32 v60, v34;
	[tilespmem:v14+s20+$0x0] =	vst.idx.msk $0xffff, v4;
	v14 =	vld [tilespmem:$0x1FE20]  }
0xf7: {  	v19 =	vmov s17;
	v15 =	vshrl.u32 v15, $0x3;
	[tilespmem:v47+s20+$0x0] =	vst.idx.msk $0xffff, v17;
	v18 =	vshll.u32 v18, v1;
	v12 =	vld [tilespmem:s8+$0x10]  }
0xf8: {  	v11 =	vshrl.u32 v19, $0x3;
	v15 =	vshll.u32 v15, v1;
	v18 =	vbroadcast v18, $0x0;
	[tilespmem:v7+s20+$0x0] =	vst.idx.msk $0xffff, v58;
	v7 =	vld [tilespmem:s12+$0x60]  }
0xf9: {  	v11 =	vshll.u32 v11, v1;
	v6 =	vbroadcast v15, $0x0;
	v15 =	vld [tilespmem:s12+$0xA0]  }
0xfa: {  	v62 =	vld [tilespmem:$0x1FFE0];
	[tilespmem:v53+s20+$0x0] =	vst.idx.msk $0xffff, v49;
	v60 =	vadd.s32 v63, v42;
	v59 =	vadd.s32 v21, v18  }
0xfb: {  	v16 =	vld [tilespmem:s12+$0xD0];
	v42 =	vmovc v6;
	v21 =	vbroadcast v11, $0x0;
	v11 =	vadd.s32 v29, v6;
	v6 =	vadd.f32 v22, v33  }
0xfc: {  	v24 =	vadd.s32 v14, v40;
	v14 =	vld [tilespmem:s8+$0xFFFFFF50]  }
0xfd: {  	v49 =	vadd.f32 v61, v36;
	[tilespmem:v38+s20+$0x0] =	vst.idx.msk $0xffff, v6;
	v6 =	vadd.f32 v7, v34;
	v7 =	vld [tilespmem:$0x1FFC0]  }
0xfe: {  	v55 =	vld [tilespmem:s12+$0xFFFFFF10];
	v61 =	vadd.f32 v0, v33;
	v0 =	vadd.f32 v15, v34  }
0xff: {  	v10 =	vld [tilespmem:s8+$0xFFFFFFC0]  }
0x100: {  	[tilespmem:v51+s20+$0x0] =	vst.idx.msk $0xffff, v0;
	v0 =	vld [tilespmem:$0x1FE60]  }
0x101: {  	v16 =	vadd.f32 v16, v35;
	v47 =	vmov v11;
	v11 =	vld [tilespmem:s12+$0x30]  }
0x102: {  	v58 =	vadd.s32 v7, v18;
	v7 =	vld [tilespmem:$0x1FE00]  }
0x103: {  	[tilespmem:v56+s20+$0x0] =	vst.idx.msk $0xffff, v16;
	v16 =	vadd.s32 v32, v5  }
0x104: {  	v53 =	vadd.s32 v62, v21;
	v62 =	vadd.f32 v9, v36;
	v9 =	vadd.f32 v55, v35  }
0x105: {  	v4 =	vadd.f32 v10, v36;
	v10 =	vld [tilespmem:s12+$0xFFFFFFE0]  }
0x106: {  	[tilespmem:v54+s20+$0x0] =	vst.idx.msk $0xffff, v9  }
0x107: {  	v9 =	vadd.s32 v7, v43;
	v7 =	vadd.f32 v11, v33;
	v11 =	vadd.s32 v0, v45;
	v0 =	vld [tilespmem:$0x1FFF0];
	_ =	sdelay $0x1  }
0x108: {  	[tilespmem:v16+s20+$0x0] =	vst.idx.msk $0xffff, v4  }
0x109: {  	v10 =	vadd.f32 v10, v34;
	v16 =	vld [tilespmem:s8+$0xFFFFFFD0]  }
0x10a: {  	v56 =	vadd.s32 v27, v5;
	v43 =	vmov v5;
	v5 =	vld [tilespmem:$0x1FF30];
	v45 =	vmov v21  }
0x10b: {  	[tilespmem:v46+s20+$0x0] =	vst.idx.msk $0xffff, v10;
	v46 =	vmov v56;
	v56 =	vadd.s32 v0, v45;
	v0 =	vld [tilespmem:$0x1FE90]  }
0x10c: {  	v19 =	vld [tilespmem:$0x1FEE0]  }
0x10d: {  	v20 =	vld [tilespmem:$0x1FEB0];
	_ =	sdelay $0x1  }
0x10e: {  	v13 =	vshll.u32 v13, v1;
	v17 =	vld [tilespmem:s12+$0xE0]  }
0x10f: {  	v13 =	vbroadcast v13, $0x0;
	v63 =	vadd.s32 v5, v43;
	v5 =	vadd.s32 v0, v44;
	v0 =	vld [tilespmem:$0x1FE70]  }
0x110: {  	v19 =	vadd.s32 v19, v2;
	v23 =	vadd.s32 v28, v3;
	v40 =	vmov v3;
	v3 =	vld [tilespmem:$0x1FF00]  }
0x111: {  	v20 =	vadd.s32 v20, v2;
	v55 =	vadd.s32 v25, v13;
	v25 =	vadd.f32 v12, v35;
	v12 =	vld [tilespmem:s8+$0xFFFFFF90]  }
0x112: {  	v38 =	vmov v19;
	v19 =	vld [tilespmem:$0x1FE40]  }
0x113: {  	v15 =	vadd.f32 v17, v34;
	v4 =	vld [tilespmem:s12+$0xFFFFFF20];
	v44 =	vmov v13  }
0x114: {  	v22 =	vadd.f32 v14, v35;
	v54 =	vadd.s32 v0, v44;
	v0 =	vld [tilespmem:$0x1FEC0]  }
0x115: {  	[tilespmem:v52+s20+$0x0] =	vst.idx.msk $0xffff, v15;
	v15 =	vld [tilespmem:s12+$0xFFFFFFF0]  }
0x116: {  	[tilespmem:v20+s20+$0x0] =	vst.idx.msk $0xffff, v22;
	v20 =	vld [tilespmem:$0x1FF70]  }
0x117: {  	v17 =	vld [tilespmem:s12+$0xF0]  }
0x118: {  	[tilespmem:v24+s20+$0x0] =	vst.idx.msk $0xffff, v7;
	v7 =	vld [tilespmem:$0x1FFD0]  }
0x119: {  	p0 =	slt.u32 s6, $0x78;
	v4 =	vadd.f32 v4, v34;
	v0 =	vadd.s32 v0, v2;
	v2 =	vld [tilespmem:$0x1FE50]  }
.Ltmp1:
0x11a: {  	[tilespmem:v50+s20+$0x0] =	vst.idx.msk $0xffff, v6;
	v14 =	vadd.f32 v12, v35;
	v12 =	vld [tilespmem:s12+$0xB0];
	(pc) =	sbr.rel @p0 .LBB2_5-.Ltmp1, $4  }
0x11b: {  	v8 =	vadd.f32 v8, v36;
	v3 =	vadd.s32 v3, v39;
	v21 =	vld [tilespmem:$0x1FF10];
	[tilespmem:v57+s20+$0x0] =	vst.idx.msk $0xffff, v4  }
0x11c: {  	v50 =	vadd.s32 v30, v42;
	v6 =	vadd.f32 v16, v35;
	[tilespmem:v23+s20+$0x0] =	vst.idx.msk $0xffff, v25;
	v25 =	vld [tilespmem:$0x1FED0]  }
0x11d: {  	v16 =	vadd.s32 v31, v42;
	v10 =	vadd.s32 v19, v41;
	v41 =	vmovc v18;
	v17 =	vadd.f32 v17, v33;
	v13 =	vld [tilespmem:s12+$0xFFFFFF30]  }
0x11e: {  	s6 =	sadd.s32 $0x8, s6;
	v4 =	vadd.s32 v20, v39;
	v51 =	vadd.s32 v7, v41;
	v52 =	vadd.s32 v2, v45;
	v2 =	vld [tilespmem:s12+$0x70];
	s12 =	smov.u32 s8;
	s8 =	sadd.s32 $0x200, s8  }
0x11f: {  	v23 =	vld [tilespmem:$0x1FE70]  }
0x120: {  	v22 =	vld [tilespmem:$0x1FEE0]  }
0x121: {  	v24 =	vld [tilespmem:$0x1FEC0]  }
0x122: {  	v20 =	vld [tilespmem:$0x1FEB0]  }
0x123: {  	v18 =	vld [tilespmem:$0x1FEA0];
	[tilespmem:v59+s20+$0x0] =	vst.idx.msk $0xffff, v8  }
0x124: {  	[tilespmem:v3+s20+$0x0] =	vst.idx.msk $0xffff, v14  }
0x125: {  	[tilespmem:v53+s20+$0x0] =	vst.idx.msk $0xffff, v49  }
0x126: {  	[tilespmem:v11+s20+$0x0] =	vst.idx.msk $0xffff, v17  }
0x127: {  	[tilespmem:v16+s20+$0x0] =	vst.idx.msk $0xffff, v62;
	v7 =	vld [tilespmem:s12+$0xD0]  }
0x128: {  	v3 =	vadd.f32 v15, v33;
	[tilespmem:v55+s20+$0x0] =	vst.idx.msk $0xffff, v48;
	v53 =	vadd.s32 v21, v37  }
0x129: {  	v57 =	vadd.f32 v12, v33;
	[tilespmem:v63+s20+$0x0] =	vst.idx.msk $0xffff, v6  }
0x12a: {  	[tilespmem:v9+s20+$0x0] =	vst.idx.msk $0xffff, v3;
	v2 =	vadd.f32 v2, v33  }
0x12b: {  	[tilespmem:v10+s20+$0x0] =	vst.idx.msk $0xffff, v57  }
0x12c: {  	[tilespmem:v60+s20+$0x0] =	vst.idx.msk $0xffff, v2;
	v7 =	vadd.f32 v7, v35  }
0x12d: {  	v3 =	vld [tilespmem:s12+$0x90];
	[tilespmem:v53+s20+$0x0] =	vst.idx.msk $0xffff, v61  }
0x12e: {  	v59 =	vld [tilespmem:s12+$0x50];
	[tilespmem:v56+s20+$0x0] =	vst.idx.msk $0xffff, v7  }
0x12f: {  	v28 =	vld [tilespmem:$0x1FE10]  }
0x130: {  	v2 =	vld [tilespmem:s12+$0xFFFFFF10]  }
0x131: {  	v60 =	vld [tilespmem:s12+$0xFFFFFF60]  }
0x132: {  	v62 =	vld [tilespmem:s12+$0x20];
	v3 =	vadd.f32 v3, v35  }
0x133: {  	v63 =	vadd.f32 v59, v35;
	v7 =	vld [tilespmem:s12+$0xE0]  }
0x134: {  	v32 =	vadd.f32 v13, v33;
	[tilespmem:v58+s20+$0x0] =	vst.idx.msk $0xffff, v3;
	v3 =	vld [tilespmem:s12+$0xFFFFFFE0];
	v31 =	vadd.s32 v28, v40  }
0x135: {  	[tilespmem:v47+s20+$0x0] =	vst.idx.msk $0xffff, v63;
	v2 =	vadd.f32 v2, v35  }
0x136: {  	[tilespmem:v5+s20+$0x0] =	vst.idx.msk $0xffff, v32;
	v37 =	vadd.f32 v60, v34  }
0x137: {  	v8 =	vadd.f32 v62, v34;
	[tilespmem:v54+s20+$0x0] =	vst.idx.msk $0xffff, v2  }
0x138: {  	v47 =	vld [tilespmem:s12+$0xFFFFFFA0];
	[tilespmem:v0+s20+$0x0] =	vst.idx.msk $0xffff, v37;
	v2 =	vadd.f32 v7, v34  }
0x139: {  	v36 =	vld [tilespmem:s12+$0xA0];
	v3 =	vadd.f32 v3, v34;
	[tilespmem:v31+s20+$0x0] =	vst.idx.msk $0xffff, v8  }
0x13a: {  	v48 =	vld [tilespmem:$0x1FE80];
	[tilespmem:v52+s20+$0x0] =	vst.idx.msk $0xffff, v2  }
0x13b: {  	v6 =	vld [tilespmem:s12+$0x60];
	[tilespmem:v46+s20+$0x0] =	vst.idx.msk $0xffff, v3  }
0x13c: {  	v53 =	vld [tilespmem:$0x1FE20]  }
0x13d: {  	v0 =	vld [tilespmem:s12+$0xFFFFFF20]  }
0x13e: {  	v5 =	vld [tilespmem:s12+$0xFFFFFF70]  }
0x13f: {  	v49 =	vadd.f32 v36, v34;
	v8 =	vld [tilespmem:s12+$0x30];
	v7 =	vadd.s32 v48, v44  }
0x140: {  	v2 =	vadd.f32 v6, v34  }
0x141: {  	v52 =	vadd.f32 v47, v34;
	v3 =	vld [tilespmem:s12+$0xF0];
	[tilespmem:v51+s20+$0x0] =	vst.idx.msk $0xffff, v49;
	v10 =	vadd.s32 v53, v40  }
0x142: {  	v0 =	vadd.f32 v0, v34;
	v9 =	vld [tilespmem:$0x1FE60];
	[tilespmem:v50+s20+$0x0] =	vst.idx.msk $0xffff, v2  }
0x143: {  	v55 =	vadd.f32 v5, v33;
	v2 =	vld [tilespmem:s12+$0xB0];
	[tilespmem:v4+s20+$0x0] =	vst.idx.msk $0xffff, v52  }
0x144: {  	v56 =	vld [tilespmem:$0x1FE00];
	v8 =	vadd.f32 v8, v33;
	[tilespmem:v7+s20+$0x0] =	vst.idx.msk $0xffff, v0  }
0x145: {  	v0 =	vld [tilespmem:$0x1FE30];
	[tilespmem:v38+s20+$0x0] =	vst.idx.msk $0xffff, v55  }
0x146: {  	v58 =	vld [tilespmem:s12+$0xFFFFFFB0];
	[tilespmem:v10+s20+$0x0] =	vst.idx.msk $0xffff, v8  }
0x147: {  	v9 =	vadd.s32 v9, v45;
	v10 =	vld [tilespmem:$0x1FE90]  }
0x148: {  	v59 =	vadd.s32 v19, v41;
	v54 =	vld [tilespmem:s12+$0xFFFFFFF0]  }
0x149: {  	v62 =	vadd.s32 v21, v39;
	v57 =	vld [tilespmem:s12+$0x70]  }
0x14a: {  	v3 =	vadd.f32 v3, v33;
	v5 =	vadd.s32 v56, v43;
	v60 =	vld [tilespmem:s12+$0xFFFFFF30]  }
0x14b: {  	v2 =	vadd.f32 v2, v33;
	v0 =	vadd.s32 v0, v42  }
0x14c: {  	v63 =	vadd.f32 v58, v33;
	[tilespmem:v9+s20+$0x0] =	vst.idx.msk $0xffff, v3;
	v10 =	vadd.s32 v10, v44  }
0x14d: {  	v61 =	vadd.f32 v54, v33;
	s12 =	sshll.u32 s10, $0x2;
	[tilespmem:v59+s20+$0x0] =	vst.idx.msk $0xffff, v2  }
0x14e: {  	v3 =	vadd.f32 v57, v33;
	s5 =	sadd.s32 $0x4, s12;
	[tilespmem:v62+s20+$0x0] =	vst.idx.msk $0xffff, v63  }
0x14f: {  	[tilespmem:v5+s20+$0x0] =	vst.idx.msk $0xffff, v61;
	p0 =	seq.s32 s5, $0xC8;
	s5 =	sshll.u32 s5, $0x9;
	v2 =	vadd.f32 v60, v33  }
0x150: {  	s5 =	simm.s32 @p0 $0x0;
	[tilespmem:v0+s20+$0x0] =	vst.idx.msk $0xffff, v3  }
0x151: {  	p0 =	seq.s32 s10, $0x0;
	s5 =	sshrl.u32 s5, $0x2;
	[tilespmem:v10+s20+$0x0] =	vst.idx.msk $0xffff, v2  }
0x152: {  	[tilespmem:s13], [sflag:$0x1] =	stream.indirect.gather [hbm4b:s4+s9], $0x40, s5, s9, $0xb8;
	[tilespmem:$0x19E00] =	vst v63  }
0x153: {  	s6 =	sshll.u32 s10, $0x14;
	s5 =	simm.s32 @!p0 $0x5  }
0x154: {  	s6 =	sor.u32 s7, s6;
	_ =	swait.ge @!p0 [sflag:s5], $0x2000  }
0x155: {  	s6 =	sshrl.u32 s6, $0x3;
	[sflag:s5] =	ssyncset.done @!p0 $0x0  }
0x156: {  	s11 =	simm.s32 $0x11600;
	s6 =	sadd.s32 s2, s6;
	[sflag:s5] =	ssyncadd.s32 @!p0 $0xFFFFE000  }
0x157: {  	[hbm4b:s6+s3] =	stream.linear.scatter [tilespmem:s11], [sflag:$0x5], $0x80, $0x38;
	[tilespmem:$0x19E00] =	vst v63  }
0x158: {  	s17 =	simm.s32 $0x11688;
	s8 =	sadd.s32 $0x10, s6  }
0x159: {  	[hbm4b:s8+s3] =	stream.linear.scatter [tilespmem:s17], [sflag:$0x5], $0x80, $0x38;
	[tilespmem:$0x19E00] =	vst v63  }
0x15a: {  	s29 =	simm.s32 $0x11710;
	s31 =	simm.s32 $0x11798;
	s30 =	sadd.s32 $0x20, s6  }
0x15b: {  	[hbm4b:s30+s3] =	stream.linear.scatter [tilespmem:s29], [sflag:$0x5], $0x80, $0x38;
	[tilespmem:$0x19E00] =	vst v63  }
0x15c: {  	s1 =	sadd.s32 $0x30, s6;
	s28 =	sadd.s32 $0x70, s6;
	s5 =	simm.s32 $0x440  }
0x15d: {  	[hbm4b:s1+s3] =	stream.linear.scatter [tilespmem:s31], [sflag:$0x5], $0x80, $0x38;
	[tilespmem:$0x19E00] =	vst v63  }
0x15e: {  	s11 =	sadd.s32 $0x40, s6;
	s8 =	simm.s32 $0x11820;
	s17 =	simm.s32 $0x118A8  }
0x15f: {  	[hbm4b:s11+s3] =	stream.linear.scatter [tilespmem:s8], [sflag:$0x5], $0x80, $0x38;
	[tilespmem:$0x19E00] =	vst v63  }
0x160: {  	s29 =	sadd.s32 $0x50, s6;
	s30 =	simm.s32 $0x11930;
	s31 =	sadd.s32 $0x60, s6  }
0x161: {  	[hbm4b:s29+s3] =	stream.linear.scatter [tilespmem:s17], [sflag:$0x5], $0x80, $0x38;
	[tilespmem:$0x19E00] =	vst v63  }
0x162: {  	s6 =	sadd.s32 $0x1000, s6;
	s8 =	simm.s32 $0x2200;
	s17 =	simm.s32 $0x119B8  }
0x163: {  	v58 =	vmov v28;
	[hbm4b:s31+s3] =	stream.linear.scatter [tilespmem:s30], [sflag:$0x5], $0x80, $0x38;
	[tilespmem:$0x19E00] =	vst v63  }
.LBB2_7:
0x164: {  	[hbm4b:s28+s3] =	stream.linear.scatter [tilespmem:s17], [sflag:$0x5], $0x80, $0x38;
	[tilespmem:$0x19E00] =	vst v63  }
0x165: {  	s17 =	smov.u32 s5;
	s5 =	smov.u32 s8  }
0x166: {  	s29 =	sadd.s32 $0x1100, s8;
	s5 =	sshra.s32 s5, $0x2;
	s28 =	sadd.s32 $0x11600, s17  }
0x167: {  	[hbm4b:s6+s3] =	stream.linear.scatter [tilespmem:s28], [sflag:$0x5], $0x80, $0x38;
	[tilespmem:$0x19E00] =	vst v63  }
0x168: {  	p1 =	sne.s32 s8, $0x7700;
	s8 =	sadd.s32 $0x11688, s17;
	s28 =	sadd.s32 $0x10, s6  }
0x169: {  	[hbm4b:s28+s3] =	stream.linear.scatter [tilespmem:s8], [sflag:$0x5], $0x80, $0x38;
	[tilespmem:$0x19E00] =	vst v63  }
0x16a: {  	s8 =	sadd.s32 $0x11710, s17;
	s28 =	sadd.s32 $0x20, s6  }
0x16b: {  	[hbm4b:s28+s3] =	stream.linear.scatter [tilespmem:s8], [sflag:$0x5], $0x80, $0x38;
	[tilespmem:$0x19E00] =	vst v63  }
0x16c: {  	s8 =	sadd.s32 $0x11798, s17;
	s28 =	sadd.s32 $0x30, s6  }
0x16d: {  	[hbm4b:s28+s3] =	stream.linear.scatter [tilespmem:s8], [sflag:$0x5], $0x80, $0x38;
	[tilespmem:$0x19E00] =	vst v63  }
0x16e: {  	s8 =	sadd.s32 $0x11820, s17;
	s28 =	sadd.s32 $0x40, s6  }
0x16f: {  	[hbm4b:s28+s3] =	stream.linear.scatter [tilespmem:s8], [sflag:$0x5], $0x80, $0x38;
	[tilespmem:$0x19E00] =	vst v63  }
.Ltmp2:
0x170: {  	s8 =	sadd.s32 $0x118A8, s17;
	s28 =	sadd.s32 $0x50, s6;
	(pc) =	sbr.rel @p1 .LBB2_7-.Ltmp2, $4  }
0x171: {  	[hbm4b:s28+s3] =	stream.linear.scatter [tilespmem:s8], [sflag:$0x5], $0x80, $0x38;
	[tilespmem:$0x19E00] =	vst v63  }
0x172: {  	s8 =	sadd.s32 $0x11930, s17;
	s28 =	sadd.s32 $0x60, s6;
	s17 =	sadd.s32 $0x119B8, s17  }
0x173: {  	[hbm4b:s28+s3] =	stream.linear.scatter [tilespmem:s8], [sflag:$0x5], $0x80, $0x38;
	[tilespmem:$0x19E00] =	vst v63  }
0x174: {  	s28 =	sadd.s32 $0x70, s6;
	s6 =	sadd.s32 $0x1000, s6;
	s8 =	smov.u32 s29  }
0x175: {  	[hbm4b:s28+s3] =	stream.linear.scatter [tilespmem:s17], [sflag:$0x5], $0x80, $0x38;
	[tilespmem:$0x19E00] =	vst v63  }
0x176: {  	s8 =	sadd.s32 $0x11600, s5  }
0x177: {  	[hbm4b:s6+s3] =	stream.linear.scatter [tilespmem:s8], [sflag:$0x5], $0x80, $0x38;
	[tilespmem:$0x19E00] =	vst v63  }
0x178: {  	s1 =	sadd.s32 $0x11688, s5;
	s11 =	sadd.s32 $0x10, s6  }
0x179: {  	[hbm4b:s11+s3] =	stream.linear.scatter [tilespmem:s1], [sflag:$0x5], $0x80, $0x38;
	[tilespmem:$0x19E00] =	vst v63  }
0x17a: {  	s17 =	sadd.s32 $0x11710, s5;
	s29 =	sadd.s32 $0x20, s6  }
0x17b: {  	[hbm4b:s29+s3] =	stream.linear.scatter [tilespmem:s17], [sflag:$0x5], $0x80, $0x38;
	[tilespmem:$0x19E00] =	vst v63  }
0x17c: {  	s30 =	sadd.s32 $0x11798, s5;
	s31 =	sadd.s32 $0x30, s6  }
0x17d: {  	[hbm4b:s31+s3] =	stream.linear.scatter [tilespmem:s30], [sflag:$0x5], $0x80, $0x38;
	[tilespmem:$0x19E00] =	vst v63  }
0x17e: {  	s1 =	sadd.s32 $0x11820, s5;
	s11 =	sadd.s32 $0x40, s6  }
0x17f: {  	[hbm4b:s11+s3] =	stream.linear.scatter [tilespmem:s1], [sflag:$0x5], $0x80, $0x38;
	[tilespmem:$0x19E00] =	vst v63  }
0x180: {  	s17 =	sadd.s32 $0x118A8, s5;
	s29 =	sadd.s32 $0x50, s6  }
0x181: {  	[hbm4b:s29+s3] =	stream.linear.scatter [tilespmem:s17], [sflag:$0x5], $0x80, $0x38;
	[tilespmem:$0x19E00] =	vst v63  }
0x182: {  	s30 =	sadd.s32 $0x11930, s5;
	s31 =	sadd.s32 $0x60, s6  }
0x183: {  	[hbm4b:s31+s3] =	stream.linear.scatter [tilespmem:s30], [sflag:$0x5], $0x80, $0x38;
	[tilespmem:$0x19E00] =	vst v63  }
0x184: {  	s8 =	sadd.s32 $0x70, s6;
	s1 =	sadd.s32 $0x119B8, s5  }
0x185: {  	[hbm4b:s8+s3] =	stream.linear.scatter [tilespmem:s1], [sflag:$0x5], $0x80, $0x38;
	[tilespmem:$0x19E00] =	vst v63  }
0x186: {  	s17 =	sor.u32 $0x1, s12;
	_ =	swait.ge [sflag:s21], $0x2000  }
0x187: {  	s29 =	simm.s32 $0x0;
	s31 =	simm.s32 $0x4;
	s1 =	simm.s32 $0x1;
	v48 =	vld [tilespmem:$0x1FF50]  }
0x188: {  	s11 =	sshll.u32 s17, $0x6;
	v0 =	vmov s29;
	s29 =	simm.s32 $0x2;
	v3 =	vmov s31;
	v5 =	vmov s1;
	[sflag:s21] =	ssyncset.done $0x0;
	v49 =	vld [tilespmem:$0x1FEF0]  }
0x189: {  	s5 =	sand.u32 $0x3FFFFFC0, s11;
	v6 =	vmov s29;
	v3 =	vshrl.u32 v3, $0x3;
	v5 =	vshrl.u32 v5, $0x3;
	v26 =	vld [tilespmem:$0x1FF20];
	[sflag:s21] =	ssyncadd.s32 $0xFFFFE000  }
0x18a: {  	s6 =	simm.s32 $0xB700;
	s11 =	simm.s32 $0x3;
	v6 =	vshrl.u32 v6, $0x3;
	v3 =	vshll.u32 v3, v1;
	v5 =	vshll.u32 v5, v1;
	v36 =	vld [tilespmem:s5+$0x6400]  }
0x18b: {  	v44 =	vbroadcast v3, $0x0;
	v3 =	vmov s11;
	v8 =	vld [tilespmem:s6+$0xFFFFFF40];
	v5 =	vbroadcast v5, $0x0  }
0x18c: {  	v6 =	vshll.u32 v6, v1;
	v3 =	vshrl.u32 v3, $0x3;
	v7 =	vld [tilespmem:s6+$0x0]  }
0x18d: {  	v37 =	vbroadcast v6, $0x0;
	v9 =	vld [tilespmem:s6+$0xFFFFFF80];
	v3 =	vshll.u32 v3, v1;
	v10 =	vadd.s32 v18, v5  }
0x18e: {  	v11 =	vld [tilespmem:s6+$0xFFFFFFC0];
	v50 =	vbroadcast v3, $0x0;
	v6 =	vadd.s32 v48, v44  }
0x18f: {  	v0 =	vshrl.u32 v0, $0x3;
	v35 =	vld [tilespmem:s5+$0x6410];
	v12 =	vadd.s32 v49, v37  }
0x190: {  	v17 =	vshll.u32 v0, v1;
	v34 =	vld [tilespmem:s5+$0x6420];
	v15 =	vadd.s32 v26, v50;
	v0 =	vadd.f32 v8, v36  }
0x191: {  	v33 =	vld [tilespmem:s5+$0x6430];
	v7 =	vadd.f32 v7, v36  }
0x192: {  	v13 =	vld [tilespmem:s6+$0xC0];
	v9 =	vadd.f32 v9, v36;
	[tilespmem:v10+s22+$0x0] =	vst.idx.msk $0xffff, v0  }
0x193: {  	s29 =	simm.s32 $0x6;
	v16 =	vld [tilespmem:s6+$0x80];
	[tilespmem:v6+s22+$0x0] =	vst.idx.msk $0xffff, v7;
	v7 =	vadd.f32 v11, v36  }
0x194: {  	s28 =	simm.s32 $0x5;
	v14 =	vmov s29;
	v3 =	vld [tilespmem:s6+$0xFFFFFF00];
	[tilespmem:v12+s22+$0x0] =	vst.idx.msk $0xffff, v9  }
0x195: {  	v4 =	vmov s28;
	v8 =	vshrl.u32 v14, $0x3;
	v14 =	vld [tilespmem:s6+$0x40];
	[tilespmem:v15+s22+$0x0] =	vst.idx.msk $0xffff, v7  }
0x196: {  	v4 =	vshrl.u32 v4, $0x3;
	s30 =	simm.s32 $0x7;
	v0 =	vld [tilespmem:$0x1FF40]  }
0x197: {  	v4 =	vshll.u32 v4, v1;
	v2 =	vmov s30;
	v57 =	vld [tilespmem:$0x1FFA0]  }
0x198: {  	v55 =	vbroadcast v4, $0x0;
	v2 =	vshrl.u32 v2, $0x3;
	v4 =	vld [tilespmem:s6+$0xFFFFFF50]  }
0x199: {  	v2 =	vshll.u32 v2, v1;
	v6 =	vld [tilespmem:s6+$0x10]  }
0x19a: {  	v53 =	vmovc v22;
	v61 =	vadd.s32 v22, v5;
	v22 =	vbroadcast v2, $0x0;
	v8 =	vshll.u32 v8, v1;
	v10 =	vld [tilespmem:s6+$0xFFFFFF90]  }
0x19b: {  	v52 =	vbroadcast v8, $0x0;
	v8 =	vadd.f32 v13, v36;
	v13 =	vld [tilespmem:s6+$0xFFFFFFD0];
	v2 =	vadd.s32 v0, v50  }
0x19c: {  	v24 =	vadd.s32 v24, v5;
	v9 =	vadd.s32 v20, v5;
	v5 =	vadd.s32 v57, v55;
	[tilespmem:$0x1FD50] =	vst v2;
	v2 =	vld [tilespmem:$0x1FF00]  }
0x19d: {  	v54 =	vbroadcast v17, $0x0;
	v30 =	vld [tilespmem:$0x1FFB0]  }
0x19e: {  	v60 =	vld [tilespmem:$0x1FF60]  }
0x19f: {  	v47 =	vmov v18;
	v18 =	vadd.s32 v25, v54;
	[tilespmem:$0x1FD70] =	vst v5;
	v5 =	vmov v25;
	v25 =	vld [tilespmem:$0x1FE50]  }
0x1a0: {  	v63 =	vld [tilespmem:$0x1FF90]  }
0x1a1: {  	v62 =	vld [tilespmem:$0x1FFE0];
	v17 =	vadd.s32 v2, v37  }
0x1a2: {  	v27 =	vld [tilespmem:$0x1FFC0]  }
0x1a3: {  	v29 =	vld [tilespmem:$0x1FF30]  }
0x1a4: {  	v31 =	vld [tilespmem:$0x1FFF0];
	v19 =	vadd.f32 v4, v35;
	v4 =	vadd.f32 v10, v35;
	v38 =	vadd.s32 v25, v22  }
0x1a5: {  	v51 =	vld [tilespmem:$0x1FF80];
	[tilespmem:$0x1FD40] =	vst v38  }
0x1a6: {  	v56 =	vld [tilespmem:$0x1FF70];
	[tilespmem:v17+s22+$0x0] =	vst.idx.msk $0xffff, v4  }
0x1a7: {  	v4 =	vld [tilespmem:$0x1FFD0];
	_ =	sdelay $0x3  }
0x1a8: {  	s5 =	simm.s32 $0xB900  }
0x1a9: {  	v42 =	vld [tilespmem:s5+$0xFFFFFF40];
	v4 =	vadd.s32 v4, v52  }
0x1aa: {  	[tilespmem:$0x1FD60] =	vst v4;
	v4 =	vld [tilespmem:$0x1FE80];
	_ =	sdelay $0x1  }
0x1ab: {  	s28 =	simm.s32 $0xF;
	s30 =	simm.s32 $0x8;
	s31 =	simm.s32 $0x9;
	v7 =	vadd.s32 v30, v52  }
0x1ac: {  	v40 =	vmov s28;
	v43 =	vmov s30;
	v39 =	vmov s31  }
0x1ad: {  	v28 =	vadd.s32 v23, v54;
	v16 =	vadd.f32 v16, v36;
	v23 =	vadd.s32 v51, v55  }
0x1ae: {  	v3 =	vadd.f32 v3, v36;
	v11 =	vadd.s32 v60, v44;
	v4 =	vadd.s32 v4, v54  }
0x1af: {  	v14 =	vadd.f32 v14, v36;
	v6 =	vadd.f32 v6, v35;
	v21 =	vadd.s32 v29, v50;
	[tilespmem:$0x1FD80] =	vst v4  }
0x1b0: {  	s28 =	simm.s32 $0xA;
	v39 =	vshrl.u32 v39, $0x3;
	v12 =	vadd.s32 v63, v55;
	v15 =	vadd.s32 v62, v22;
	[tilespmem:v7+s22+$0x0] =	vst.idx.msk $0xffff, v16  }
0x1b1: {  	v32 =	vmovc v20;
	v20 =	vadd.s32 v27, v52;
	v10 =	vadd.s32 v31, v22;
	v16 =	vmov s28;
	[tilespmem:v9+s22+$0x0] =	vst.idx.msk $0xffff, v19;
	v46 =	vld [tilespmem:s6+$0x90]  }
0x1b2: {  	s1 =	simm.s32 $0xC;
	v13 =	vadd.f32 v13, v35;
	v41 =	vadd.s32 v56, v37;
	v38 =	vld [tilespmem:s6+$0xFFFFFFA0];
	[tilespmem:v23+s22+$0x0] =	vst.idx.msk $0xffff, v14;
	v16 =	vshrl.u32 v16, $0x3  }
0x1b3: {  	v17 =	vadd.s32 v58, v44;
	v7 =	vmov s1;
	[tilespmem:v11+s22+$0x0] =	vst.idx.msk $0xffff, v6;
	v14 =	vshll.u32 v16, v1;
	v16 =	vld [tilespmem:s6+$0xFFFFFF60]  }
0x1b4: {  	v45 =	vld [tilespmem:s5+$0xFFFFFF80];
	v19 =	vshll.u32 v39, v1;
	[tilespmem:v21+s22+$0x0] =	vst.idx.msk $0xffff, v13;
	v13 =	vshrl.u32 v43, $0x3;
	v7 =	vshrl.u32 v7, $0x3  }
0x1b5: {  	v58 =	vld [tilespmem:s5+$0x0];
	[tilespmem:v15+s22+$0x0] =	vst.idx.msk $0xffff, v8;
	v19 =	vbroadcast v19, $0x0;
	v7 =	vshll.u32 v7, v1;
	v39 =	vbroadcast v14, $0x0  }
0x1b6: {  	[tilespmem:v18+s22+$0x0] =	vst.idx.msk $0xffff, v3;
	v14 =	vshrl.u32 v40, $0x3;
	v40 =	vbroadcast v7, $0x0;
	v7 =	vld [tilespmem:s5+$0xFFFFFF00];
	v15 =	vadd.f32 v46, v35  }
0x1b7: {  	s30 =	simm.s32 $0xB;
	v43 =	vld [tilespmem:s5+$0xC0];
	v23 =	vadd.s32 v47, v19;
	v11 =	vadd.f32 v38, v34;
	v38 =	vadd.s32 v53, v19  }
0x1b8: {  	s31 =	simm.s32 $0xE;
	v59 =	vmov s30;
	v21 =	vadd.s32 v49, v39;
	v16 =	vadd.f32 v16, v34;
	[tilespmem:v20+s22+$0x0] =	vst.idx.msk $0xffff, v15;
	v20 =	vld [tilespmem:s6+$0xD0]  }
0x1b9: {  	v6 =	vld [tilespmem:s6+$0x50];
	v8 =	vadd.s32 v48, v40;
	v3 =	vadd.f32 v45, v36;
	[tilespmem:v41+s22+$0x0] =	vst.idx.msk $0xffff, v11;
	v15 =	vmov s31  }
0x1ba: {  	v46 =	vadd.f32 v42, v36;
	v41 =	vshrl.u32 v59, $0x3;
	[tilespmem:v24+s22+$0x0] =	vst.idx.msk $0xffff, v16;
	v16 =	vld [tilespmem:s6+$0x20];
	v15 =	vshrl.u32 v15, $0x3  }
0x1bb: {  	v4 =	vmovc v53;
	v18 =	vld [tilespmem:s6+$0xFFFFFF10];
	v48 =	vadd.f32 v7, v36;
	v7 =	vshll.u32 v15, v1;
	v15 =	vshll.u32 v41, v1  }
0x1bc: {  	v53 =	vld [tilespmem:s5+$0xFFFFFFC0];
	v49 =	vadd.f32 v43, v36;
	[tilespmem:v23+s22+$0x0] =	vst.idx.msk $0xffff, v46;
	v24 =	vadd.f32 v58, v36;
	v43 =	vbroadcast v15, $0x0  }
0x1bd: {  	[tilespmem:v21+s22+$0x0] =	vst.idx.msk $0xffff, v3;
	v3 =	vadd.f32 v20, v35  }
0x1be: {  	v6 =	vadd.f32 v6, v35;
	[tilespmem:v8+s22+$0x0] =	vst.idx.msk $0xffff, v24;
	v8 =	vadd.s32 v26, v43  }
0x1bf: {  	[tilespmem:v10+s22+$0x0] =	vst.idx.msk $0xffff, v3;
	v3 =	vadd.f32 v16, v34  }
0x1c0: {  	[tilespmem:v12+s22+$0x0] =	vst.idx.msk $0xffff, v6;
	v41 =	vbroadcast v7, $0x0;
	v7 =	vld [tilespmem:s6+$0xFFFFFF70];
	v10 =	vadd.f32 v18, v35  }
0x1c1: {  	v12 =	vadd.f32 v53, v36;
	v18 =	vld [tilespmem:$0x1FE20];
	[tilespmem:v17+s22+$0x0] =	vst.idx.msk $0xffff, v3  }
0x1c2: {  	[tilespmem:v28+s22+$0x0] =	vst.idx.msk $0xffff, v10  }
0x1c3: {  	[tilespmem:v8+s22+$0x0] =	vst.idx.msk $0xffff, v12  }
0x1c4: {  	v46 =	vadd.s32 v0, v43;
	v0 =	vld [tilespmem:$0x1FE30];
	_ =	sdelay $0x1  }
0x1c5: {  	v7 =	vadd.f32 v7, v33;
	_ =	sdelay $0x1  }
0x1c6: {  	[tilespmem:v61+s22+$0x0] =	vst.idx.msk $0xffff, v7  }
0x1c7: {  	v20 =	vadd.s32 v60, v40;
	v60 =	vadd.s32 v0, v55;
	v0 =	vld [tilespmem:$0x1FD40]  }
0x1c8: {  	v6 =	vld [tilespmem:s6+$0xE0];
	_ =	sdelay $0x4  }
0x1c9: {  	v6 =	vadd.f32 v6, v34;
	_ =	sdelay $0x1  }
0x1ca: {  	[tilespmem:v0+s22+$0x0] =	vst.idx.msk $0xffff, v6  }
0x1cb: {  	v14 =	vshll.u32 v14, v1;
	v0 =	vld [tilespmem:$0x1FD50]  }
0x1cc: {  	v45 =	vbroadcast v14, $0x0;
	v14 =	vld [tilespmem:s6+$0xFFFFFFE0];
	_ =	sdelay $0x2  }
0x1cd: {  	s11 =	simm.s32 $0xD  }
0x1ce: {  	v9 =	vmov s11  }
0x1cf: {  	v9 =	vshrl.u32 v9, $0x3;
	v12 =	vadd.f32 v14, v34  }
0x1d0: {  	v9 =	vshll.u32 v9, v1  }
0x1d1: {  	v42 =	vbroadcast v9, $0x0;
	v9 =	vld [tilespmem:s6+$0xA0];
	[tilespmem:v0+s22+$0x0] =	vst.idx.msk $0xffff, v12  }
0x1d2: {  	v0 =	vld [tilespmem:$0x1FE00];
	_ =	sdelay $0x4  }
0x1d3: {  	v14 =	vadd.f32 v9, v34;
	v9 =	vadd.s32 v0, v50;
	v0 =	vld [tilespmem:$0x1FD60];
	_ =	sdelay $0x5  }
0x1d4: {  	v13 =	vshll.u32 v13, v1  }
0x1d5: {  	v16 =	vadd.s32 v18, v44;
	v44 =	vbroadcast v13, $0x0  }
0x1d6: {  	v11 =	vld [tilespmem:s5+$0x40];
	[tilespmem:v0+s22+$0x0] =	vst.idx.msk $0xffff, v14  }
0x1d7: {  	v55 =	vadd.s32 v5, v44;
	v5 =	vld [tilespmem:$0x1FD70]  }
0x1d8: {  	v10 =	vld [tilespmem:s6+$0x60];
	_ =	sdelay $0x1  }
0x1d9: {  	v17 =	vld [tilespmem:s5+$0xFFFFFF50]  }
0x1da: {  	v53 =	vadd.s32 v62, v45;
	v62 =	vadd.f32 v11, v36;
	v11 =	vld [tilespmem:s6+$0x30]  }
0x1db: {  	v0 =	vld [tilespmem:$0x1FE60]  }
0x1dc: {  	v15 =	vld [tilespmem:s5+$0x10];
	v10 =	vadd.f32 v10, v34  }
0x1dd: {  	v7 =	vld [tilespmem:s5+$0xFFFFFF90]  }
0x1de: {  	v18 =	vadd.f32 v17, v35;
	v17 =	vld [tilespmem:s6+$0xFFFFFF20];
	[tilespmem:v5+s22+$0x0] =	vst.idx.msk $0xffff, v10  }
0x1df: {  	v5 =	vld [tilespmem:$0x1FE40]  }
0x1e0: {  	v12 =	vadd.f32 v11, v33;
	v11 =	vadd.s32 v0, v22;
	v0 =	vld [tilespmem:$0x1FE90]  }
0x1e1: {  	v3 =	vadd.s32 v2, v39;
	v2 =	vld [tilespmem:s6+$0xF0];
	_ =	sdelay $0x1  }
0x1e2: {  	v13 =	vadd.f32 v15, v35  }
0x1e3: {  	v14 =	vadd.f32 v7, v35;
	v21 =	vld [tilespmem:$0x1FEC0];
	[tilespmem:v16+s22+$0x0] =	vst.idx.msk $0xffff, v12  }
0x1e4: {  	v10 =	vadd.s32 v5, v52;
	v5 =	vadd.s32 v0, v54;
	v0 =	vld [tilespmem:$0x1FE70];
	[tilespmem:v20+s22+$0x0] =	vst.idx.msk $0xffff, v13  }
0x1e5: {  	v7 =	vadd.f32 v17, v34;
	v17 =	vadd.f32 v2, v33;
	v2 =	vld [tilespmem:$0x1FD80];
	_ =	sdelay $0x1  }
0x1e6: {  	v24 =	vadd.s32 v32, v19;
	_ =	sdelay $0x1  }
0x1e7: {  	v58 =	vld [tilespmem:s6+$0xFFFFFFB0];
	_ =	sdelay $0x2  }
0x1e8: {  	v56 =	vld [tilespmem:s5+$0x80];
	[tilespmem:v24+s22+$0x0] =	vst.idx.msk $0xffff, v18  }
0x1e9: {  	v6 =	vld [tilespmem:s5+$0xFFFFFFD0];
	[tilespmem:v2+s22+$0x0] =	vst.idx.msk $0xffff, v7  }
0x1ea: {  	v61 =	vadd.f32 v58, v33;
	v58 =	vadd.s32 v27, v41;
	v27 =	vmov v4;
	v4 =	vld [tilespmem:$0x1FF70]  }
0x1eb: {  	v7 =	vld [tilespmem:$0x1FFD0]  }
0x1ec: {  	v47 =	vadd.s32 v63, v42;
	v15 =	vld [tilespmem:s6+$0xFFFFFFF0]  }
0x1ed: {  	v59 =	vadd.s32 v30, v41;
	v63 =	vadd.s32 v29, v43;
	v26 =	vmovc v51;
	v8 =	vadd.f32 v56, v36;
	v12 =	vld [tilespmem:s6+$0xB0]  }
0x1ee: {  	v30 =	vmovc v57;
	v56 =	vadd.s32 v31, v45;
	v6 =	vadd.f32 v6, v35;
	v50 =	vadd.s32 v57, v42;
	v2 =	vld [tilespmem:s6+$0x70]  }
0x1ef: {  	v28 =	vmovc v25;
	v16 =	vadd.s32 v51, v42;
	v52 =	vadd.s32 v25, v45;
	v54 =	vadd.s32 v0, v44;
	v13 =	vld [tilespmem:s6+$0xFFFFFF30]  }
0x1f0: {  	s8 =	simm.s32 $0x10;
	s28 =	simm.s32 $0xBB00;
	v0 =	vadd.s32 v21, v19;
	v29 =	vld [tilespmem:$0x1FF10];
	v4 =	vadd.s32 v4, v39;
	v31 =	vmovc v7;
	v51 =	vadd.s32 v7, v41  }
.LBB2_9:
0x1f1: {  	_ = 	snop  }
0x1f2: {  	s30 =	smov.u32 s8;
	[tilespmem:v59+s22+$0x0] =	vst.idx.msk $0xffff, v8  }
0x1f3: {  	v7 =	vld [tilespmem:$0x1FE80];
	[tilespmem:v3+s22+$0x0] =	vst.idx.msk $0xffff, v14;
	s1 =	sadd.s32 $0x2, s30  }
0x1f4: {  	[tilespmem:v11+s22+$0x0] =	vst.idx.msk $0xffff, v17;
	v8 =	vld [tilespmem:s28+$0x80];
	v17 =	vmov s1;
	v3 =	vadd.f32 v15, v33  }
0x1f5: {  	v22 =	vadd.s32 v29, v37;
	[tilespmem:v16+s22+$0x0] =	vst.idx.msk $0xffff, v62;
	v21 =	vld [tilespmem:s5+$0xFFFFFFA0];
	v16 =	vshrl.u32 v17, $0x3;
	v13 =	vadd.f32 v13, v33  }
0x1f6: {  	v19 =	vmov s30;
	v12 =	vadd.f32 v12, v33;
	[tilespmem:v9+s22+$0x0] =	vst.idx.msk $0xffff, v3;
	v9 =	vshll.u32 v16, v1;
	v16 =	vld [tilespmem:s5+$0x90]  }
0x1f7: {  	[tilespmem:v5+s22+$0x0] =	vst.idx.msk $0xffff, v13;
	v13 =	vshrl.u32 v19, $0x3;
	v19 =	vld [tilespmem:$0x1FEF0]  }
0x1f8: {  	[tilespmem:v10+s22+$0x0] =	vst.idx.msk $0xffff, v12;
	v12 =	vld [tilespmem:s5+$0xFFFFFF60]  }
0x1f9: {  	s31 =	sadd.s32 $0x4, s30;
	v3 =	vadd.f32 v2, v33  }
0x1fa: {  	v37 =	vmov v39;
	v14 =	vmov s31;
	v23 =	vld [tilespmem:s28+$0xFFFFFF80];
	[tilespmem:v22+s22+$0x0] =	vst.idx.msk $0xffff, v61;
	v39 =	vbroadcast v9, $0x0  }
0x1fb: {  	v17 =	vld [tilespmem:s5+$0x50];
	v10 =	vshrl.u32 v14, $0x3;
	[tilespmem:v60+s22+$0x0] =	vst.idx.msk $0xffff, v3  }
0x1fc: {  	v18 =	vld [tilespmem:s28+$0xFFFFFF40];
	v3 =	vshll.u32 v10, v1;
	v10 =	vadd.f32 v21, v34;
	v19 =	vadd.s32 v19, v39  }
0x1fd: {  	v57 =	vadd.s32 v7, v44;
	v7 =	vld [tilespmem:$0x1FE10];
	[tilespmem:v63+s22+$0x0] =	vst.idx.msk $0xffff, v6;
	v12 =	vadd.f32 v12, v34  }
0x1fe: {  	v6 =	vld [tilespmem:$0x1FF50];
	[tilespmem:v4+s22+$0x0] =	vst.idx.msk $0xffff, v10  }
0x1ff: {  	s29 =	sadd.s32 $0x7, s8;
	v61 =	vld [tilespmem:s28+$0x0];
	[tilespmem:v0+s22+$0x0] =	vst.idx.msk $0xffff, v12;
	v12 =	vadd.f32 v23, v36  }
0x200: {  	s6 =	sadd.s32 $0x6, s30;
	v20 =	vmov s29;
	v0 =	vld [tilespmem:s5+$0xFFFFFFB0]  }
0x201: {  	s29 =	sadd.s32 $0x1, s30;
	v3 =	vbroadcast v3, $0x0;
	v4 =	vadd.f32 v18, v36;
	v18 =	vmov s6;
	[tilespmem:v19+s22+$0x0] =	vst.idx.msk $0xffff, v12;
	v19 =	vld [tilespmem:$0x1FFB0]  }
0x202: {  	v11 =	vmov s29;
	v18 =	vshrl.u32 v18, $0x3  }
0x203: {  	v24 =	vld [tilespmem:s5+$0x20];
	v11 =	vshrl.u32 v11, $0x3;
	v6 =	vadd.s32 v6, v3;
	v18 =	vshll.u32 v18, v1  }
0x204: {  	v25 =	vld [tilespmem:s28+$0xC0];
	v2 =	vshll.u32 v11, v1;
	v11 =	vshrl.u32 v20, $0x3;
	v18 =	vbroadcast v18, $0x0  }
0x205: {  	v14 =	vld [tilespmem:$0x1FEA0];
	v11 =	vshll.u32 v11, v1;
	v7 =	vadd.s32 v7, v40  }
0x206: {  	v21 =	vadd.f32 v61, v36;
	v59 =	vadd.s32 v19, v18;
	v19 =	vbroadcast v11, $0x0;
	v11 =	vld [tilespmem:$0x1FF60];
	_ =	sdelay $0x1  }
0x207: {  	v24 =	vadd.f32 v24, v34;
	v2 =	vbroadcast v2, $0x0;
	v5 =	vld [tilespmem:s28+$0xFFFFFF00];
	[tilespmem:v6+s22+$0x0] =	vst.idx.msk $0xffff, v21  }
0x208: {  	[tilespmem:v53+s22+$0x0] =	vst.idx.msk $0xffff, v49;
	v12 =	vld [tilespmem:s28+$0x10]  }
0x209: {  	s11 =	sadd.s32 $0x5, s30;
	v14 =	vadd.s32 v14, v2;
	[tilespmem:v7+s22+$0x0] =	vst.idx.msk $0xffff, v24;
	v24 =	vld [tilespmem:$0x1FE30]  }
0x20a: {  	v15 =	vmov s11;
	[tilespmem:v55+s22+$0x0] =	vst.idx.msk $0xffff, v48;
	v49 =	vadd.f32 v25, v36;
	v25 =	vadd.s32 v11, v3;
	v11 =	vld [tilespmem:$0x1FF90]  }
0x20b: {  	v15 =	vshrl.u32 v15, $0x3;
	v55 =	vld [tilespmem:s5+$0xFFFFFF10]  }
0x20c: {  	v15 =	vshll.u32 v15, v1;
	v9 =	vld [tilespmem:s28+$0x40]  }
0x20d: {  	v16 =	vadd.f32 v16, v35;
	v23 =	vld [tilespmem:s5+$0xFFFFFF70];
	v6 =	vbroadcast v15, $0x0  }
0x20e: {  	v17 =	vadd.f32 v17, v35;
	[tilespmem:v14+s22+$0x0] =	vst.idx.msk $0xffff, v4;
	v14 =	vld [tilespmem:$0x1FE20]  }
0x20f: {  	[tilespmem:v58+s22+$0x0] =	vst.idx.msk $0xffff, v16;
	v60 =	vadd.s32 v24, v42;
	v42 =	vmov v6;
	v11 =	vadd.s32 v11, v6;
	v6 =	vld [tilespmem:$0x1FED0]  }
0x210: {  	s30 =	sadd.s32 $0x3, s30;
	[tilespmem:v47+s22+$0x0] =	vst.idx.msk $0xffff, v17;
	v15 =	vld [tilespmem:s5+$0xA0]  }
0x211: {  	v62 =	vmov s30;
	v13 =	vshll.u32 v13, v1;
	v7 =	vld [tilespmem:s5+$0x60]  }
0x212: {  	v22 =	vshrl.u32 v62, $0x3;
	v13 =	vbroadcast v13, $0x0  }
0x213: {  	v22 =	vshll.u32 v22, v1;
	v5 =	vadd.f32 v5, v36;
	v62 =	vadd.f32 v9, v36  }
0x214: {  	v10 =	vld [tilespmem:s28+$0xFFFFFFC0];
	v9 =	vadd.f32 v55, v35;
	v55 =	vadd.s32 v6, v13;
	v6 =	vadd.f32 v23, v33  }
0x215: {  	v48 =	vmovc v5;
	v5 =	vbroadcast v22, $0x0;
	v61 =	vadd.f32 v0, v33;
	v22 =	vadd.s32 v14, v40;
	v14 =	vld [tilespmem:s28+$0xFFFFFF50]  }
0x216: {  	v0 =	vadd.f32 v15, v34;
	[tilespmem:v38+s22+$0x0] =	vst.idx.msk $0xffff, v6;
	v6 =	vadd.f32 v7, v34;
	v7 =	vld [tilespmem:$0x1FFC0]  }
0x217: {  	v16 =	vld [tilespmem:s5+$0xD0]  }
0x218: {  	[tilespmem:v51+s22+$0x0] =	vst.idx.msk $0xffff, v0;
	v0 =	vld [tilespmem:$0x1FE60]  }
0x219: {  	v40 =	vmov v3;
	v3 =	vld [tilespmem:$0x1FF20]  }
0x21a: {  	v47 =	vmov v11;
	v11 =	vld [tilespmem:s5+$0x30]  }
0x21b: {  	v58 =	vadd.s32 v7, v18;
	v7 =	vld [tilespmem:$0x1FE00]  }
0x21c: {  	v16 =	vadd.f32 v16, v35;
	_ =	sdelay $0x1  }
0x21d: {  	v4 =	vadd.f32 v10, v36;
	v10 =	vld [tilespmem:s5+$0xFFFFFFE0];
	[tilespmem:v56+s22+$0x0] =	vst.idx.msk $0xffff, v16;
	v16 =	vadd.s32 v3, v5  }
0x21e: {  	[tilespmem:v54+s22+$0x0] =	vst.idx.msk $0xffff, v9;
	v3 =	vld [tilespmem:$0x1FF40]  }
0x21f: {  	v9 =	vadd.s32 v7, v43;
	v7 =	vadd.f32 v11, v33;
	v11 =	vadd.s32 v0, v45;
	v0 =	vld [tilespmem:$0x1FFF0];
	_ =	sdelay $0x2  }
0x220: {  	v10 =	vadd.f32 v10, v34;
	[tilespmem:v16+s22+$0x0] =	vst.idx.msk $0xffff, v4  }
0x221: {  	v56 =	vadd.s32 v3, v5;
	v16 =	vld [tilespmem:s28+$0xFFFFFFD0];
	v45 =	vmov v19  }
0x222: {  	[tilespmem:v46+s22+$0x0] =	vst.idx.msk $0xffff, v10;
	v46 =	vmov v56;
	v56 =	vadd.s32 v0, v45;
	v0 =	vld [tilespmem:$0x1FE40];
	_ =	sdelay $0x1  }
0x223: {  	v63 =	vld [tilespmem:$0x1FFE0]  }
0x224: {  	v17 =	vld [tilespmem:s5+$0xE0]  }
0x225: {  	v43 =	vmov v5;
	v5 =	vld [tilespmem:$0x1FF30]  }
0x226: {  	v10 =	vadd.s32 v0, v41;
	v0 =	vld [tilespmem:$0x1FE90];
	_ =	sdelay $0x1  }
0x227: {  	v4 =	vld [tilespmem:s5+$0xFFFFFF20]  }
0x228: {  	v15 =	vadd.f32 v17, v34  }
0x229: {  	v53 =	vadd.s32 v63, v19  }
0x22a: {  	[tilespmem:v52+s22+$0x0] =	vst.idx.msk $0xffff, v15;
	v63 =	vadd.s32 v5, v43;
	v5 =	vadd.s32 v0, v44;
	v0 =	vld [tilespmem:$0x1FE70]  }
0x22b: {  	v21 =	vadd.s32 v32, v2;
	v17 =	vld [tilespmem:s5+$0xF0]  }
0x22c: {  	v24 =	vadd.f32 v12, v35;
	v12 =	vld [tilespmem:s28+$0xFFFFFF90];
	v4 =	vadd.f32 v4, v34  }
0x22d: {  	v3 =	vld [tilespmem:$0x1FF00]  }
0x22e: {  	v23 =	vadd.f32 v14, v35;
	[tilespmem:v57+s22+$0x0] =	vst.idx.msk $0xffff, v4;
	v4 =	vld [tilespmem:$0x1FF70];
	v44 =	vmov v13  }
0x22f: {  	p1 =	slt.u32 s8, $0x78;
	v8 =	vadd.f32 v8, v36;
	v54 =	vadd.s32 v0, v44;
	v0 =	vld [tilespmem:$0x1FEC0]  }
.Ltmp3:
0x230: {  	v20 =	vadd.s32 v27, v2;
	v17 =	vadd.f32 v17, v33;
	[tilespmem:v21+s22+$0x0] =	vst.idx.msk $0xffff, v23;
	(pc) =	sbr.rel @p1 .LBB2_9-.Ltmp3, $4  }
0x231: {  	v14 =	vadd.f32 v12, v35;
	v12 =	vld [tilespmem:s5+$0xB0];
	[tilespmem:v50+s22+$0x0] =	vst.idx.msk $0xffff, v6;
	v50 =	vadd.s32 v30, v42  }
0x232: {  	v15 =	vld [tilespmem:s5+$0xFFFFFFF0];
	v3 =	vadd.s32 v3, v39;
	v6 =	vadd.f32 v16, v35;
	v16 =	vadd.s32 v26, v42  }
0x233: {  	v4 =	vadd.s32 v4, v39;
	v52 =	vadd.s32 v28, v45;
	[tilespmem:v22+s22+$0x0] =	vst.idx.msk $0xffff, v7;
	v41 =	vmov v18;
	v13 =	vld [tilespmem:s5+$0xFFFFFF30]  }
0x234: {  	s8 =	sadd.s32 $0x8, s8;
	v38 =	vmov v20;
	[tilespmem:v25+s22+$0x0] =	vst.idx.msk $0xffff, v24;
	v51 =	vadd.s32 v31, v41;
	v0 =	vadd.s32 v0, v2;
	v2 =	vld [tilespmem:s5+$0x70];
	s5 =	smov.u32 s28;
	s28 =	sadd.s32 $0x200, s28  }
0x235: {  	_ =	sdelay $0x3  }
0x236: {  	[tilespmem:v59+s22+$0x0] =	vst.idx.msk $0xffff, v8  }
0x237: {  	[tilespmem:v3+s22+$0x0] =	vst.idx.msk $0xffff, v14  }
0x238: {  	[tilespmem:v53+s22+$0x0] =	vst.idx.msk $0xffff, v49  }
0x239: {  	[tilespmem:v11+s22+$0x0] =	vst.idx.msk $0xffff, v17  }
0x23a: {  	v24 =	vadd.s32 v29, v37;
	[tilespmem:v16+s22+$0x0] =	vst.idx.msk $0xffff, v62;
	v7 =	vld [tilespmem:s5+$0xD0]  }
0x23b: {  	[tilespmem:v55+s22+$0x0] =	vst.idx.msk $0xffff, v48;
	v25 =	vadd.f32 v12, v33  }
0x23c: {  	[tilespmem:v63+s22+$0x0] =	vst.idx.msk $0xffff, v6;
	v3 =	vadd.f32 v15, v33  }
0x23d: {  	[tilespmem:v10+s22+$0x0] =	vst.idx.msk $0xffff, v25  }
0x23e: {  	[tilespmem:v9+s22+$0x0] =	vst.idx.msk $0xffff, v3;
	v2 =	vadd.f32 v2, v33  }
0x23f: {  	[tilespmem:v24+s22+$0x0] =	vst.idx.msk $0xffff, v61;
	v7 =	vadd.f32 v7, v35  }
0x240: {  	v3 =	vld [tilespmem:s5+$0x90];
	[tilespmem:v60+s22+$0x0] =	vst.idx.msk $0xffff, v2  }
0x241: {  	v26 =	vld [tilespmem:s5+$0x50];
	[tilespmem:v56+s22+$0x0] =	vst.idx.msk $0xffff, v7  }
0x242: {  	v14 =	vld [tilespmem:$0x1FE10]  }
0x243: {  	v27 =	vld [tilespmem:s5+$0xFFFFFF60]  }
0x244: {  	v2 =	vld [tilespmem:s5+$0xFFFFFF10]  }
0x245: {  	v28 =	vld [tilespmem:s5+$0x20];
	v3 =	vadd.f32 v3, v35  }
0x246: {  	v30 =	vadd.f32 v26, v35;
	v7 =	vld [tilespmem:s5+$0xE0]  }
0x247: {  	v32 =	vadd.f32 v13, v33;
	[tilespmem:v58+s22+$0x0] =	vst.idx.msk $0xffff, v3;
	v3 =	vld [tilespmem:s5+$0xFFFFFFE0];
	v31 =	vadd.s32 v14, v40  }
0x248: {  	v37 =	vadd.f32 v27, v34;
	[tilespmem:v47+s22+$0x0] =	vst.idx.msk $0xffff, v30  }
0x249: {  	[tilespmem:v5+s22+$0x0] =	vst.idx.msk $0xffff, v32;
	v2 =	vadd.f32 v2, v35  }
0x24a: {  	v8 =	vadd.f32 v28, v34;
	[tilespmem:v0+s22+$0x0] =	vst.idx.msk $0xffff, v37  }
0x24b: {  	v6 =	vld [tilespmem:s5+$0x60];
	[tilespmem:v54+s22+$0x0] =	vst.idx.msk $0xffff, v2;
	v2 =	vadd.f32 v7, v34  }
0x24c: {  	v36 =	vld [tilespmem:s5+$0xA0];
	v3 =	vadd.f32 v3, v34;
	[tilespmem:v31+s22+$0x0] =	vst.idx.msk $0xffff, v8  }
0x24d: {  	v48 =	vld [tilespmem:$0x1FE80];
	[tilespmem:v52+s22+$0x0] =	vst.idx.msk $0xffff, v2  }
0x24e: {  	v47 =	vld [tilespmem:s5+$0xFFFFFFA0];
	[tilespmem:v46+s22+$0x0] =	vst.idx.msk $0xffff, v3  }
0x24f: {  	v53 =	vld [tilespmem:$0x1FE20]  }
0x250: {  	v0 =	vld [tilespmem:s5+$0xFFFFFF20]  }
0x251: {  	v5 =	vld [tilespmem:s5+$0xFFFFFF70];
	v49 =	vadd.f32 v36, v34  }
0x252: {  	v8 =	vld [tilespmem:s5+$0x30];
	v2 =	vadd.f32 v6, v34;
	v7 =	vadd.s32 v48, v44  }
0x253: {  	v52 =	vadd.f32 v47, v34;
	v3 =	vld [tilespmem:s5+$0xF0];
	[tilespmem:v51+s22+$0x0] =	vst.idx.msk $0xffff, v49  }
0x254: {  	v9 =	vld [tilespmem:$0x1FE60];
	[tilespmem:v50+s22+$0x0] =	vst.idx.msk $0xffff, v2;
	v10 =	vadd.s32 v53, v40  }
0x255: {  	v0 =	vadd.f32 v0, v34;
	v54 =	vld [tilespmem:s5+$0xFFFFFFF0];
	[tilespmem:v4+s22+$0x0] =	vst.idx.msk $0xffff, v52  }
0x256: {  	v55 =	vadd.f32 v5, v33;
	v56 =	vld [tilespmem:$0x1FE00]  }
0x257: {  	v59 =	vld [tilespmem:$0x1FE40];
	v8 =	vadd.f32 v8, v33;
	[tilespmem:v7+s22+$0x0] =	vst.idx.msk $0xffff, v0  }
0x258: {  	v0 =	vld [tilespmem:$0x1FE30];
	[tilespmem:v38+s22+$0x0] =	vst.idx.msk $0xffff, v55  }
0x259: {  	v58 =	vld [tilespmem:s5+$0xFFFFFFB0];
	[tilespmem:v10+s22+$0x0] =	vst.idx.msk $0xffff, v8  }
0x25a: {  	v9 =	vadd.s32 v9, v45;
	v10 =	vld [tilespmem:$0x1FE90]  }
0x25b: {  	v62 =	vadd.s32 v29, v39;
	v2 =	vld [tilespmem:s5+$0xB0]  }
0x25c: {  	v57 =	vld [tilespmem:s5+$0x70];
	v5 =	vadd.s32 v56, v43  }
0x25d: {  	s1 =	sadd.s32 $0x5, s12;
	v3 =	vadd.f32 v3, v33;
	v13 =	vadd.s32 v59, v41;
	v60 =	vld [tilespmem:s5+$0xFFFFFF30]  }
0x25e: {  	s31 =	smulhi.u32 $0x51EB851F, s1;
	v63 =	vadd.f32 v58, v33;
	v0 =	vadd.s32 v0, v42  }
0x25f: {  	v61 =	vadd.f32 v54, v33;
	[tilespmem:v9+s22+$0x0] =	vst.idx.msk $0xffff, v3;
	v10 =	vadd.s32 v10, v44  }
0x260: {  	v2 =	vadd.f32 v2, v33;
	s5 =	sshrl.u32 s31, $0x6;
	[tilespmem:v62+s22+$0x0] =	vst.idx.msk $0xffff, v63  }
0x261: {  	v3 =	vadd.f32 v57, v33;
	s5 =	smul.u32 $0xC8, s5;
	[tilespmem:v5+s22+$0x0] =	vst.idx.msk $0xffff, v61  }
0x262: {  	[tilespmem:v13+s22+$0x0] =	vst.idx.msk $0xffff, v2;
	v2 =	vadd.f32 v60, v33  }
0x263: {  	s1 =	ssub.s32 s1, s5;
	[tilespmem:v0+s22+$0x0] =	vst.idx.msk $0xffff, v3  }
0x264: {  	s1 =	sshll.u32 s1, $0x7;
	[tilespmem:v10+s22+$0x0] =	vst.idx.msk $0xffff, v2  }
0x265: {  	[tilespmem:s14], [sflag:$0x2] =	stream.indirect.gather [hbm4b:s4+s9], $0x40, s1, s9, $0xb8;
	[tilespmem:$0x19E00] =	vst v63  }
0x266: {  	s6 =	sshll.u32 s17, $0x12;
	s1 =	simm.s32 @!p0 $0x6  }
0x267: {  	s5 =	sor.u32 s7, s6;
	_ =	swait.ge @!p0 [sflag:s1], $0x2000  }
0x268: {  	s5 =	sshrl.u32 s5, $0x3;
	[sflag:s1] =	ssyncset.done @!p0 $0x0  }
0x269: {  	s8 =	simm.s32 $0x13800;
	[sflag:s1] =	ssyncadd.s32 @!p0 $0xFFFFE000;
	s1 =	sadd.s32 s2, s5  }
0x26a: {  	[hbm4b:s1+s3] =	stream.linear.scatter [tilespmem:s8], [sflag:$0x6], $0x80, $0x38;
	[tilespmem:$0x19E00] =	vst v63  }
0x26b: {  	s11 =	simm.s32 $0x13888;
	s6 =	sadd.s32 $0x10, s1  }
0x26c: {  	[hbm4b:s6+s3] =	stream.linear.scatter [tilespmem:s11], [sflag:$0x6], $0x80, $0x38;
	[tilespmem:$0x19E00] =	vst v63  }
0x26d: {  	s17 =	simm.s32 $0x13910;
	s30 =	simm.s32 $0x13998;
	s29 =	sadd.s32 $0x20, s1  }
0x26e: {  	[hbm4b:s29+s3] =	stream.linear.scatter [tilespmem:s17], [sflag:$0x6], $0x80, $0x38;
	[tilespmem:$0x19E00] =	vst v63  }
0x26f: {  	s5 =	simm.s32 $0x440;
	s31 =	sadd.s32 $0x30, s1;
	s8 =	simm.s32 $0x13A20  }
0x270: {  	[hbm4b:s31+s3] =	stream.linear.scatter [tilespmem:s30], [sflag:$0x6], $0x80, $0x38;
	[tilespmem:$0x19E00] =	vst v63  }
0x271: {  	s28 =	sadd.s32 $0x70, s1;
	s11 =	sadd.s32 $0x40, s1;
	s6 =	sadd.s32 $0x1000, s1  }
0x272: {  	[hbm4b:s11+s3] =	stream.linear.scatter [tilespmem:s8], [sflag:$0x6], $0x80, $0x38;
	[tilespmem:$0x19E00] =	vst v63  }
0x273: {  	s17 =	simm.s32 $0x13AA8;
	s29 =	sadd.s32 $0x50, s1;
	s30 =	simm.s32 $0x13B30  }
0x274: {  	[hbm4b:s29+s3] =	stream.linear.scatter [tilespmem:s17], [sflag:$0x6], $0x80, $0x38;
	[tilespmem:$0x19E00] =	vst v63  }
0x275: {  	s31 =	sadd.s32 $0x60, s1;
	s8 =	simm.s32 $0x2200;
	s17 =	simm.s32 $0x13BB8  }
0x276: {  	v58 =	vmov v14;
	[hbm4b:s31+s3] =	stream.linear.scatter [tilespmem:s30], [sflag:$0x6], $0x80, $0x38;
	[tilespmem:$0x19E00] =	vst v63  }
.LBB2_11:
0x277: {  	[hbm4b:s28+s3] =	stream.linear.scatter [tilespmem:s17], [sflag:$0x6], $0x80, $0x38;
	[tilespmem:$0x19E00] =	vst v63  }
0x278: {  	s1 =	smov.u32 s5;
	s5 =	smov.u32 s8  }
0x279: {  	s11 =	sadd.s32 $0x1100, s8;
	s5 =	sshra.s32 s5, $0x2;
	s17 =	sadd.s32 $0x13800, s1  }
0x27a: {  	[hbm4b:s6+s3] =	stream.linear.scatter [tilespmem:s17], [sflag:$0x6], $0x80, $0x38;
	[tilespmem:$0x19E00] =	vst v63  }
0x27b: {  	p1 =	sne.s32 s8, $0x7700;
	s8 =	sadd.s32 $0x13888, s1;
	s17 =	sadd.s32 $0x10, s6  }
0x27c: {  	[hbm4b:s17+s3] =	stream.linear.scatter [tilespmem:s8], [sflag:$0x6], $0x80, $0x38;
	[tilespmem:$0x19E00] =	vst v63  }
0x27d: {  	s8 =	sadd.s32 $0x13910, s1;
	s17 =	sadd.s32 $0x20, s6  }
0x27e: {  	[hbm4b:s17+s3] =	stream.linear.scatter [tilespmem:s8], [sflag:$0x6], $0x80, $0x38;
	[tilespmem:$0x19E00] =	vst v63  }
0x27f: {  	s8 =	sadd.s32 $0x13998, s1;
	s17 =	sadd.s32 $0x30, s6  }
0x280: {  	[hbm4b:s17+s3] =	stream.linear.scatter [tilespmem:s8], [sflag:$0x6], $0x80, $0x38;
	[tilespmem:$0x19E00] =	vst v63  }
0x281: {  	s8 =	sadd.s32 $0x13A20, s1;
	s17 =	sadd.s32 $0x40, s6  }
0x282: {  	[hbm4b:s17+s3] =	stream.linear.scatter [tilespmem:s8], [sflag:$0x6], $0x80, $0x38;
	[tilespmem:$0x19E00] =	vst v63  }
.Ltmp4:
0x283: {  	s8 =	sadd.s32 $0x13AA8, s1;
	s17 =	sadd.s32 $0x50, s6;
	(pc) =	sbr.rel @p1 .LBB2_11-.Ltmp4, $4  }
0x284: {  	[hbm4b:s17+s3] =	stream.linear.scatter [tilespmem:s8], [sflag:$0x6], $0x80, $0x38;
	[tilespmem:$0x19E00] =	vst v63  }
0x285: {  	s28 =	sadd.s32 $0x70, s6;
	s8 =	sadd.s32 $0x13B30, s1;
	s17 =	sadd.s32 $0x60, s6  }
0x286: {  	[hbm4b:s17+s3] =	stream.linear.scatter [tilespmem:s8], [sflag:$0x6], $0x80, $0x38;
	[tilespmem:$0x19E00] =	vst v63  }
0x287: {  	s6 =	sadd.s32 $0x1000, s6;
	s17 =	sadd.s32 $0x13BB8, s1;
	s8 =	smov.u32 s11  }
0x288: {  	[hbm4b:s28+s3] =	stream.linear.scatter [tilespmem:s17], [sflag:$0x6], $0x80, $0x38;
	[tilespmem:$0x19E00] =	vst v63  }
0x289: {  	s1 =	sadd.s32 $0x13800, s5  }
0x28a: {  	[hbm4b:s6+s3] =	stream.linear.scatter [tilespmem:s1], [sflag:$0x6], $0x80, $0x38;
	[tilespmem:$0x19E00] =	vst v63  }
0x28b: {  	s11 =	sadd.s32 $0x13888, s5;
	s8 =	sadd.s32 $0x10, s6  }
0x28c: {  	[hbm4b:s8+s3] =	stream.linear.scatter [tilespmem:s11], [sflag:$0x6], $0x80, $0x38;
	[tilespmem:$0x19E00] =	vst v63  }
0x28d: {  	s17 =	sadd.s32 $0x13910, s5;
	s29 =	sadd.s32 $0x20, s6  }
0x28e: {  	[hbm4b:s29+s3] =	stream.linear.scatter [tilespmem:s17], [sflag:$0x6], $0x80, $0x38;
	[tilespmem:$0x19E00] =	vst v63  }
0x28f: {  	s30 =	sadd.s32 $0x13998, s5;
	s31 =	sadd.s32 $0x30, s6  }
0x290: {  	[hbm4b:s31+s3] =	stream.linear.scatter [tilespmem:s30], [sflag:$0x6], $0x80, $0x38;
	[tilespmem:$0x19E00] =	vst v63  }
0x291: {  	s8 =	sadd.s32 $0x13A20, s5;
	s11 =	sadd.s32 $0x40, s6  }
0x292: {  	[hbm4b:s11+s3] =	stream.linear.scatter [tilespmem:s8], [sflag:$0x6], $0x80, $0x38;
	[tilespmem:$0x19E00] =	vst v63  }
0x293: {  	s17 =	sadd.s32 $0x13AA8, s5;
	s29 =	sadd.s32 $0x50, s6  }
0x294: {  	[hbm4b:s29+s3] =	stream.linear.scatter [tilespmem:s17], [sflag:$0x6], $0x80, $0x38;
	[tilespmem:$0x19E00] =	vst v63  }
0x295: {  	s30 =	sadd.s32 $0x13B30, s5;
	s31 =	sadd.s32 $0x60, s6  }
0x296: {  	[hbm4b:s31+s3] =	stream.linear.scatter [tilespmem:s30], [sflag:$0x6], $0x80, $0x38;
	[tilespmem:$0x19E00] =	vst v63  }
0x297: {  	s11 =	sadd.s32 $0x13BB8, s5;
	s17 =	sadd.s32 $0x70, s6  }
0x298: {  	[hbm4b:s17+s3] =	stream.linear.scatter [tilespmem:s11], [sflag:$0x6], $0x80, $0x38;
	[tilespmem:$0x19E00] =	vst v63  }
0x299: {  	_ =	swait.ge [sflag:s23], $0x2000  }
0x29a: {  	v48 =	vld [tilespmem:$0x1FF50]  }
0x29b: {  	v27 =	vld [tilespmem:$0x1FEA0]  }
0x29c: {  	s17 =	sor.u32 $0x2, s12;
	v49 =	vld [tilespmem:$0x1FEE0]  }
0x29d: {  	s30 =	simm.s32 $0x0;
	s29 =	sshll.u32 s17, $0x6;
	[sflag:s23] =	ssyncset.done $0x0;
	v26 =	vld [tilespmem:$0x1FEF0]  }
0x29e: {  	v0 =	vmov s30;
	s30 =	simm.s32 $0x1;
	s1 =	sand.u32 $0x3FFFFFC0, s29;
	v29 =	vld [tilespmem:$0x1FF20];
	[sflag:s23] =	ssyncadd.s32 $0xFFFFE000  }
0x29f: {  	s8 =	simm.s32 $0x4;
	v5 =	vmov s30;
	v36 =	vld [tilespmem:s1+$0x6400]  }
0x2a0: {  	v3 =	vmov s8;
	v5 =	vshrl.u32 v5, $0x3;
	v35 =	vld [tilespmem:s1+$0x6410]  }
0x2a1: {  	v3 =	vshrl.u32 v3, $0x3;
	s11 =	simm.s32 $0x2;
	v5 =	vshll.u32 v5, v1;
	v34 =	vld [tilespmem:s1+$0x6420]  }
0x2a2: {  	s6 =	simm.s32 $0xD700;
	v3 =	vshll.u32 v3, v1;
	s31 =	simm.s32 $0x7;
	v6 =	vmov s11;
	v5 =	vbroadcast v5, $0x0;
	v33 =	vld [tilespmem:s1+$0x6430]  }
0x2a3: {  	v44 =	vbroadcast v3, $0x0;
	v2 =	vmov s31;
	s31 =	simm.s32 $0x3;
	v6 =	vshrl.u32 v6, $0x3;
	v7 =	vld [tilespmem:s6+$0x0]  }
0x2a4: {  	v3 =	vmov s31;
	v6 =	vshll.u32 v6, v1;
	v8 =	vld [tilespmem:s6+$0xFFFFFF40];
	v11 =	vadd.s32 v49, v5  }
0x2a5: {  	v3 =	vshrl.u32 v3, $0x3;
	v9 =	vld [tilespmem:s6+$0xFFFFFF80];
	v37 =	vbroadcast v6, $0x0;
	v6 =	vadd.s32 v48, v44;
	[tilespmem:$0x1FCF0] =	vst v11  }
0x2a6: {  	v3 =	vshll.u32 v3, v1;
	v10 =	vadd.s32 v27, v5;
	v11 =	vld [tilespmem:s6+$0xFFFFFFC0]  }
0x2a7: {  	s5 =	simm.s32 $0x6;
	v0 =	vshrl.u32 v0, $0x3;
	v28 =	vbroadcast v3, $0x0;
	v12 =	vadd.s32 v26, v37;
	v3 =	vld [tilespmem:s6+$0xFFFFFF00]  }
0x2a8: {  	v14 =	vmov s5;
	v17 =	vshll.u32 v0, v1;
	s29 =	simm.s32 $0x5;
	v13 =	vld [tilespmem:s6+$0xC0];
	v7 =	vadd.f32 v7, v36  }
0x2a9: {  	v4 =	vmov s29;
	v15 =	vadd.s32 v29, v28;
	v16 =	vld [tilespmem:s6+$0x80];
	v0 =	vadd.f32 v8, v36  }
0x2aa: {  	v4 =	vshrl.u32 v4, $0x3;
	v8 =	vshrl.u32 v14, $0x3;
	v14 =	vld [tilespmem:s6+$0x40];
	v9 =	vadd.f32 v9, v36;
	[tilespmem:v6+s24+$0x0] =	vst.idx.msk $0xffff, v7  }
0x2ab: {  	v4 =	vshll.u32 v4, v1;
	[tilespmem:v10+s24+$0x0] =	vst.idx.msk $0xffff, v0;
	v6 =	vld [tilespmem:s6+$0x10]  }
0x2ac: {  	v55 =	vbroadcast v4, $0x0;
	[tilespmem:v12+s24+$0x0] =	vst.idx.msk $0xffff, v9;
	v4 =	vld [tilespmem:s6+$0xFFFFFF50];
	v7 =	vadd.f32 v11, v36  }
0x2ad: {  	v59 =	vld [tilespmem:$0x1FEB0]  }
0x2ae: {  	v10 =	vld [tilespmem:s6+$0xFFFFFF90];
	[tilespmem:v15+s24+$0x0] =	vst.idx.msk $0xffff, v7  }
0x2af: {  	v62 =	vld [tilespmem:$0x1FFB0]  }
0x2b0: {  	v60 =	vld [tilespmem:$0x1FF60]  }
0x2b1: {  	v8 =	vshll.u32 v8, v1;
	v63 =	vld [tilespmem:$0x1FF90]  }
0x2b2: {  	v52 =	vbroadcast v8, $0x0;
	v8 =	vadd.f32 v13, v36;
	v13 =	vld [tilespmem:s6+$0xFFFFFFD0]  }
0x2b3: {  	v30 =	vld [tilespmem:$0x1FEC0]  }
0x2b4: {  	v32 =	vld [tilespmem:$0x1FFE0]  }
0x2b5: {  	v61 =	vld [tilespmem:$0x1FF00]  }
0x2b6: {  	v22 =	vld [tilespmem:$0x1FF40]  }
0x2b7: {  	v25 =	vld [tilespmem:$0x1FFC0]  }
0x2b8: {  	v9 =	vadd.s32 v59, v5;
	v24 =	vadd.s32 v30, v5;
	v5 =	vld [tilespmem:$0x1FFA0]  }
0x2b9: {  	v56 =	vld [tilespmem:$0x1FF30]  }
0x2ba: {  	v2 =	vshrl.u32 v2, $0x3;
	v54 =	vbroadcast v17, $0x0;
	v50 =	vld [tilespmem:$0x1FFF0];
	v17 =	vadd.s32 v61, v37  }
0x2bb: {  	v2 =	vshll.u32 v2, v1;
	v51 =	vld [tilespmem:$0x1FE70]  }
0x2bc: {  	v0 =	vbroadcast v2, $0x0;
	v57 =	vld [tilespmem:$0x1FF80];
	v2 =	vadd.s32 v22, v28  }
0x2bd: {  	v38 =	vld [tilespmem:$0x1FF70];
	v19 =	vadd.f32 v4, v35;
	v4 =	vadd.f32 v10, v35;
	[tilespmem:$0x1FD00] =	vst v2;
	v5 =	vadd.s32 v5, v55  }
0x2be: {  	v2 =	vld [tilespmem:$0x1FED0];
	[tilespmem:$0x1FD20] =	vst v5  }
0x2bf: {  	v5 =	vld [tilespmem:$0x1FE50];
	[tilespmem:v17+s24+$0x0] =	vst.idx.msk $0xffff, v4  }
0x2c0: {  	v4 =	vld [tilespmem:$0x1FFD0];
	_ =	sdelay $0x3  }
0x2c1: {  	s5 =	simm.s32 $0xD900  }
0x2c2: {  	v42 =	vld [tilespmem:s5+$0xFFFFFF40];
	v4 =	vadd.s32 v4, v52  }
0x2c3: {  	[tilespmem:$0x1FD10] =	vst v4;
	v4 =	vld [tilespmem:$0x1FE80];
	_ =	sdelay $0x1  }
0x2c4: {  	s8 =	simm.s32 $0x8;
	s11 =	simm.s32 $0xF;
	s29 =	simm.s32 $0x9;
	v7 =	vadd.s32 v62, v52  }
0x2c5: {  	v43 =	vmov s8;
	v40 =	vmov s11;
	v39 =	vmov s29  }
0x2c6: {  	v3 =	vadd.f32 v3, v36;
	v14 =	vadd.f32 v14, v36;
	v23 =	vadd.s32 v57, v55  }
0x2c7: {  	v16 =	vadd.f32 v16, v36;
	v11 =	vadd.s32 v60, v44;
	v4 =	vadd.s32 v4, v54  }
0x2c8: {  	v6 =	vadd.f32 v6, v35;
	v12 =	vadd.s32 v63, v55;
	v21 =	vadd.s32 v56, v28;
	[tilespmem:$0x1FD30] =	vst v4  }
0x2c9: {  	s31 =	simm.s32 $0xA;
	v39 =	vshrl.u32 v39, $0x3;
	v15 =	vadd.s32 v32, v0;
	v20 =	vadd.s32 v25, v52;
	[tilespmem:v7+s24+$0x0] =	vst.idx.msk $0xffff, v16  }
0x2ca: {  	v10 =	vadd.s32 v50, v0;
	v18 =	vadd.s32 v2, v54;
	v16 =	vmov s31;
	[tilespmem:v9+s24+$0x0] =	vst.idx.msk $0xffff, v19;
	v46 =	vld [tilespmem:s6+$0x90]  }
0x2cb: {  	s30 =	simm.s32 $0xC;
	v13 =	vadd.f32 v13, v35;
	v41 =	vadd.s32 v38, v37;
	v53 =	vld [tilespmem:s6+$0xFFFFFFA0];
	[tilespmem:v23+s24+$0x0] =	vst.idx.msk $0xffff, v14;
	v16 =	vshrl.u32 v16, $0x3  }
0x2cc: {  	v17 =	vadd.s32 v58, v44;
	v7 =	vmov s30;
	[tilespmem:v11+s24+$0x0] =	vst.idx.msk $0xffff, v6;
	v14 =	vshll.u32 v16, v1;
	v16 =	vld [tilespmem:s6+$0xFFFFFF60]  }
0x2cd: {  	v45 =	vld [tilespmem:s5+$0xFFFFFF80];
	v19 =	vshll.u32 v39, v1;
	[tilespmem:v21+s24+$0x0] =	vst.idx.msk $0xffff, v13;
	v13 =	vshrl.u32 v43, $0x3;
	v7 =	vshrl.u32 v7, $0x3  }
0x2ce: {  	v47 =	vld [tilespmem:s5+$0x0];
	[tilespmem:v15+s24+$0x0] =	vst.idx.msk $0xffff, v8;
	v19 =	vbroadcast v19, $0x0;
	v7 =	vshll.u32 v7, v1;
	v39 =	vbroadcast v14, $0x0  }
0x2cf: {  	[tilespmem:v18+s24+$0x0] =	vst.idx.msk $0xffff, v3;
	v14 =	vshrl.u32 v40, $0x3;
	v40 =	vbroadcast v7, $0x0;
	v7 =	vld [tilespmem:s5+$0xFFFFFF00];
	v15 =	vadd.f32 v46, v35  }
0x2d0: {  	s30 =	simm.s32 $0xB;
	v43 =	vld [tilespmem:s5+$0xC0];
	v23 =	vadd.s32 v27, v19;
	v38 =	vadd.s32 v49, v19;
	v11 =	vadd.f32 v53, v34  }
0x2d1: {  	s31 =	simm.s32 $0xE;
	v58 =	vmov s30;
	v21 =	vadd.s32 v26, v39;
	v16 =	vadd.f32 v16, v34;
	[tilespmem:v20+s24+$0x0] =	vst.idx.msk $0xffff, v15;
	v20 =	vld [tilespmem:s6+$0xD0]  }
0x2d2: {  	v6 =	vld [tilespmem:s6+$0x50];
	v8 =	vadd.s32 v48, v40;
	v3 =	vadd.f32 v45, v36;
	[tilespmem:v41+s24+$0x0] =	vst.idx.msk $0xffff, v11;
	v15 =	vmov s31  }
0x2d3: {  	v46 =	vadd.f32 v42, v36;
	v41 =	vshrl.u32 v58, $0x3;
	[tilespmem:v24+s24+$0x0] =	vst.idx.msk $0xffff, v16;
	v16 =	vld [tilespmem:s6+$0x20];
	v15 =	vshrl.u32 v15, $0x3  }
0x2d4: {  	v18 =	vld [tilespmem:s6+$0xFFFFFF10];
	v48 =	vadd.f32 v7, v36;
	v7 =	vshll.u32 v15, v1;
	v15 =	vshll.u32 v41, v1  }
0x2d5: {  	v53 =	vld [tilespmem:s5+$0xFFFFFFC0];
	v49 =	vadd.f32 v43, v36;
	[tilespmem:v23+s24+$0x0] =	vst.idx.msk $0xffff, v46;
	v24 =	vadd.f32 v47, v36;
	v43 =	vbroadcast v15, $0x0  }
0x2d6: {  	v31 =	vadd.s32 v51, v54;
	[tilespmem:v21+s24+$0x0] =	vst.idx.msk $0xffff, v3;
	v3 =	vadd.f32 v20, v35  }
0x2d7: {  	v6 =	vadd.f32 v6, v35;
	[tilespmem:v8+s24+$0x0] =	vst.idx.msk $0xffff, v24;
	v8 =	vadd.s32 v29, v43  }
0x2d8: {  	[tilespmem:v10+s24+$0x0] =	vst.idx.msk $0xffff, v3;
	v3 =	vadd.f32 v16, v34  }
0x2d9: {  	[tilespmem:v12+s24+$0x0] =	vst.idx.msk $0xffff, v6;
	v10 =	vadd.f32 v18, v35  }
0x2da: {  	v12 =	vadd.f32 v53, v36;
	v18 =	vld [tilespmem:$0x1FE20];
	[tilespmem:v17+s24+$0x0] =	vst.idx.msk $0xffff, v3  }
0x2db: {  	[tilespmem:v31+s24+$0x0] =	vst.idx.msk $0xffff, v10  }
0x2dc: {  	[tilespmem:v8+s24+$0x0] =	vst.idx.msk $0xffff, v12  }
0x2dd: {  	v12 =	vld [tilespmem:$0x1FE30];
	_ =	sdelay $0x3  }
0x2de: {  	v6 =	vld [tilespmem:s6+$0xE0]  }
0x2df: {  	v20 =	vadd.s32 v60, v40;
	v60 =	vadd.s32 v12, v55;
	v12 =	vld [tilespmem:$0x1FCF0]  }
0x2e0: {  	v41 =	vbroadcast v7, $0x0;
	v7 =	vld [tilespmem:s6+$0xFFFFFF70]  }
0x2e1: {  	v5 =	vadd.s32 v5, v0;
	_ =	sdelay $0x2  }
0x2e2: {  	v6 =	vadd.f32 v6, v34  }
0x2e3: {  	v13 =	vshll.u32 v13, v1;
	v7 =	vadd.f32 v7, v33  }
0x2e4: {  	v16 =	vadd.s32 v18, v44;
	v44 =	vbroadcast v13, $0x0;
	[tilespmem:v5+s24+$0x0] =	vst.idx.msk $0xffff, v6  }
0x2e5: {  	[tilespmem:v12+s24+$0x0] =	vst.idx.msk $0xffff, v7  }
0x2e6: {  	v14 =	vshll.u32 v14, v1;
	v55 =	vadd.s32 v2, v44;
	v2 =	vld [tilespmem:$0x1FD00]  }
0x2e7: {  	v45 =	vbroadcast v14, $0x0;
	v14 =	vld [tilespmem:s6+$0xFFFFFFE0];
	_ =	sdelay $0x2  }
0x2e8: {  	s29 =	simm.s32 $0xD  }
0x2e9: {  	v9 =	vmov s29  }
0x2ea: {  	v9 =	vshrl.u32 v9, $0x3;
	v12 =	vadd.f32 v14, v34  }
0x2eb: {  	v9 =	vshll.u32 v9, v1  }
0x2ec: {  	v42 =	vbroadcast v9, $0x0;
	v9 =	vld [tilespmem:s6+$0xA0];
	[tilespmem:v2+s24+$0x0] =	vst.idx.msk $0xffff, v12  }
0x2ed: {  	v2 =	vld [tilespmem:$0x1FE00];
	_ =	sdelay $0x4  }
0x2ee: {  	v14 =	vadd.f32 v9, v34;
	v9 =	vadd.s32 v2, v28;
	v2 =	vld [tilespmem:$0x1FD10];
	_ =	sdelay $0x2  }
0x2ef: {  	v11 =	vld [tilespmem:s5+$0x40];
	_ =	sdelay $0x3  }
0x2f0: {  	v24 =	vadd.s32 v59, v19  }
0x2f1: {  	v59 =	vadd.s32 v62, v41;
	v62 =	vadd.f32 v11, v36;
	v11 =	vld [tilespmem:s6+$0x30];
	[tilespmem:v2+s24+$0x0] =	vst.idx.msk $0xffff, v14  }
0x2f2: {  	v5 =	vld [tilespmem:$0x1FE60];
	_ =	sdelay $0x4  }
0x2f3: {  	v12 =	vadd.f32 v11, v33;
	v11 =	vadd.s32 v5, v0;
	v0 =	vld [tilespmem:$0x1FD20]  }
0x2f4: {  	v10 =	vld [tilespmem:s6+$0x60];
	_ =	sdelay $0x1  }
0x2f5: {  	v17 =	vld [tilespmem:s5+$0xFFFFFF50];
	_ =	sdelay $0x2  }
0x2f6: {  	v10 =	vadd.f32 v10, v34  }
0x2f7: {  	v15 =	vld [tilespmem:s5+$0x10]  }
0x2f8: {  	v18 =	vadd.f32 v17, v35;
	v17 =	vld [tilespmem:s6+$0xFFFFFF20];
	[tilespmem:v0+s24+$0x0] =	vst.idx.msk $0xffff, v10  }
0x2f9: {  	v0 =	vld [tilespmem:$0x1FE40]  }
0x2fa: {  	v7 =	vld [tilespmem:s5+$0xFFFFFF90]  }
0x2fb: {  	v2 =	vld [tilespmem:s6+$0xF0];
	_ =	sdelay $0x1  }
0x2fc: {  	v13 =	vadd.f32 v15, v35  }
0x2fd: {  	v10 =	vadd.s32 v0, v52;
	v0 =	vld [tilespmem:$0x1FE90];
	[tilespmem:v16+s24+$0x0] =	vst.idx.msk $0xffff, v12  }
0x2fe: {  	v14 =	vadd.f32 v7, v35;
	[tilespmem:v20+s24+$0x0] =	vst.idx.msk $0xffff, v13  }
0x2ff: {  	v7 =	vadd.f32 v17, v34;
	v17 =	vadd.f32 v2, v33;
	v2 =	vld [tilespmem:$0x1FFA0];
	_ =	sdelay $0x3  }
0x300: {  	v47 =	vadd.s32 v63, v42  }
0x301: {  	v63 =	vadd.s32 v56, v43;
	v56 =	vadd.s32 v50, v45;
	v27 =	vmovc v2;
	v50 =	vadd.s32 v2, v42;
	v2 =	vld [tilespmem:$0x1FE50];
	_ =	sdelay $0x4  }
0x302: {  	v26 =	vmov v2;
	v52 =	vadd.s32 v2, v45;
	v2 =	vld [tilespmem:$0x1FD30];
	_ =	sdelay $0x3  }
0x303: {  	v4 =	vld [tilespmem:s5+$0x80];
	_ =	sdelay $0x2  }
0x304: {  	v58 =	vld [tilespmem:s6+$0xFFFFFFB0];
	[tilespmem:v24+s24+$0x0] =	vst.idx.msk $0xffff, v18  }
0x305: {  	v6 =	vld [tilespmem:s5+$0xFFFFFFD0];
	[tilespmem:v2+s24+$0x0] =	vst.idx.msk $0xffff, v7  }
0x306: {  	v8 =	vadd.f32 v4, v36;
	v4 =	vld [tilespmem:$0x1FF70]  }
0x307: {  	v7 =	vld [tilespmem:$0x1FFD0]  }
0x308: {  	v15 =	vld [tilespmem:s6+$0xFFFFFFF0]  }
0x309: {  	v53 =	vadd.s32 v32, v45;
	v32 =	vmovc v30;
	v46 =	vadd.s32 v22, v43;
	v3 =	vadd.s32 v61, v39;
	v12 =	vld [tilespmem:s6+$0xB0]  }
0x30a: {  	v29 =	vmovc v51;
	v61 =	vadd.f32 v58, v33;
	v58 =	vadd.s32 v25, v41;
	v6 =	vadd.f32 v6, v35;
	v2 =	vld [tilespmem:s6+$0x70]  }
0x30b: {  	v31 =	vmovc v57;
	v16 =	vadd.s32 v57, v42;
	v5 =	vadd.s32 v0, v54;
	v54 =	vadd.s32 v51, v44;
	v13 =	vld [tilespmem:s6+$0xFFFFFF30]  }
0x30c: {  	s28 =	simm.s32 $0xDB00;
	s8 =	simm.s32 $0x10;
	v0 =	vadd.s32 v30, v19;
	v28 =	vld [tilespmem:$0x1FF10];
	v4 =	vadd.s32 v4, v39;
	v30 =	vmovc v7;
	v51 =	vadd.s32 v7, v41  }
.LBB2_13:
0x30d: {  	_ = 	snop  }
0x30e: {  	s11 =	smov.u32 s8;
	[tilespmem:v59+s24+$0x0] =	vst.idx.msk $0xffff, v8  }
0x30f: {  	v7 =	vld [tilespmem:$0x1FE80];
	[tilespmem:v3+s24+$0x0] =	vst.idx.msk $0xffff, v14;
	s31 =	sadd.s32 $0x2, s11  }
0x310: {  	[tilespmem:v11+s24+$0x0] =	vst.idx.msk $0xffff, v17;
	v8 =	vld [tilespmem:s28+$0x80];
	v17 =	vmov s31;
	v3 =	vadd.f32 v15, v33  }
0x311: {  	v22 =	vadd.s32 v28, v37;
	[tilespmem:v16+s24+$0x0] =	vst.idx.msk $0xffff, v62;
	v21 =	vld [tilespmem:s5+$0xFFFFFFA0];
	v16 =	vshrl.u32 v17, $0x3;
	v13 =	vadd.f32 v13, v33  }
0x312: {  	v19 =	vmov s11;
	v12 =	vadd.f32 v12, v33;
	[tilespmem:v9+s24+$0x0] =	vst.idx.msk $0xffff, v3;
	v9 =	vshll.u32 v16, v1;
	v16 =	vld [tilespmem:s5+$0x90]  }
0x313: {  	[tilespmem:v5+s24+$0x0] =	vst.idx.msk $0xffff, v13;
	v13 =	vshrl.u32 v19, $0x3;
	v19 =	vld [tilespmem:$0x1FEF0]  }
0x314: {  	[tilespmem:v10+s24+$0x0] =	vst.idx.msk $0xffff, v12;
	v12 =	vld [tilespmem:s5+$0xFFFFFF60]  }
0x315: {  	v18 =	vld [tilespmem:s28+$0xFFFFFF40];
	s29 =	sadd.s32 $0x4, s11;
	v3 =	vadd.f32 v2, v33  }
0x316: {  	v37 =	vmov v39;
	v14 =	vmov s29;
	v23 =	vld [tilespmem:s28+$0xFFFFFF80];
	[tilespmem:v22+s24+$0x0] =	vst.idx.msk $0xffff, v61;
	v39 =	vbroadcast v9, $0x0  }
0x317: {  	v17 =	vld [tilespmem:s5+$0x50];
	v10 =	vshrl.u32 v14, $0x3;
	[tilespmem:v60+s24+$0x0] =	vst.idx.msk $0xffff, v3  }
0x318: {  	v59 =	vld [tilespmem:$0x1FEE0];
	v3 =	vshll.u32 v10, v1;
	v10 =	vadd.f32 v21, v34;
	v19 =	vadd.s32 v19, v39  }
0x319: {  	s1 =	sadd.s32 $0x7, s8;
	v57 =	vadd.s32 v7, v44;
	v7 =	vld [tilespmem:$0x1FE10];
	[tilespmem:v63+s24+$0x0] =	vst.idx.msk $0xffff, v6;
	v12 =	vadd.f32 v12, v34  }
0x31a: {  	v20 =	vmov s1;
	s1 =	sadd.s32 $0x1, s11;
	v6 =	vld [tilespmem:$0x1FF50];
	[tilespmem:v4+s24+$0x0] =	vst.idx.msk $0xffff, v10  }
0x31b: {  	v11 =	vmov s1;
	v60 =	vld [tilespmem:s28+$0x0];
	[tilespmem:v0+s24+$0x0] =	vst.idx.msk $0xffff, v12;
	v12 =	vadd.f32 v23, v36  }
0x31c: {  	s6 =	sadd.s32 $0x6, s11;
	v11 =	vshrl.u32 v11, $0x3;
	v0 =	vld [tilespmem:s5+$0xFFFFFFB0]  }
0x31d: {  	v3 =	vbroadcast v3, $0x0;
	v4 =	vadd.f32 v18, v36;
	v18 =	vmov s6;
	[tilespmem:v19+s24+$0x0] =	vst.idx.msk $0xffff, v12;
	v19 =	vld [tilespmem:$0x1FFB0]  }
0x31e: {  	v2 =	vshll.u32 v11, v1;
	v18 =	vshrl.u32 v18, $0x3  }
0x31f: {  	v24 =	vld [tilespmem:s5+$0x20];
	v2 =	vbroadcast v2, $0x0;
	v6 =	vadd.s32 v6, v3;
	v18 =	vshll.u32 v18, v1  }
0x320: {  	v11 =	vshrl.u32 v20, $0x3;
	v18 =	vbroadcast v18, $0x0  }
0x321: {  	v25 =	vld [tilespmem:s28+$0xC0];
	v11 =	vshll.u32 v11, v1;
	v20 =	vadd.s32 v59, v2;
	v7 =	vadd.s32 v7, v40  }
0x322: {  	v21 =	vadd.f32 v60, v36;
	v59 =	vadd.s32 v19, v18;
	v19 =	vbroadcast v11, $0x0;
	v11 =	vld [tilespmem:$0x1FF60]  }
0x323: {  	v14 =	vld [tilespmem:$0x1FEA0]  }
0x324: {  	v62 =	vld [tilespmem:$0x1FEB0];
	v24 =	vadd.f32 v24, v34;
	[tilespmem:v6+s24+$0x0] =	vst.idx.msk $0xffff, v21  }
0x325: {  	v12 =	vld [tilespmem:s28+$0x10]  }
0x326: {  	s30 =	sadd.s32 $0x5, s11;
	[tilespmem:v7+s24+$0x0] =	vst.idx.msk $0xffff, v24;
	v24 =	vld [tilespmem:$0x1FE30]  }
0x327: {  	[tilespmem:v53+s24+$0x0] =	vst.idx.msk $0xffff, v49;
	v15 =	vmov s30;
	v49 =	vadd.f32 v25, v36;
	v25 =	vadd.s32 v11, v3;
	v11 =	vld [tilespmem:$0x1FF90]  }
0x328: {  	v15 =	vshrl.u32 v15, $0x3;
	v5 =	vld [tilespmem:s28+$0xFFFFFF00];
	[tilespmem:v55+s24+$0x0] =	vst.idx.msk $0xffff, v48;
	v14 =	vadd.s32 v14, v2  }
0x329: {  	v15 =	vshll.u32 v15, v1;
	v17 =	vadd.f32 v17, v35;
	v55 =	vld [tilespmem:s5+$0xFFFFFF10]  }
0x32a: {  	v9 =	vld [tilespmem:s28+$0x40];
	v6 =	vbroadcast v15, $0x0  }
0x32b: {  	[tilespmem:v47+s24+$0x0] =	vst.idx.msk $0xffff, v17;
	v23 =	vld [tilespmem:s5+$0xFFFFFF70]  }
0x32c: {  	s11 =	sadd.s32 $0x3, s11;
	v16 =	vadd.f32 v16, v35;
	v60 =	vadd.s32 v24, v42;
	v42 =	vmovc v6;
	v11 =	vadd.s32 v11, v6;
	v6 =	vld [tilespmem:$0x1FED0]  }
0x32d: {  	v61 =	vmov s11;
	[tilespmem:v14+s24+$0x0] =	vst.idx.msk $0xffff, v4;
	v14 =	vld [tilespmem:$0x1FE20]  }
0x32e: {  	v22 =	vshrl.u32 v61, $0x3;
	v13 =	vshll.u32 v13, v1;
	[tilespmem:v58+s24+$0x0] =	vst.idx.msk $0xffff, v16;
	v7 =	vld [tilespmem:s5+$0x60]  }
0x32f: {  	v22 =	vshll.u32 v22, v1;
	v13 =	vbroadcast v13, $0x0;
	v15 =	vld [tilespmem:s5+$0xA0]  }
0x330: {  	v5 =	vadd.f32 v5, v36;
	v21 =	vadd.s32 v62, v2;
	v62 =	vadd.f32 v9, v36  }
0x331: {  	v16 =	vld [tilespmem:s5+$0xD0];
	v9 =	vadd.f32 v55, v35;
	v55 =	vadd.s32 v6, v13;
	v6 =	vadd.f32 v23, v33  }
0x332: {  	v48 =	vmov v5;
	v5 =	vbroadcast v22, $0x0;
	v22 =	vadd.s32 v14, v40;
	v14 =	vld [tilespmem:s28+$0xFFFFFF50]  }
0x333: {  	[tilespmem:v38+s24+$0x0] =	vst.idx.msk $0xffff, v6;
	v6 =	vadd.f32 v7, v34;
	v7 =	vld [tilespmem:$0x1FFC0]  }
0x334: {  	v61 =	vadd.f32 v0, v33;
	v40 =	vmov v3;
	v0 =	vadd.f32 v15, v34;
	v3 =	vld [tilespmem:$0x1FF20]  }
0x335: {  	v10 =	vld [tilespmem:s28+$0xFFFFFFC0]  }
0x336: {  	[tilespmem:v51+s24+$0x0] =	vst.idx.msk $0xffff, v0;
	v0 =	vld [tilespmem:$0x1FE60]  }
0x337: {  	v16 =	vadd.f32 v16, v35;
	v47 =	vmov v11;
	v11 =	vld [tilespmem:s5+$0x30]  }
0x338: {  	v58 =	vadd.s32 v7, v18;
	v7 =	vld [tilespmem:$0x1FE00]  }
0x339: {  	[tilespmem:v56+s24+$0x0] =	vst.idx.msk $0xffff, v16;
	v16 =	vadd.s32 v3, v5  }
0x33a: {  	v17 =	vld [tilespmem:s5+$0xE0]  }
0x33b: {  	v4 =	vadd.f32 v10, v36;
	v10 =	vld [tilespmem:s5+$0xFFFFFFE0]  }
0x33c: {  	[tilespmem:v54+s24+$0x0] =	vst.idx.msk $0xffff, v9;
	v3 =	vld [tilespmem:$0x1FF40]  }
0x33d: {  	v9 =	vadd.s32 v7, v43;
	v7 =	vadd.f32 v11, v33;
	v11 =	vadd.s32 v0, v45;
	v0 =	vld [tilespmem:$0x1FFF0]  }
0x33e: {  	[tilespmem:v16+s24+$0x0] =	vst.idx.msk $0xffff, v4;
	v4 =	vld [tilespmem:s5+$0xFFFFFF20]  }
0x33f: {  	v63 =	vld [tilespmem:$0x1FFE0];
	v15 =	vadd.f32 v17, v34  }
0x340: {  	v10 =	vadd.f32 v10, v34;
	v24 =	vadd.f32 v12, v35;
	v12 =	vld [tilespmem:s28+$0xFFFFFF90]  }
0x341: {  	[tilespmem:v52+s24+$0x0] =	vst.idx.msk $0xffff, v15;
	v56 =	vadd.s32 v3, v5;
	v16 =	vld [tilespmem:s28+$0xFFFFFFD0];
	v45 =	vmov v19  }
0x342: {  	[tilespmem:v46+s24+$0x0] =	vst.idx.msk $0xffff, v10;
	v46 =	vmov v56;
	v56 =	vadd.s32 v0, v45;
	v0 =	vld [tilespmem:$0x1FE40]  }
0x343: {  	v17 =	vld [tilespmem:s5+$0xF0];
	v4 =	vadd.f32 v4, v34  }
0x344: {  	v3 =	vld [tilespmem:$0x1FF00]  }
0x345: {  	[tilespmem:v57+s24+$0x0] =	vst.idx.msk $0xffff, v4;
	v4 =	vld [tilespmem:$0x1FF70]  }
0x346: {  	v23 =	vadd.f32 v14, v35;
	v43 =	vmov v5;
	v5 =	vld [tilespmem:$0x1FF30]  }
0x347: {  	v8 =	vadd.f32 v8, v36;
	v53 =	vadd.s32 v63, v19;
	v10 =	vadd.s32 v0, v41;
	v0 =	vld [tilespmem:$0x1FE90]  }
0x348: {  	p1 =	slt.u32 s8, $0x78;
	v17 =	vadd.f32 v17, v33;
	v14 =	vadd.f32 v12, v35;
	[tilespmem:v21+s24+$0x0] =	vst.idx.msk $0xffff, v23  }
.Ltmp5:
0x349: {  	[tilespmem:v50+s24+$0x0] =	vst.idx.msk $0xffff, v6;
	v50 =	vadd.s32 v27, v42;
	v3 =	vadd.s32 v3, v39;
	(pc) =	sbr.rel @p1 .LBB2_13-.Ltmp5, $4  }
0x34a: {  	v12 =	vld [tilespmem:s5+$0xB0];
	v6 =	vadd.f32 v16, v35;
	v16 =	vadd.s32 v31, v42;
	v4 =	vadd.s32 v4, v39  }
0x34b: {  	v15 =	vld [tilespmem:s5+$0xFFFFFFF0];
	v52 =	vadd.s32 v26, v45;
	[tilespmem:v22+s24+$0x0] =	vst.idx.msk $0xffff, v7;
	v63 =	vadd.s32 v5, v43  }
0x34c: {  	v41 =	vmovc v18;
	v5 =	vadd.s32 v0, v44;
	v44 =	vmov v13;
	v0 =	vadd.s32 v32, v2;
	v2 =	vld [tilespmem:s5+$0x70]  }
0x34d: {  	s8 =	sadd.s32 $0x8, s8;
	v38 =	vmov v20;
	[tilespmem:v25+s24+$0x0] =	vst.idx.msk $0xffff, v24;
	v51 =	vadd.s32 v30, v41;
	v13 =	vld [tilespmem:s5+$0xFFFFFF30];
	s5 =	smov.u32 s28;
	s28 =	sadd.s32 $0x200, s28;
	v54 =	vadd.s32 v29, v44  }
0x34e: {  	_ =	sdelay $0x3  }
0x34f: {  	[tilespmem:v59+s24+$0x0] =	vst.idx.msk $0xffff, v8  }
0x350: {  	[tilespmem:v3+s24+$0x0] =	vst.idx.msk $0xffff, v14  }
0x351: {  	[tilespmem:v53+s24+$0x0] =	vst.idx.msk $0xffff, v49  }
0x352: {  	[tilespmem:v11+s24+$0x0] =	vst.idx.msk $0xffff, v17  }
0x353: {  	[tilespmem:v16+s24+$0x0] =	vst.idx.msk $0xffff, v62;
	v7 =	vld [tilespmem:s5+$0xD0]  }
0x354: {  	v19 =	vadd.s32 v28, v37;
	[tilespmem:v55+s24+$0x0] =	vst.idx.msk $0xffff, v48;
	v20 =	vadd.f32 v12, v33  }
0x355: {  	[tilespmem:v63+s24+$0x0] =	vst.idx.msk $0xffff, v6;
	v3 =	vadd.f32 v15, v33  }
0x356: {  	v2 =	vadd.f32 v2, v33;
	[tilespmem:v10+s24+$0x0] =	vst.idx.msk $0xffff, v20  }
0x357: {  	[tilespmem:v9+s24+$0x0] =	vst.idx.msk $0xffff, v3  }
0x358: {  	[tilespmem:v60+s24+$0x0] =	vst.idx.msk $0xffff, v2;
	v7 =	vadd.f32 v7, v35  }
0x359: {  	v3 =	vld [tilespmem:s5+$0x90];
	[tilespmem:v19+s24+$0x0] =	vst.idx.msk $0xffff, v61  }
0x35a: {  	v21 =	vld [tilespmem:s5+$0x50];
	[tilespmem:v56+s24+$0x0] =	vst.idx.msk $0xffff, v7  }
0x35b: {  	v27 =	vld [tilespmem:$0x1FE10]  }
0x35c: {  	v22 =	vld [tilespmem:s5+$0xFFFFFF60]  }
0x35d: {  	v2 =	vld [tilespmem:s5+$0xFFFFFF10]  }
0x35e: {  	v23 =	vld [tilespmem:s5+$0x20];
	v3 =	vadd.f32 v3, v35  }
0x35f: {  	v30 =	vadd.f32 v21, v35;
	v7 =	vld [tilespmem:s5+$0xE0]  }
0x360: {  	v32 =	vadd.f32 v13, v33;
	[tilespmem:v58+s24+$0x0] =	vst.idx.msk $0xffff, v3;
	v3 =	vld [tilespmem:s5+$0xFFFFFFE0];
	v31 =	vadd.s32 v27, v40  }
0x361: {  	v37 =	vadd.f32 v22, v34;
	[tilespmem:v47+s24+$0x0] =	vst.idx.msk $0xffff, v30  }
0x362: {  	[tilespmem:v5+s24+$0x0] =	vst.idx.msk $0xffff, v32;
	v2 =	vadd.f32 v2, v35  }
0x363: {  	v8 =	vadd.f32 v23, v34;
	[tilespmem:v0+s24+$0x0] =	vst.idx.msk $0xffff, v37  }
0x364: {  	v6 =	vld [tilespmem:s5+$0x60];
	[tilespmem:v54+s24+$0x0] =	vst.idx.msk $0xffff, v2;
	v2 =	vadd.f32 v7, v34  }
0x365: {  	v36 =	vld [tilespmem:s5+$0xA0];
	v3 =	vadd.f32 v3, v34;
	[tilespmem:v31+s24+$0x0] =	vst.idx.msk $0xffff, v8  }
0x366: {  	v48 =	vld [tilespmem:$0x1FE80];
	[tilespmem:v52+s24+$0x0] =	vst.idx.msk $0xffff, v2  }
0x367: {  	v47 =	vld [tilespmem:s5+$0xFFFFFFA0];
	[tilespmem:v46+s24+$0x0] =	vst.idx.msk $0xffff, v3  }
0x368: {  	v53 =	vld [tilespmem:$0x1FE20]  }
0x369: {  	v0 =	vld [tilespmem:s5+$0xFFFFFF20]  }
0x36a: {  	v5 =	vld [tilespmem:s5+$0xFFFFFF70];
	v49 =	vadd.f32 v36, v34  }
0x36b: {  	v8 =	vld [tilespmem:s5+$0x30];
	v2 =	vadd.f32 v6, v34;
	v7 =	vadd.s32 v48, v44  }
0x36c: {  	v52 =	vadd.f32 v47, v34;
	v3 =	vld [tilespmem:s5+$0xF0];
	[tilespmem:v51+s24+$0x0] =	vst.idx.msk $0xffff, v49  }
0x36d: {  	v9 =	vld [tilespmem:$0x1FE60];
	[tilespmem:v50+s24+$0x0] =	vst.idx.msk $0xffff, v2;
	v10 =	vadd.s32 v53, v40  }
0x36e: {  	v0 =	vadd.f32 v0, v34;
	v54 =	vld [tilespmem:s5+$0xFFFFFFF0];
	[tilespmem:v4+s24+$0x0] =	vst.idx.msk $0xffff, v52  }
0x36f: {  	v55 =	vadd.f32 v5, v33;
	v56 =	vld [tilespmem:$0x1FE00]  }
0x370: {  	v59 =	vld [tilespmem:$0x1FE40];
	v8 =	vadd.f32 v8, v33;
	[tilespmem:v7+s24+$0x0] =	vst.idx.msk $0xffff, v0  }
0x371: {  	v0 =	vld [tilespmem:$0x1FE30];
	[tilespmem:v38+s24+$0x0] =	vst.idx.msk $0xffff, v55  }
0x372: {  	v58 =	vld [tilespmem:s5+$0xFFFFFFB0];
	[tilespmem:v10+s24+$0x0] =	vst.idx.msk $0xffff, v8  }
0x373: {  	v9 =	vadd.s32 v9, v45;
	v10 =	vld [tilespmem:$0x1FE90]  }
0x374: {  	v62 =	vadd.s32 v28, v39;
	v2 =	vld [tilespmem:s5+$0xB0]  }
0x375: {  	v57 =	vld [tilespmem:s5+$0x70];
	v5 =	vadd.s32 v56, v43  }
0x376: {  	s1 =	sadd.s32 $0x6, s12;
	v3 =	vadd.f32 v3, v33;
	v13 =	vadd.s32 v59, v41;
	v60 =	vld [tilespmem:s5+$0xFFFFFF30]  }
0x377: {  	s31 =	smulhi.u32 $0x51EB851F, s1;
	v63 =	vadd.f32 v58, v33;
	v0 =	vadd.s32 v0, v42  }
0x378: {  	v61 =	vadd.f32 v54, v33;
	[tilespmem:v9+s24+$0x0] =	vst.idx.msk $0xffff, v3;
	v10 =	vadd.s32 v10, v44  }
0x379: {  	v2 =	vadd.f32 v2, v33;
	s5 =	sshrl.u32 s31, $0x6;
	[tilespmem:v62+s24+$0x0] =	vst.idx.msk $0xffff, v63  }
0x37a: {  	v3 =	vadd.f32 v57, v33;
	s5 =	smul.u32 $0xC8, s5;
	[tilespmem:v5+s24+$0x0] =	vst.idx.msk $0xffff, v61  }
0x37b: {  	[tilespmem:v13+s24+$0x0] =	vst.idx.msk $0xffff, v2;
	v2 =	vadd.f32 v60, v33  }
0x37c: {  	s1 =	ssub.s32 s1, s5;
	[tilespmem:v0+s24+$0x0] =	vst.idx.msk $0xffff, v3  }
0x37d: {  	s1 =	sshll.u32 s1, $0x7;
	[tilespmem:v10+s24+$0x0] =	vst.idx.msk $0xffff, v2  }
0x37e: {  	[tilespmem:s16], [sflag:$0x3] =	stream.indirect.gather [hbm4b:s4+s9], $0x40, s1, s9, $0xb8;
	[tilespmem:$0x19E00] =	vst v63  }
0x37f: {  	s6 =	sshll.u32 s17, $0x12;
	s1 =	simm.s32 @!p0 $0x7  }
0x380: {  	s5 =	sor.u32 s7, s6;
	_ =	swait.ge @!p0 [sflag:s1], $0x2000  }
0x381: {  	s5 =	sshrl.u32 s5, $0x3;
	[sflag:s1] =	ssyncset.done @!p0 $0x0  }
0x382: {  	s8 =	simm.s32 $0x15A00;
	[sflag:s1] =	ssyncadd.s32 @!p0 $0xFFFFE000;
	s1 =	sadd.s32 s2, s5  }
0x383: {  	[hbm4b:s1+s3] =	stream.linear.scatter [tilespmem:s8], [sflag:$0x7], $0x80, $0x38;
	[tilespmem:$0x19E00] =	vst v63  }
0x384: {  	s11 =	simm.s32 $0x15A88;
	s6 =	sadd.s32 $0x10, s1  }
0x385: {  	[hbm4b:s6+s3] =	stream.linear.scatter [tilespmem:s11], [sflag:$0x7], $0x80, $0x38;
	[tilespmem:$0x19E00] =	vst v63  }
0x386: {  	s17 =	simm.s32 $0x15B10;
	s30 =	simm.s32 $0x15B98;
	s29 =	sadd.s32 $0x20, s1  }
0x387: {  	[hbm4b:s29+s3] =	stream.linear.scatter [tilespmem:s17], [sflag:$0x7], $0x80, $0x38;
	[tilespmem:$0x19E00] =	vst v63  }
0x388: {  	s5 =	simm.s32 $0x440;
	s31 =	sadd.s32 $0x30, s1;
	s8 =	simm.s32 $0x15C20  }
0x389: {  	[hbm4b:s31+s3] =	stream.linear.scatter [tilespmem:s30], [sflag:$0x7], $0x80, $0x38;
	[tilespmem:$0x19E00] =	vst v63  }
0x38a: {  	s28 =	sadd.s32 $0x70, s1;
	s11 =	sadd.s32 $0x40, s1;
	s6 =	sadd.s32 $0x1000, s1  }
0x38b: {  	[hbm4b:s11+s3] =	stream.linear.scatter [tilespmem:s8], [sflag:$0x7], $0x80, $0x38;
	[tilespmem:$0x19E00] =	vst v63  }
0x38c: {  	s17 =	simm.s32 $0x15CA8;
	s29 =	sadd.s32 $0x50, s1;
	s30 =	simm.s32 $0x15D30  }
0x38d: {  	[hbm4b:s29+s3] =	stream.linear.scatter [tilespmem:s17], [sflag:$0x7], $0x80, $0x38;
	[tilespmem:$0x19E00] =	vst v63  }
0x38e: {  	s31 =	sadd.s32 $0x60, s1;
	s8 =	simm.s32 $0x2200;
	s17 =	simm.s32 $0x15DB8  }
0x38f: {  	v58 =	vmov v27;
	[hbm4b:s31+s3] =	stream.linear.scatter [tilespmem:s30], [sflag:$0x7], $0x80, $0x38;
	[tilespmem:$0x19E00] =	vst v63  }
.LBB2_15:
0x390: {  	[hbm4b:s28+s3] =	stream.linear.scatter [tilespmem:s17], [sflag:$0x7], $0x80, $0x38;
	[tilespmem:$0x19E00] =	vst v63  }
0x391: {  	s1 =	smov.u32 s5;
	s5 =	smov.u32 s8  }
0x392: {  	s11 =	sadd.s32 $0x1100, s8;
	s5 =	sshra.s32 s5, $0x2;
	s17 =	sadd.s32 $0x15A00, s1  }
0x393: {  	[hbm4b:s6+s3] =	stream.linear.scatter [tilespmem:s17], [sflag:$0x7], $0x80, $0x38;
	[tilespmem:$0x19E00] =	vst v63  }
0x394: {  	p1 =	sne.s32 s8, $0x7700;
	s8 =	sadd.s32 $0x15A88, s1;
	s17 =	sadd.s32 $0x10, s6  }
0x395: {  	[hbm4b:s17+s3] =	stream.linear.scatter [tilespmem:s8], [sflag:$0x7], $0x80, $0x38;
	[tilespmem:$0x19E00] =	vst v63  }
0x396: {  	s8 =	sadd.s32 $0x15B10, s1;
	s17 =	sadd.s32 $0x20, s6  }
0x397: {  	[hbm4b:s17+s3] =	stream.linear.scatter [tilespmem:s8], [sflag:$0x7], $0x80, $0x38;
	[tilespmem:$0x19E00] =	vst v63  }
0x398: {  	s8 =	sadd.s32 $0x15B98, s1;
	s17 =	sadd.s32 $0x30, s6  }
0x399: {  	[hbm4b:s17+s3] =	stream.linear.scatter [tilespmem:s8], [sflag:$0x7], $0x80, $0x38;
	[tilespmem:$0x19E00] =	vst v63  }
0x39a: {  	s8 =	sadd.s32 $0x15C20, s1;
	s17 =	sadd.s32 $0x40, s6  }
0x39b: {  	[hbm4b:s17+s3] =	stream.linear.scatter [tilespmem:s8], [sflag:$0x7], $0x80, $0x38;
	[tilespmem:$0x19E00] =	vst v63  }
.Ltmp6:
0x39c: {  	s8 =	sadd.s32 $0x15CA8, s1;
	s17 =	sadd.s32 $0x50, s6;
	(pc) =	sbr.rel @p1 .LBB2_15-.Ltmp6, $4  }
0x39d: {  	[hbm4b:s17+s3] =	stream.linear.scatter [tilespmem:s8], [sflag:$0x7], $0x80, $0x38;
	[tilespmem:$0x19E00] =	vst v63  }
0x39e: {  	s28 =	sadd.s32 $0x70, s6;
	s8 =	sadd.s32 $0x15D30, s1;
	s17 =	sadd.s32 $0x60, s6  }
0x39f: {  	[hbm4b:s17+s3] =	stream.linear.scatter [tilespmem:s8], [sflag:$0x7], $0x80, $0x38;
	[tilespmem:$0x19E00] =	vst v63  }
0x3a0: {  	s6 =	sadd.s32 $0x1000, s6;
	s17 =	sadd.s32 $0x15DB8, s1;
	s8 =	smov.u32 s11  }
0x3a1: {  	[hbm4b:s28+s3] =	stream.linear.scatter [tilespmem:s17], [sflag:$0x7], $0x80, $0x38;
	[tilespmem:$0x19E00] =	vst v63  }
0x3a2: {  	s1 =	sadd.s32 $0x15A00, s5  }
0x3a3: {  	[hbm4b:s6+s3] =	stream.linear.scatter [tilespmem:s1], [sflag:$0x7], $0x80, $0x38;
	[tilespmem:$0x19E00] =	vst v63  }
0x3a4: {  	s11 =	sadd.s32 $0x15A88, s5;
	s8 =	sadd.s32 $0x10, s6  }
0x3a5: {  	[hbm4b:s8+s3] =	stream.linear.scatter [tilespmem:s11], [sflag:$0x7], $0x80, $0x38;
	[tilespmem:$0x19E00] =	vst v63  }
0x3a6: {  	s17 =	sadd.s32 $0x15B10, s5;
	s29 =	sadd.s32 $0x20, s6  }
0x3a7: {  	[hbm4b:s29+s3] =	stream.linear.scatter [tilespmem:s17], [sflag:$0x7], $0x80, $0x38;
	[tilespmem:$0x19E00] =	vst v63  }
0x3a8: {  	s30 =	sadd.s32 $0x15B98, s5;
	s31 =	sadd.s32 $0x30, s6  }
0x3a9: {  	[hbm4b:s31+s3] =	stream.linear.scatter [tilespmem:s30], [sflag:$0x7], $0x80, $0x38;
	[tilespmem:$0x19E00] =	vst v63  }
0x3aa: {  	s8 =	sadd.s32 $0x15C20, s5;
	s11 =	sadd.s32 $0x40, s6  }
0x3ab: {  	[hbm4b:s11+s3] =	stream.linear.scatter [tilespmem:s8], [sflag:$0x7], $0x80, $0x38;
	[tilespmem:$0x19E00] =	vst v63  }
0x3ac: {  	s17 =	sadd.s32 $0x15CA8, s5;
	s29 =	sadd.s32 $0x50, s6  }
0x3ad: {  	[hbm4b:s29+s3] =	stream.linear.scatter [tilespmem:s17], [sflag:$0x7], $0x80, $0x38;
	[tilespmem:$0x19E00] =	vst v63  }
0x3ae: {  	s30 =	sadd.s32 $0x15D30, s5;
	s31 =	sadd.s32 $0x60, s6  }
0x3af: {  	[hbm4b:s31+s3] =	stream.linear.scatter [tilespmem:s30], [sflag:$0x7], $0x80, $0x38;
	[tilespmem:$0x19E00] =	vst v63  }
0x3b0: {  	s11 =	sadd.s32 $0x15DB8, s5;
	s17 =	sadd.s32 $0x70, s6  }
0x3b1: {  	[hbm4b:s17+s3] =	stream.linear.scatter [tilespmem:s11], [sflag:$0x7], $0x80, $0x38;
	[tilespmem:$0x19E00] =	vst v63  }
0x3b2: {  	_ =	swait.ge [sflag:s25], $0x2000  }
0x3b3: {  	v31 =	vld [tilespmem:$0x1FF50]  }
0x3b4: {  	v32 =	vld [tilespmem:$0x1FEA0]  }
0x3b5: {  	s17 =	sor.u32 $0x3, s12;
	v48 =	vld [tilespmem:$0x1FEE0]  }
0x3b6: {  	s30 =	simm.s32 $0x0;
	s29 =	sshll.u32 s17, $0x6;
	[sflag:s25] =	ssyncset.done $0x0;
	v49 =	vld [tilespmem:$0x1FEF0]  }
0x3b7: {  	v0 =	vmov s30;
	s30 =	simm.s32 $0x1;
	s1 =	sand.u32 $0x3FFFFFC0, s29;
	v61 =	vld [tilespmem:$0x1FF20];
	[sflag:s25] =	ssyncadd.s32 $0xFFFFE000  }
0x3b8: {  	s8 =	simm.s32 $0x4;
	v5 =	vmov s30;
	v36 =	vld [tilespmem:s1+$0x6400]  }
0x3b9: {  	v3 =	vmov s8;
	v5 =	vshrl.u32 v5, $0x3;
	v35 =	vld [tilespmem:s1+$0x6410]  }
0x3ba: {  	v3 =	vshrl.u32 v3, $0x3;
	s11 =	simm.s32 $0x2;
	v5 =	vshll.u32 v5, v1;
	v34 =	vld [tilespmem:s1+$0x6420]  }
0x3bb: {  	s6 =	simm.s32 $0xF700;
	v3 =	vshll.u32 v3, v1;
	s31 =	simm.s32 $0x7;
	v6 =	vmov s11;
	v5 =	vbroadcast v5, $0x0;
	v33 =	vld [tilespmem:s1+$0x6430]  }
0x3bc: {  	v44 =	vbroadcast v3, $0x0;
	v2 =	vmov s31;
	s31 =	simm.s32 $0x3;
	v6 =	vshrl.u32 v6, $0x3;
	v7 =	vld [tilespmem:s6+$0x0]  }
0x3bd: {  	v3 =	vmov s31;
	v6 =	vshll.u32 v6, v1;
	v8 =	vld [tilespmem:s6+$0xFFFFFF40];
	v11 =	vadd.s32 v48, v5  }
0x3be: {  	v3 =	vshrl.u32 v3, $0x3;
	v9 =	vld [tilespmem:s6+$0xFFFFFF80];
	v37 =	vbroadcast v6, $0x0;
	v6 =	vadd.s32 v31, v44;
	[tilespmem:$0x1FCA0] =	vst v11  }
0x3bf: {  	v3 =	vshll.u32 v3, v1;
	v10 =	vadd.s32 v32, v5;
	v11 =	vld [tilespmem:s6+$0xFFFFFFC0]  }
0x3c0: {  	s5 =	simm.s32 $0x6;
	v0 =	vshrl.u32 v0, $0x3;
	v28 =	vbroadcast v3, $0x0;
	v12 =	vadd.s32 v49, v37;
	v3 =	vld [tilespmem:s6+$0xFFFFFF00]  }
0x3c1: {  	v14 =	vmov s5;
	v17 =	vshll.u32 v0, v1;
	s29 =	simm.s32 $0x5;
	v13 =	vld [tilespmem:s6+$0xC0];
	v7 =	vadd.f32 v7, v36  }
0x3c2: {  	v4 =	vmov s29;
	v15 =	vadd.s32 v61, v28;
	v16 =	vld [tilespmem:s6+$0x80];
	v0 =	vadd.f32 v8, v36  }
0x3c3: {  	v4 =	vshrl.u32 v4, $0x3;
	v8 =	vshrl.u32 v14, $0x3;
	v14 =	vld [tilespmem:s6+$0x40];
	v9 =	vadd.f32 v9, v36;
	[tilespmem:v6+s26+$0x0] =	vst.idx.msk $0xffff, v7  }
0x3c4: {  	v4 =	vshll.u32 v4, v1;
	[tilespmem:v10+s26+$0x0] =	vst.idx.msk $0xffff, v0;
	v6 =	vld [tilespmem:s6+$0x10]  }
0x3c5: {  	v55 =	vbroadcast v4, $0x0;
	[tilespmem:v12+s26+$0x0] =	vst.idx.msk $0xffff, v9;
	v4 =	vld [tilespmem:s6+$0xFFFFFF50];
	v7 =	vadd.f32 v11, v36  }
0x3c6: {  	v59 =	vld [tilespmem:$0x1FEB0]  }
0x3c7: {  	v10 =	vld [tilespmem:s6+$0xFFFFFF90];
	[tilespmem:v15+s26+$0x0] =	vst.idx.msk $0xffff, v7  }
0x3c8: {  	v0 =	vld [tilespmem:$0x1FF40]  }
0x3c9: {  	v62 =	vld [tilespmem:$0x1FFB0]  }
0x3ca: {  	v2 =	vshrl.u32 v2, $0x3;
	v26 =	vld [tilespmem:$0x1FF60]  }
0x3cb: {  	v2 =	vshll.u32 v2, v1;
	v60 =	vld [tilespmem:$0x1FF90]  }
0x3cc: {  	v22 =	vbroadcast v2, $0x0;
	v8 =	vshll.u32 v8, v1;
	v30 =	vld [tilespmem:$0x1FEC0]  }
0x3cd: {  	v52 =	vbroadcast v8, $0x0;
	v8 =	vadd.f32 v13, v36;
	v13 =	vld [tilespmem:s6+$0xFFFFFFD0];
	v2 =	vadd.s32 v0, v28  }
0x3ce: {  	[tilespmem:$0x1FCB0] =	vst v2;
	v2 =	vld [tilespmem:$0x1FF00]  }
0x3cf: {  	v27 =	vld [tilespmem:$0x1FFE0]  }
0x3d0: {  	v25 =	vld [tilespmem:$0x1FED0]  }
0x3d1: {  	v9 =	vadd.s32 v59, v5;
	v24 =	vadd.s32 v30, v5;
	v5 =	vld [tilespmem:$0x1FFA0]  }
0x3d2: {  	v56 =	vld [tilespmem:$0x1FFC0]  }
0x3d3: {  	v54 =	vbroadcast v17, $0x0;
	v50 =	vld [tilespmem:$0x1FF30];
	v17 =	vadd.s32 v2, v37  }
0x3d4: {  	v51 =	vld [tilespmem:$0x1FFF0]  }
0x3d5: {  	v57 =	vld [tilespmem:$0x1FE70]  }
0x3d6: {  	v29 =	vld [tilespmem:$0x1FF80];
	v19 =	vadd.f32 v4, v35;
	v4 =	vadd.f32 v10, v35;
	v5 =	vadd.s32 v5, v55  }
0x3d7: {  	v38 =	vld [tilespmem:$0x1FF70];
	[tilespmem:$0x1FCD0] =	vst v5  }
0x3d8: {  	v5 =	vld [tilespmem:$0x1FE50];
	[tilespmem:v17+s26+$0x0] =	vst.idx.msk $0xffff, v4  }
0x3d9: {  	v4 =	vld [tilespmem:$0x1FFD0];
	_ =	sdelay $0x3  }
0x3da: {  	s5 =	simm.s32 $0xF900  }
0x3db: {  	v42 =	vld [tilespmem:s5+$0xFFFFFF40];
	v4 =	vadd.s32 v4, v52  }
0x3dc: {  	[tilespmem:$0x1FCC0] =	vst v4;
	v4 =	vld [tilespmem:$0x1FE80];
	_ =	sdelay $0x1  }
0x3dd: {  	s8 =	simm.s32 $0x8;
	s11 =	simm.s32 $0xF;
	s29 =	simm.s32 $0x9;
	v7 =	vadd.s32 v62, v52  }
0x3de: {  	v43 =	vmov s8;
	v40 =	vmov s11;
	v39 =	vmov s29  }
0x3df: {  	v3 =	vadd.f32 v3, v36;
	v14 =	vadd.f32 v14, v36;
	v23 =	vadd.s32 v29, v55  }
0x3e0: {  	v16 =	vadd.f32 v16, v36;
	v11 =	vadd.s32 v26, v44;
	v4 =	vadd.s32 v4, v54  }
0x3e1: {  	v6 =	vadd.f32 v6, v35;
	v12 =	vadd.s32 v60, v55;
	v21 =	vadd.s32 v50, v28;
	[tilespmem:$0x1FCE0] =	vst v4  }
0x3e2: {  	s31 =	simm.s32 $0xA;
	v39 =	vshrl.u32 v39, $0x3;
	v15 =	vadd.s32 v27, v22;
	v18 =	vadd.s32 v25, v54;
	[tilespmem:v7+s26+$0x0] =	vst.idx.msk $0xffff, v16  }
0x3e3: {  	v20 =	vadd.s32 v56, v52;
	v10 =	vadd.s32 v51, v22;
	v16 =	vmov s31;
	[tilespmem:v9+s26+$0x0] =	vst.idx.msk $0xffff, v19;
	v46 =	vld [tilespmem:s6+$0x90]  }
0x3e4: {  	s30 =	simm.s32 $0xC;
	v13 =	vadd.f32 v13, v35;
	v41 =	vadd.s32 v38, v37;
	v53 =	vld [tilespmem:s6+$0xFFFFFFA0];
	[tilespmem:v23+s26+$0x0] =	vst.idx.msk $0xffff, v14;
	v16 =	vshrl.u32 v16, $0x3  }
0x3e5: {  	v17 =	vadd.s32 v58, v44;
	v7 =	vmov s30;
	[tilespmem:v11+s26+$0x0] =	vst.idx.msk $0xffff, v6;
	v14 =	vshll.u32 v16, v1;
	v16 =	vld [tilespmem:s6+$0xFFFFFF60]  }
0x3e6: {  	v45 =	vld [tilespmem:s5+$0xFFFFFF80];
	v19 =	vshll.u32 v39, v1;
	[tilespmem:v21+s26+$0x0] =	vst.idx.msk $0xffff, v13;
	v13 =	vshrl.u32 v43, $0x3;
	v7 =	vshrl.u32 v7, $0x3  }
0x3e7: {  	v47 =	vld [tilespmem:s5+$0x0];
	[tilespmem:v15+s26+$0x0] =	vst.idx.msk $0xffff, v8;
	v19 =	vbroadcast v19, $0x0;
	v7 =	vshll.u32 v7, v1;
	v39 =	vbroadcast v14, $0x0  }
0x3e8: {  	[tilespmem:v18+s26+$0x0] =	vst.idx.msk $0xffff, v3;
	v14 =	vshrl.u32 v40, $0x3;
	v40 =	vbroadcast v7, $0x0;
	v7 =	vld [tilespmem:s5+$0xFFFFFF00];
	v15 =	vadd.f32 v46, v35  }
0x3e9: {  	s30 =	simm.s32 $0xB;
	v43 =	vld [tilespmem:s5+$0xC0];
	v23 =	vadd.s32 v32, v19;
	v38 =	vadd.s32 v48, v19;
	v11 =	vadd.f32 v53, v34  }
0x3ea: {  	s31 =	simm.s32 $0xE;
	v58 =	vmov s30;
	v21 =	vadd.s32 v49, v39;
	v16 =	vadd.f32 v16, v34;
	[tilespmem:v20+s26+$0x0] =	vst.idx.msk $0xffff, v15;
	v20 =	vld [tilespmem:s6+$0xD0]  }
0x3eb: {  	v6 =	vld [tilespmem:s6+$0x50];
	v8 =	vadd.s32 v31, v40;
	v3 =	vadd.f32 v45, v36;
	[tilespmem:v41+s26+$0x0] =	vst.idx.msk $0xffff, v11;
	v15 =	vmov s31  }
0x3ec: {  	v46 =	vadd.f32 v42, v36;
	v41 =	vshrl.u32 v58, $0x3;
	[tilespmem:v24+s26+$0x0] =	vst.idx.msk $0xffff, v16;
	v16 =	vld [tilespmem:s6+$0x20];
	v15 =	vshrl.u32 v15, $0x3  }
0x3ed: {  	v18 =	vld [tilespmem:s6+$0xFFFFFF10];
	v48 =	vadd.f32 v7, v36;
	v7 =	vshll.u32 v15, v1;
	v15 =	vshll.u32 v41, v1  }
0x3ee: {  	v53 =	vld [tilespmem:s5+$0xFFFFFFC0];
	v49 =	vadd.f32 v43, v36;
	[tilespmem:v23+s26+$0x0] =	vst.idx.msk $0xffff, v46;
	v24 =	vadd.f32 v47, v36;
	v43 =	vbroadcast v15, $0x0  }
0x3ef: {  	v63 =	vadd.s32 v57, v54;
	[tilespmem:v21+s26+$0x0] =	vst.idx.msk $0xffff, v3;
	v3 =	vadd.f32 v20, v35  }
0x3f0: {  	v6 =	vadd.f32 v6, v35;
	[tilespmem:v8+s26+$0x0] =	vst.idx.msk $0xffff, v24;
	v8 =	vadd.s32 v61, v43  }
0x3f1: {  	[tilespmem:v10+s26+$0x0] =	vst.idx.msk $0xffff, v3;
	v3 =	vadd.f32 v16, v34  }
0x3f2: {  	[tilespmem:v12+s26+$0x0] =	vst.idx.msk $0xffff, v6;
	v10 =	vadd.f32 v18, v35  }
0x3f3: {  	v12 =	vadd.f32 v53, v36;
	v18 =	vld [tilespmem:$0x1FE20];
	[tilespmem:v17+s26+$0x0] =	vst.idx.msk $0xffff, v3  }
0x3f4: {  	[tilespmem:v63+s26+$0x0] =	vst.idx.msk $0xffff, v10  }
0x3f5: {  	s29 =	simm.s32 $0xD;
	[tilespmem:v8+s26+$0x0] =	vst.idx.msk $0xffff, v12  }
0x3f6: {  	v9 =	vmov s29;
	v46 =	vadd.s32 v0, v43;
	v0 =	vld [tilespmem:$0x1FE30]  }
0x3f7: {  	v9 =	vshrl.u32 v9, $0x3  }
0x3f8: {  	v9 =	vshll.u32 v9, v1  }
0x3f9: {  	v42 =	vbroadcast v9, $0x0  }
0x3fa: {  	v6 =	vld [tilespmem:s6+$0xE0]  }
0x3fb: {  	v47 =	vadd.s32 v60, v42;
	v60 =	vadd.s32 v0, v55;
	v0 =	vld [tilespmem:$0x1FCA0]  }
0x3fc: {  	v41 =	vbroadcast v7, $0x0;
	v7 =	vld [tilespmem:s6+$0xFFFFFF70]  }
0x3fd: {  	v5 =	vadd.s32 v5, v22;
	_ =	sdelay $0x2  }
0x3fe: {  	v6 =	vadd.f32 v6, v34  }
0x3ff: {  	v7 =	vadd.f32 v7, v33  }
0x400: {  	[tilespmem:v5+s26+$0x0] =	vst.idx.msk $0xffff, v6  }
0x401: {  	[tilespmem:v0+s26+$0x0] =	vst.idx.msk $0xffff, v7  }
0x402: {  	v14 =	vshll.u32 v14, v1;
	v0 =	vld [tilespmem:$0x1FCB0]  }
0x403: {  	v45 =	vbroadcast v14, $0x0;
	v14 =	vld [tilespmem:s6+$0xFFFFFFE0];
	_ =	sdelay $0x4  }
0x404: {  	v12 =	vadd.f32 v14, v34;
	_ =	sdelay $0x1  }
0x405: {  	v9 =	vld [tilespmem:s6+$0xA0];
	[tilespmem:v0+s26+$0x0] =	vst.idx.msk $0xffff, v12  }
0x406: {  	v0 =	vld [tilespmem:$0x1FE00];
	_ =	sdelay $0x4  }
0x407: {  	v14 =	vadd.f32 v9, v34;
	v9 =	vadd.s32 v0, v28;
	v0 =	vld [tilespmem:$0x1FCC0];
	_ =	sdelay $0x2  }
0x408: {  	v11 =	vld [tilespmem:s5+$0x40];
	_ =	sdelay $0x3  }
0x409: {  	v24 =	vadd.s32 v59, v19  }
0x40a: {  	v59 =	vadd.s32 v62, v41;
	v62 =	vadd.f32 v11, v36;
	v11 =	vld [tilespmem:s6+$0x30];
	[tilespmem:v0+s26+$0x0] =	vst.idx.msk $0xffff, v14  }
0x40b: {  	v0 =	vld [tilespmem:$0x1FE60];
	_ =	sdelay $0x4  }
0x40c: {  	v12 =	vadd.f32 v11, v33;
	v11 =	vadd.s32 v0, v22;
	v0 =	vld [tilespmem:$0x1FCD0]  }
0x40d: {  	v10 =	vld [tilespmem:s6+$0x60];
	_ =	sdelay $0x1  }
0x40e: {  	v17 =	vld [tilespmem:s5+$0xFFFFFF50];
	_ =	sdelay $0x2  }
0x40f: {  	v10 =	vadd.f32 v10, v34  }
0x410: {  	v15 =	vld [tilespmem:s5+$0x10]  }
0x411: {  	v16 =	vadd.s32 v18, v44;
	v18 =	vadd.f32 v17, v35;
	v17 =	vld [tilespmem:s6+$0xFFFFFF20];
	[tilespmem:v0+s26+$0x0] =	vst.idx.msk $0xffff, v10  }
0x412: {  	v0 =	vld [tilespmem:$0x1FE40]  }
0x413: {  	v20 =	vadd.s32 v26, v40;
	v7 =	vld [tilespmem:s5+$0xFFFFFF90]  }
0x414: {  	v3 =	vadd.s32 v2, v39;
	v2 =	vld [tilespmem:s6+$0xF0]  }
0x415: {  	v13 =	vshll.u32 v13, v1  }
0x416: {  	v44 =	vbroadcast v13, $0x0;
	v13 =	vadd.f32 v15, v35  }
0x417: {  	v10 =	vadd.s32 v0, v52;
	v0 =	vld [tilespmem:$0x1FE90];
	[tilespmem:v16+s26+$0x0] =	vst.idx.msk $0xffff, v12  }
0x418: {  	v14 =	vadd.f32 v7, v35;
	[tilespmem:v20+s26+$0x0] =	vst.idx.msk $0xffff, v13  }
0x419: {  	v7 =	vadd.f32 v17, v34;
	v17 =	vadd.f32 v2, v33;
	v2 =	vld [tilespmem:$0x1FFA0];
	_ =	sdelay $0x2  }
0x41a: {  	v53 =	vadd.s32 v27, v45  }
0x41b: {  	v32 =	vld [tilespmem:s6+$0xFFFFFFB0];
	v27 =	vmovc v29;
	v63 =	vadd.s32 v50, v43;
	v16 =	vadd.s32 v29, v42;
	v29 =	vmov v30  }
0x41c: {  	v5 =	vadd.s32 v0, v54;
	v0 =	vadd.s32 v30, v19;
	v30 =	vmovc v2;
	v50 =	vadd.s32 v2, v42;
	v2 =	vld [tilespmem:$0x1FE50];
	_ =	sdelay $0x4  }
0x41d: {  	v61 =	vadd.f32 v32, v33;
	v32 =	vmov v2;
	v52 =	vadd.s32 v2, v45;
	v2 =	vld [tilespmem:$0x1FCE0];
	_ =	sdelay $0x3  }
0x41e: {  	v4 =	vld [tilespmem:s5+$0x80];
	_ =	sdelay $0x2  }
0x41f: {  	[tilespmem:v24+s26+$0x0] =	vst.idx.msk $0xffff, v18  }
0x420: {  	v6 =	vld [tilespmem:s5+$0xFFFFFFD0];
	[tilespmem:v2+s26+$0x0] =	vst.idx.msk $0xffff, v7  }
0x421: {  	v8 =	vadd.f32 v4, v36;
	v4 =	vld [tilespmem:$0x1FF70]  }
0x422: {  	v7 =	vld [tilespmem:$0x1FFD0]  }
0x423: {  	v15 =	vld [tilespmem:s6+$0xFFFFFFF0]  }
0x424: {  	v12 =	vld [tilespmem:s6+$0xB0]  }
0x425: {  	v58 =	vadd.s32 v56, v41;
	v2 =	vld [tilespmem:s6+$0x70]  }
0x426: {  	v31 =	vmovc v57;
	v56 =	vadd.s32 v51, v45;
	v55 =	vadd.s32 v25, v44;
	v6 =	vadd.f32 v6, v35;
	v13 =	vld [tilespmem:s6+$0xFFFFFF30]  }
0x427: {  	s28 =	simm.s32 $0xFB00;
	s8 =	simm.s32 $0x10;
	v54 =	vadd.s32 v57, v44;
	v26 =	vld [tilespmem:$0x1FF10];
	v4 =	vadd.s32 v4, v39;
	v28 =	vmovc v7;
	v51 =	vadd.s32 v7, v41  }
.LBB2_17:
0x428: {  	_ = 	snop  }
0x429: {  	s11 =	smov.u32 s8;
	[tilespmem:v59+s26+$0x0] =	vst.idx.msk $0xffff, v8  }
0x42a: {  	v7 =	vld [tilespmem:$0x1FE80];
	[tilespmem:v3+s26+$0x0] =	vst.idx.msk $0xffff, v14;
	s31 =	sadd.s32 $0x2, s11  }
0x42b: {  	[tilespmem:v11+s26+$0x0] =	vst.idx.msk $0xffff, v17;
	v8 =	vld [tilespmem:s28+$0x80];
	v17 =	vmov s31;
	v3 =	vadd.f32 v15, v33  }
0x42c: {  	v22 =	vadd.s32 v26, v37;
	[tilespmem:v16+s26+$0x0] =	vst.idx.msk $0xffff, v62;
	v21 =	vld [tilespmem:s5+$0xFFFFFFA0];
	v16 =	vshrl.u32 v17, $0x3;
	v13 =	vadd.f32 v13, v33  }
0x42d: {  	v19 =	vmov s11;
	v12 =	vadd.f32 v12, v33;
	[tilespmem:v9+s26+$0x0] =	vst.idx.msk $0xffff, v3;
	v9 =	vshll.u32 v16, v1;
	v16 =	vld [tilespmem:s5+$0x90]  }
0x42e: {  	[tilespmem:v5+s26+$0x0] =	vst.idx.msk $0xffff, v13;
	v13 =	vshrl.u32 v19, $0x3;
	v19 =	vld [tilespmem:$0x1FEF0]  }
0x42f: {  	[tilespmem:v10+s26+$0x0] =	vst.idx.msk $0xffff, v12;
	v12 =	vld [tilespmem:s5+$0xFFFFFF60]  }
0x430: {  	s29 =	sadd.s32 $0x4, s11;
	v3 =	vadd.f32 v2, v33  }
0x431: {  	v37 =	vmov v39;
	v14 =	vmov s29;
	v23 =	vld [tilespmem:s28+$0xFFFFFF80];
	[tilespmem:v22+s26+$0x0] =	vst.idx.msk $0xffff, v61;
	v39 =	vbroadcast v9, $0x0  }
0x432: {  	v17 =	vld [tilespmem:s5+$0x50];
	v10 =	vshrl.u32 v14, $0x3;
	[tilespmem:v60+s26+$0x0] =	vst.idx.msk $0xffff, v3  }
0x433: {  	v18 =	vld [tilespmem:s28+$0xFFFFFF40];
	v3 =	vshll.u32 v10, v1;
	v10 =	vadd.f32 v21, v34;
	v19 =	vadd.s32 v19, v39  }
0x434: {  	v57 =	vadd.s32 v7, v44;
	v7 =	vld [tilespmem:$0x1FE10];
	[tilespmem:v63+s26+$0x0] =	vst.idx.msk $0xffff, v6;
	v12 =	vadd.f32 v12, v34  }
0x435: {  	v6 =	vld [tilespmem:$0x1FF50];
	[tilespmem:v4+s26+$0x0] =	vst.idx.msk $0xffff, v10  }
0x436: {  	s1 =	sadd.s32 $0x7, s8;
	v21 =	vld [tilespmem:s28+$0x0];
	[tilespmem:v0+s26+$0x0] =	vst.idx.msk $0xffff, v12;
	v12 =	vadd.f32 v23, v36  }
0x437: {  	s6 =	sadd.s32 $0x6, s11;
	v20 =	vmov s1;
	v0 =	vld [tilespmem:s5+$0xFFFFFFB0]  }
0x438: {  	s1 =	sadd.s32 $0x1, s11;
	v3 =	vbroadcast v3, $0x0;
	v4 =	vadd.f32 v18, v36;
	v18 =	vmov s6;
	[tilespmem:v19+s26+$0x0] =	vst.idx.msk $0xffff, v12;
	v19 =	vld [tilespmem:$0x1FFB0]  }
0x439: {  	v11 =	vmov s1;
	v18 =	vshrl.u32 v18, $0x3  }
0x43a: {  	v24 =	vld [tilespmem:s5+$0x20];
	v11 =	vshrl.u32 v11, $0x3;
	v6 =	vadd.s32 v6, v3;
	v18 =	vshll.u32 v18, v1  }
0x43b: {  	v25 =	vld [tilespmem:s28+$0xC0];
	v2 =	vshll.u32 v11, v1;
	v11 =	vshrl.u32 v20, $0x3;
	v18 =	vbroadcast v18, $0x0  }
0x43c: {  	v14 =	vld [tilespmem:$0x1FEA0];
	v11 =	vshll.u32 v11, v1;
	v7 =	vadd.s32 v7, v40  }
0x43d: {  	v21 =	vadd.f32 v21, v36;
	v59 =	vadd.s32 v19, v18;
	v19 =	vbroadcast v11, $0x0;
	v11 =	vld [tilespmem:$0x1FF60]  }
0x43e: {  	v5 =	vld [tilespmem:s28+$0xFFFFFF00];
	[tilespmem:v55+s26+$0x0] =	vst.idx.msk $0xffff, v48  }
0x43f: {  	v24 =	vadd.f32 v24, v34;
	v2 =	vbroadcast v2, $0x0;
	v55 =	vld [tilespmem:s5+$0xFFFFFF10];
	[tilespmem:v6+s26+$0x0] =	vst.idx.msk $0xffff, v21  }
0x440: {  	s30 =	sadd.s32 $0x5, s11;
	[tilespmem:v53+s26+$0x0] =	vst.idx.msk $0xffff, v49;
	v12 =	vld [tilespmem:s28+$0x10]  }
0x441: {  	v15 =	vmov s30;
	v14 =	vadd.s32 v14, v2;
	[tilespmem:v7+s26+$0x0] =	vst.idx.msk $0xffff, v24;
	v24 =	vld [tilespmem:$0x1FE30]  }
0x442: {  	v49 =	vadd.f32 v25, v36;
	v16 =	vadd.f32 v16, v35;
	v25 =	vadd.s32 v11, v3;
	v11 =	vld [tilespmem:$0x1FF90]  }
0x443: {  	v15 =	vshrl.u32 v15, $0x3;
	v9 =	vld [tilespmem:s28+$0x40]  }
0x444: {  	v15 =	vshll.u32 v15, v1;
	[tilespmem:v58+s26+$0x0] =	vst.idx.msk $0xffff, v16;
	v16 =	vld [tilespmem:s5+$0xD0]  }
0x445: {  	v23 =	vld [tilespmem:s5+$0xFFFFFF70];
	v6 =	vbroadcast v15, $0x0  }
0x446: {  	v17 =	vadd.f32 v17, v35;
	[tilespmem:v14+s26+$0x0] =	vst.idx.msk $0xffff, v4;
	v14 =	vld [tilespmem:$0x1FE20]  }
0x447: {  	v60 =	vadd.s32 v24, v42;
	v42 =	vmov v6;
	v11 =	vadd.s32 v11, v6;
	v6 =	vld [tilespmem:$0x1FED0]  }
0x448: {  	s11 =	sadd.s32 $0x3, s11;
	[tilespmem:v47+s26+$0x0] =	vst.idx.msk $0xffff, v17;
	v15 =	vld [tilespmem:s5+$0xA0]  }
0x449: {  	v22 =	vmov s11;
	v13 =	vshll.u32 v13, v1;
	v7 =	vld [tilespmem:s5+$0x60]  }
0x44a: {  	v22 =	vshrl.u32 v22, $0x3;
	v13 =	vbroadcast v13, $0x0;
	v5 =	vadd.f32 v5, v36  }
0x44b: {  	v22 =	vshll.u32 v22, v1;
	v62 =	vadd.f32 v9, v36;
	v16 =	vadd.f32 v16, v35  }
0x44c: {  	v10 =	vld [tilespmem:s28+$0xFFFFFFC0];
	v48 =	vmovc v5;
	v9 =	vadd.f32 v55, v35;
	v55 =	vadd.s32 v6, v13;
	v6 =	vadd.f32 v23, v33  }
0x44d: {  	v5 =	vbroadcast v22, $0x0;
	v61 =	vadd.f32 v0, v33;
	[tilespmem:v56+s26+$0x0] =	vst.idx.msk $0xffff, v16;
	v22 =	vadd.s32 v14, v40;
	v14 =	vld [tilespmem:s28+$0xFFFFFF50]  }
0x44e: {  	v0 =	vadd.f32 v15, v34;
	[tilespmem:v38+s26+$0x0] =	vst.idx.msk $0xffff, v6;
	v6 =	vadd.f32 v7, v34;
	v7 =	vld [tilespmem:$0x1FFC0]  }
0x44f: {  	v17 =	vld [tilespmem:s5+$0xE0]  }
0x450: {  	[tilespmem:v51+s26+$0x0] =	vst.idx.msk $0xffff, v0;
	v0 =	vld [tilespmem:$0x1FE60]  }
0x451: {  	v40 =	vmov v3;
	v3 =	vld [tilespmem:$0x1FF20]  }
0x452: {  	v47 =	vmov v11;
	v11 =	vld [tilespmem:s5+$0x30]  }
0x453: {  	v58 =	vadd.s32 v7, v18;
	v7 =	vld [tilespmem:$0x1FE00]  }
0x454: {  	v20 =	vld [tilespmem:$0x1FEE0]  }
0x455: {  	v4 =	vadd.f32 v10, v36;
	v10 =	vld [tilespmem:s5+$0xFFFFFFE0]  }
0x456: {  	v21 =	vld [tilespmem:$0x1FEB0];
	v16 =	vadd.s32 v3, v5  }
0x457: {  	[tilespmem:v54+s26+$0x0] =	vst.idx.msk $0xffff, v9;
	v15 =	vadd.f32 v17, v34;
	v3 =	vld [tilespmem:$0x1FF40]  }
0x458: {  	v9 =	vadd.s32 v7, v43;
	v7 =	vadd.f32 v11, v33;
	v11 =	vadd.s32 v0, v45;
	v0 =	vld [tilespmem:$0x1FFF0]  }
0x459: {  	v63 =	vld [tilespmem:$0x1FFE0]  }
0x45a: {  	v24 =	vadd.f32 v12, v35;
	v12 =	vld [tilespmem:s28+$0xFFFFFF90];
	[tilespmem:v52+s26+$0x0] =	vst.idx.msk $0xffff, v15  }
0x45b: {  	v10 =	vadd.f32 v10, v34;
	v17 =	vld [tilespmem:s5+$0xF0];
	[tilespmem:v16+s26+$0x0] =	vst.idx.msk $0xffff, v4  }
0x45c: {  	v56 =	vadd.s32 v3, v5;
	v16 =	vld [tilespmem:s28+$0xFFFFFFD0];
	v45 =	vmov v19  }
0x45d: {  	v21 =	vadd.s32 v21, v2;
	[tilespmem:v46+s26+$0x0] =	vst.idx.msk $0xffff, v10;
	v46 =	vmov v56;
	v56 =	vadd.s32 v0, v45;
	v0 =	vld [tilespmem:$0x1FE40]  }
0x45e: {  	v4 =	vld [tilespmem:s5+$0xFFFFFF20]  }
0x45f: {  	v20 =	vadd.s32 v20, v2;
	v3 =	vld [tilespmem:$0x1FF00]  }
0x460: {  	v23 =	vadd.f32 v14, v35;
	v38 =	vmov v20;
	v20 =	vld [tilespmem:$0x1FF70]  }
0x461: {  	v8 =	vadd.f32 v8, v36;
	v53 =	vadd.s32 v63, v19;
	v43 =	vmov v5;
	v5 =	vld [tilespmem:$0x1FF30]  }
0x462: {  	v17 =	vadd.f32 v17, v33;
	[tilespmem:v21+s26+$0x0] =	vst.idx.msk $0xffff, v23;
	v10 =	vadd.s32 v0, v41;
	v0 =	vld [tilespmem:$0x1FE90]  }
0x463: {  	p1 =	slt.u32 s8, $0x78;
	v14 =	vadd.f32 v12, v35;
	[tilespmem:v50+s26+$0x0] =	vst.idx.msk $0xffff, v6;
	v4 =	vadd.f32 v4, v34  }
.Ltmp7:
0x464: {  	v50 =	vadd.s32 v30, v42;
	v3 =	vadd.s32 v3, v39;
	v6 =	vadd.f32 v16, v35;
	(pc) =	sbr.rel @p1 .LBB2_17-.Ltmp7, $4  }
0x465: {  	v12 =	vld [tilespmem:s5+$0xB0];
	v16 =	vadd.s32 v27, v42;
	[tilespmem:v57+s26+$0x0] =	vst.idx.msk $0xffff, v4;
	v4 =	vadd.s32 v20, v39  }
0x466: {  	v15 =	vld [tilespmem:s5+$0xFFFFFFF0];
	v52 =	vadd.s32 v32, v45;
	[tilespmem:v22+s26+$0x0] =	vst.idx.msk $0xffff, v7;
	v63 =	vadd.s32 v5, v43  }
0x467: {  	v41 =	vmovc v18;
	v5 =	vadd.s32 v0, v44;
	v44 =	vmov v13;
	v0 =	vadd.s32 v29, v2;
	v2 =	vld [tilespmem:s5+$0x70]  }
0x468: {  	s8 =	sadd.s32 $0x8, s8;
	[tilespmem:v25+s26+$0x0] =	vst.idx.msk $0xffff, v24;
	v51 =	vadd.s32 v28, v41;
	v13 =	vld [tilespmem:s5+$0xFFFFFF30];
	s5 =	smov.u32 s28;
	s28 =	sadd.s32 $0x200, s28;
	v54 =	vadd.s32 v31, v44  }
0x469: {  	_ =	sdelay $0x3  }
0x46a: {  	[tilespmem:v59+s26+$0x0] =	vst.idx.msk $0xffff, v8  }
0x46b: {  	[tilespmem:v3+s26+$0x0] =	vst.idx.msk $0xffff, v14  }
0x46c: {  	[tilespmem:v53+s26+$0x0] =	vst.idx.msk $0xffff, v49  }
0x46d: {  	[tilespmem:v11+s26+$0x0] =	vst.idx.msk $0xffff, v17  }
0x46e: {  	[tilespmem:v16+s26+$0x0] =	vst.idx.msk $0xffff, v62;
	v7 =	vld [tilespmem:s5+$0xD0]  }
0x46f: {  	v24 =	vadd.s32 v26, v37;
	[tilespmem:v55+s26+$0x0] =	vst.idx.msk $0xffff, v48;
	v25 =	vadd.f32 v12, v33  }
0x470: {  	[tilespmem:v63+s26+$0x0] =	vst.idx.msk $0xffff, v6;
	v3 =	vadd.f32 v15, v33  }
0x471: {  	v2 =	vadd.f32 v2, v33;
	[tilespmem:v10+s26+$0x0] =	vst.idx.msk $0xffff, v25  }
0x472: {  	[tilespmem:v9+s26+$0x0] =	vst.idx.msk $0xffff, v3  }
0x473: {  	[tilespmem:v60+s26+$0x0] =	vst.idx.msk $0xffff, v2;
	v7 =	vadd.f32 v7, v35  }
0x474: {  	v3 =	vld [tilespmem:s5+$0x90];
	[tilespmem:v24+s26+$0x0] =	vst.idx.msk $0xffff, v61  }
0x475: {  	v27 =	vld [tilespmem:s5+$0x50];
	[tilespmem:v56+s26+$0x0] =	vst.idx.msk $0xffff, v7  }
0x476: {  	v31 =	vld [tilespmem:$0x1FE10]  }
0x477: {  	v28 =	vld [tilespmem:s5+$0xFFFFFF60]  }
0x478: {  	v2 =	vld [tilespmem:s5+$0xFFFFFF10]  }
0x479: {  	v29 =	vld [tilespmem:s5+$0x20];
	v3 =	vadd.f32 v3, v35  }
0x47a: {  	v30 =	vadd.f32 v27, v35;
	v7 =	vld [tilespmem:s5+$0xE0]  }
0x47b: {  	v32 =	vadd.f32 v13, v33;
	[tilespmem:v58+s26+$0x0] =	vst.idx.msk $0xffff, v3;
	v3 =	vld [tilespmem:s5+$0xFFFFFFE0];
	v9 =	vadd.s32 v31, v40  }
0x47c: {  	v37 =	vadd.f32 v28, v34;
	[tilespmem:v47+s26+$0x0] =	vst.idx.msk $0xffff, v30  }
0x47d: {  	[tilespmem:v5+s26+$0x0] =	vst.idx.msk $0xffff, v32;
	v2 =	vadd.f32 v2, v35  }
0x47e: {  	v8 =	vadd.f32 v29, v34;
	[tilespmem:v0+s26+$0x0] =	vst.idx.msk $0xffff, v37  }
0x47f: {  	v6 =	vld [tilespmem:s5+$0x60];
	[tilespmem:v54+s26+$0x0] =	vst.idx.msk $0xffff, v2;
	v2 =	vadd.f32 v7, v34  }
0x480: {  	v36 =	vld [tilespmem:s5+$0xA0];
	v3 =	vadd.f32 v3, v34;
	[tilespmem:v9+s26+$0x0] =	vst.idx.msk $0xffff, v8  }
0x481: {  	v14 =	vld [tilespmem:$0x1FE80];
	[tilespmem:v52+s26+$0x0] =	vst.idx.msk $0xffff, v2  }
0x482: {  	v47 =	vld [tilespmem:s5+$0xFFFFFFA0];
	[tilespmem:v46+s26+$0x0] =	vst.idx.msk $0xffff, v3  }
0x483: {  	v53 =	vld [tilespmem:$0x1FE20]  }
0x484: {  	v0 =	vld [tilespmem:s5+$0xFFFFFF20]  }
0x485: {  	v5 =	vld [tilespmem:s5+$0xFFFFFF70];
	v49 =	vadd.f32 v36, v34  }
0x486: {  	v8 =	vld [tilespmem:s5+$0x30];
	v2 =	vadd.f32 v6, v34;
	v48 =	vadd.s32 v14, v44  }
0x487: {  	v52 =	vadd.f32 v47, v34;
	v3 =	vld [tilespmem:s5+$0xF0];
	[tilespmem:v51+s26+$0x0] =	vst.idx.msk $0xffff, v49  }
0x488: {  	v9 =	vld [tilespmem:$0x1FE60];
	[tilespmem:v50+s26+$0x0] =	vst.idx.msk $0xffff, v2;
	v10 =	vadd.s32 v53, v40  }
0x489: {  	v0 =	vadd.f32 v0, v34;
	v54 =	vld [tilespmem:s5+$0xFFFFFFF0];
	[tilespmem:v4+s26+$0x0] =	vst.idx.msk $0xffff, v52  }
0x48a: {  	v55 =	vadd.f32 v5, v33;
	v56 =	vld [tilespmem:$0x1FE00]  }
0x48b: {  	v59 =	vld [tilespmem:$0x1FE40];
	v8 =	vadd.f32 v8, v33;
	[tilespmem:v48+s26+$0x0] =	vst.idx.msk $0xffff, v0  }
0x48c: {  	v0 =	vld [tilespmem:$0x1FE30];
	[tilespmem:v38+s26+$0x0] =	vst.idx.msk $0xffff, v55  }
0x48d: {  	v58 =	vld [tilespmem:s5+$0xFFFFFFB0];
	[tilespmem:v10+s26+$0x0] =	vst.idx.msk $0xffff, v8  }
0x48e: {  	v9 =	vadd.s32 v9, v45;
	v10 =	vld [tilespmem:$0x1FE90]  }
0x48f: {  	v62 =	vadd.s32 v26, v39;
	v2 =	vld [tilespmem:s5+$0xB0]  }
0x490: {  	v57 =	vld [tilespmem:s5+$0x70];
	v5 =	vadd.s32 v56, v43  }
0x491: {  	s1 =	sadd.s32 $0x7, s12;
	v3 =	vadd.f32 v3, v33;
	v13 =	vadd.s32 v59, v41;
	v60 =	vld [tilespmem:s5+$0xFFFFFF30]  }
0x492: {  	s12 =	smulhi.u32 $0x51EB851F, s1;
	v63 =	vadd.f32 v58, v33;
	v0 =	vadd.s32 v0, v42  }
0x493: {  	v61 =	vadd.f32 v54, v33;
	[tilespmem:v9+s26+$0x0] =	vst.idx.msk $0xffff, v3;
	v10 =	vadd.s32 v10, v44  }
0x494: {  	v2 =	vadd.f32 v2, v33;
	s5 =	sshrl.u32 s12, $0x6;
	[tilespmem:v62+s26+$0x0] =	vst.idx.msk $0xffff, v63  }
0x495: {  	v3 =	vadd.f32 v57, v33;
	s5 =	smul.u32 $0xC8, s5;
	[tilespmem:v5+s26+$0x0] =	vst.idx.msk $0xffff, v61  }
0x496: {  	[tilespmem:v13+s26+$0x0] =	vst.idx.msk $0xffff, v2;
	v2 =	vadd.f32 v60, v33  }
0x497: {  	s1 =	ssub.s32 s1, s5;
	[tilespmem:v0+s26+$0x0] =	vst.idx.msk $0xffff, v3  }
0x498: {  	s1 =	sshll.u32 s1, $0x7;
	[tilespmem:v10+s26+$0x0] =	vst.idx.msk $0xffff, v2  }
0x499: {  	[tilespmem:s18], [sflag:$0x4] =	stream.indirect.gather [hbm4b:s4+s9], $0x40, s1, s9, $0xb8;
	[tilespmem:$0x19E00] =	vst v63  }
0x49a: {  	s17 =	sshll.u32 s17, $0x12;
	s1 =	simm.s32 @!p0 $0x8  }
0x49b: {  	s5 =	sor.u32 s7, s17;
	_ =	swait.ge @!p0 [sflag:s1], $0x2000  }
0x49c: {  	s5 =	sshrl.u32 s5, $0x3;
	[sflag:s1] =	ssyncset.done @!p0 $0x0  }
0x49d: {  	s28 =	simm.s32 $0x17C00;
	[sflag:s1] =	ssyncadd.s32 @!p0 $0xFFFFE000;
	s1 =	sadd.s32 s2, s5  }
0x49e: {  	[hbm4b:s1+s3] =	stream.linear.scatter [tilespmem:s28], [sflag:$0x8], $0x80, $0x38;
	[tilespmem:$0x19E00] =	vst v63  }
0x49f: {  	s29 =	simm.s32 $0x17C88;
	s6 =	sadd.s32 $0x10, s1  }
0x4a0: {  	[hbm4b:s6+s3] =	stream.linear.scatter [tilespmem:s29], [sflag:$0x8], $0x80, $0x38;
	[tilespmem:$0x19E00] =	vst v63  }
0x4a1: {  	s30 =	simm.s32 $0x17D10;
	s8 =	simm.s32 $0x17D98;
	s31 =	sadd.s32 $0x20, s1  }
0x4a2: {  	[hbm4b:s31+s3] =	stream.linear.scatter [tilespmem:s30], [sflag:$0x8], $0x80, $0x38;
	[tilespmem:$0x19E00] =	vst v63  }
0x4a3: {  	s12 =	simm.s32 $0x17E20;
	s5 =	simm.s32 $0x440;
	s11 =	sadd.s32 $0x30, s1  }
0x4a4: {  	[hbm4b:s11+s3] =	stream.linear.scatter [tilespmem:s8], [sflag:$0x8], $0x80, $0x38;
	[tilespmem:$0x19E00] =	vst v63  }
0x4a5: {  	s17 =	sadd.s32 $0x40, s1;
	s28 =	simm.s32 $0x17EA8;
	s29 =	sadd.s32 $0x50, s1  }
0x4a6: {  	[hbm4b:s17+s3] =	stream.linear.scatter [tilespmem:s12], [sflag:$0x8], $0x80, $0x38;
	[tilespmem:$0x19E00] =	vst v63  }
0x4a7: {  	s6 =	sadd.s32 $0x1000, s1;
	s30 =	simm.s32 $0x17F30;
	s31 =	sadd.s32 $0x60, s1  }
0x4a8: {  	[hbm4b:s29+s3] =	stream.linear.scatter [tilespmem:s28], [sflag:$0x8], $0x80, $0x38;
	[tilespmem:$0x19E00] =	vst v63  }
0x4a9: {  	s8 =	simm.s32 $0x2200;
	s12 =	simm.s32 $0x17FB8;
	s17 =	sadd.s32 $0x70, s1  }
0x4aa: {  	v40 =	vmov v14;
	[hbm4b:s31+s3] =	stream.linear.scatter [tilespmem:s30], [sflag:$0x8], $0x80, $0x38;
	[tilespmem:$0x19E00] =	vst v63  }
.LBB2_19:
0x4ab: {  	[hbm4b:s17+s3] =	stream.linear.scatter [tilespmem:s12], [sflag:$0x8], $0x80, $0x38;
	[tilespmem:$0x19E00] =	vst v63  }
0x4ac: {  	s1 =	smov.u32 s5;
	s5 =	smov.u32 s8  }
0x4ad: {  	s11 =	sadd.s32 $0x1100, s8;
	s5 =	sshra.s32 s5, $0x2;
	s12 =	sadd.s32 $0x17C00, s1  }
0x4ae: {  	[hbm4b:s6+s3] =	stream.linear.scatter [tilespmem:s12], [sflag:$0x8], $0x80, $0x38;
	[tilespmem:$0x19E00] =	vst v63  }
0x4af: {  	p0 =	sne.s32 s8, $0x7700;
	s8 =	sadd.s32 $0x17C88, s1;
	s12 =	sadd.s32 $0x10, s6  }
0x4b0: {  	[hbm4b:s12+s3] =	stream.linear.scatter [tilespmem:s8], [sflag:$0x8], $0x80, $0x38;
	[tilespmem:$0x19E00] =	vst v63  }
0x4b1: {  	s8 =	sadd.s32 $0x17D10, s1;
	s12 =	sadd.s32 $0x20, s6  }
0x4b2: {  	[hbm4b:s12+s3] =	stream.linear.scatter [tilespmem:s8], [sflag:$0x8], $0x80, $0x38;
	[tilespmem:$0x19E00] =	vst v63  }
0x4b3: {  	s8 =	sadd.s32 $0x17D98, s1;
	s12 =	sadd.s32 $0x30, s6  }
0x4b4: {  	[hbm4b:s12+s3] =	stream.linear.scatter [tilespmem:s8], [sflag:$0x8], $0x80, $0x38;
	[tilespmem:$0x19E00] =	vst v63  }
0x4b5: {  	s8 =	sadd.s32 $0x17E20, s1;
	s12 =	sadd.s32 $0x40, s6  }
0x4b6: {  	[hbm4b:s12+s3] =	stream.linear.scatter [tilespmem:s8], [sflag:$0x8], $0x80, $0x38;
	[tilespmem:$0x19E00] =	vst v63  }
.Ltmp8:
0x4b7: {  	s8 =	sadd.s32 $0x17EA8, s1;
	s12 =	sadd.s32 $0x50, s6;
	(pc) =	sbr.rel @p0 .LBB2_19-.Ltmp8, $4  }
0x4b8: {  	[hbm4b:s12+s3] =	stream.linear.scatter [tilespmem:s8], [sflag:$0x8], $0x80, $0x38;
	[tilespmem:$0x19E00] =	vst v63  }
0x4b9: {  	s17 =	sadd.s32 $0x70, s6;
	s8 =	sadd.s32 $0x17F30, s1;
	s12 =	sadd.s32 $0x60, s6  }
0x4ba: {  	[hbm4b:s12+s3] =	stream.linear.scatter [tilespmem:s8], [sflag:$0x8], $0x80, $0x38;
	[tilespmem:$0x19E00] =	vst v63  }
0x4bb: {  	s6 =	sadd.s32 $0x1000, s6;
	s12 =	sadd.s32 $0x17FB8, s1;
	s8 =	smov.u32 s11  }
0x4bc: {  	v25 =	vld [tilespmem:$0x1FED0]  }
0x4bd: {  	v30 =	vld [tilespmem:$0x1FE70]  }
0x4be: {  	v62 =	vld [tilespmem:$0x1FEA0]  }
0x4bf: {  	[hbm4b:s17+s3] =	stream.linear.scatter [tilespmem:s12], [sflag:$0x8], $0x80, $0x38;
	v50 =	vld [tilespmem:$0x1FEB0]  }
0x4c0: {  	s1 =	sadd.s32 $0x17C00, s5;
	v19 =	vld [tilespmem:$0x1FEC0]  }
0x4c1: {  	v60 =	vld [tilespmem:$0x1FEE0];
	[hbm4b:s6+s3] =	stream.linear.scatter [tilespmem:s1], [sflag:$0x8], $0x80, $0x38  }
0x4c2: {  	s17 =	sadd.s32 $0x17C88, s5;
	s8 =	sadd.s32 $0x10, s6;
	v18 =	vld [tilespmem:$0x1FEF0]  }
0x4c3: {  	v22 =	vld [tilespmem:$0x1FF00];
	[hbm4b:s8+s3] =	stream.linear.scatter [tilespmem:s17], [sflag:$0x8], $0x80, $0x38  }
0x4c4: {  	s28 =	sadd.s32 $0x17D10, s5;
	s29 =	sadd.s32 $0x20, s6;
	v32 =	vld [tilespmem:$0x1FF20]  }
0x4c5: {  	v43 =	vld [tilespmem:$0x1FF30];
	[hbm4b:s29+s3] =	stream.linear.scatter [tilespmem:s28], [sflag:$0x8], $0x80, $0x38  }
0x4c6: {  	s30 =	sadd.s32 $0x17D98, s5;
	s31 =	sadd.s32 $0x30, s6;
	v27 =	vld [tilespmem:$0x1FF40]  }
0x4c7: {  	v26 =	vld [tilespmem:$0x1FF50];
	[hbm4b:s31+s3] =	stream.linear.scatter [tilespmem:s30], [sflag:$0x8], $0x80, $0x38  }
0x4c8: {  	s11 =	sadd.s32 $0x40, s6;
	s10 =	sadd.s32 $0x1, s10;
	v28 =	vld [tilespmem:$0x1FF60];
	s8 =	sadd.s32 $0x17E20, s5  }
0x4c9: {  	v31 =	vld [tilespmem:$0x1FF80];
	[hbm4b:s11+s3] =	stream.linear.scatter [tilespmem:s8], [sflag:$0x8], $0x80, $0x38  }
0x4ca: {  	s12 =	sadd.s32 $0x17EA8, s5;
	v46 =	vld [tilespmem:$0x1FF90];
	p0 =	sne.s32 s10, $0x32;
	s17 =	sadd.s32 $0x50, s6  }
0x4cb: {  	v23 =	vld [tilespmem:$0x1FFA0];
	[hbm4b:s17+s3] =	stream.linear.scatter [tilespmem:s12], [sflag:$0x8], $0x80, $0x38  }
.Ltmp9:
0x4cc: {  	v24 =	vld [tilespmem:$0x1FFB0];
	(pc) =	sbr.rel @p0 .LBB2_4-.Ltmp9, $4  }
0x4cd: {  	v45 =	vld [tilespmem:$0x1FFC0];
	s28 =	sadd.s32 $0x17F30, s5;
	s29 =	sadd.s32 $0x60, s6  }
0x4ce: {  	v49 =	vld [tilespmem:$0x1FFD0];
	[hbm4b:s29+s3] =	stream.linear.scatter [tilespmem:s28], [sflag:$0x8], $0x80, $0x38  }
0x4cf: {  	v51 =	vld [tilespmem:$0x1FFE0];
	s30 =	sadd.s32 $0x17FB8, s5;
	s31 =	sadd.s32 $0x70, s6  }
0x4d0: {  	v57 =	vld [tilespmem:$0x1FFF0];
	[hbm4b:s31+s3] =	stream.linear.scatter [tilespmem:s30], [sflag:$0x8], $0x80, $0x38  }
0x4d1: {  	_ =	swait.ge [sflag:s19], $0x2000  }
0x4d2: {  	[sflag:s19] =	ssyncset.done $0x0  }
0x4d3: {  	s0 =	simm.s32 $0x5;
	[sflag:s19] =	ssyncadd.s32 $0xFFFFE000  }
0x4d4: {  	_ =	swait.ge [sflag:s0], $0x2000  }
0x4d5: {  	[sflag:s0] =	ssyncset.done $0x0  }
0x4d6: {  	[sflag:s0] =	ssyncadd.s32 $0xFFFFE000  }
0x4d7: {  	_ =	swait.ge [sflag:s21], $0x2000  }
0x4d8: {  	[sflag:s21] =	ssyncset.done $0x0  }
0x4d9: {  	s29 =	simm.s32 $0x6;
	[sflag:s21] =	ssyncadd.s32 $0xFFFFE000  }
0x4da: {  	_ =	swait.ge [sflag:s29], $0x2000  }
0x4db: {  	[sflag:s29] =	ssyncset.done $0x0  }
0x4dc: {  	[sflag:s29] =	ssyncadd.s32 $0xFFFFE000  }
0x4dd: {  	_ =	swait.ge [sflag:s23], $0x2000  }
0x4de: {  	[sflag:s23] =	ssyncset.done $0x0  }
0x4df: {  	s30 =	simm.s32 $0x7;
	[sflag:s23] =	ssyncadd.s32 $0xFFFFE000  }
0x4e0: {  	_ =	swait.ge [sflag:s30], $0x2000  }
0x4e1: {  	[sflag:s30] =	ssyncset.done $0x0  }
0x4e2: {  	[sflag:s30] =	ssyncadd.s32 $0xFFFFE000  }
0x4e3: {  	_ =	swait.ge [sflag:s25], $0x2000  }
0x4e4: {  	[sflag:s25] =	ssyncset.done $0x0  }
0x4e5: {  	s1 =	simm.s32 $0x8;
	[sflag:s25] =	ssyncadd.s32 $0xFFFFE000  }
0x4e6: {  	_ =	swait.ge [sflag:s1], $0x2000  }
0x4e7: {  	s5 =	rddreg [dreg:$0x6]  }
0x4e8: {  	s31 =	rddreg [dreg:$0x5];
	s5 =	sadd.s32 $0x1, s5  }
0x4e9: {  	p0 =	sne.s32 s5, s31  }
.Ltmp10:
0x4ea: {  	_ = 	snop;
	(pc) =	sbr.rel @p0 .LBB2_1-.Ltmp10, $3  }
0x4eb: {  	_ =	sdelay $0x1  }
0x4ec: {  	[sflag:s1] =	ssyncset.done $0x0  }
0x4ed: {  	[sflag:s1] =	ssyncadd.s32 $0xFFFFE000  }
0x4ee: {  	_ =	sfence.sel $0x180000  }
0x4ef: {  	[bflag:$0x0] =	sbarrier.arrive $0xFFFF  }
0x4f0: {  	_ =	strace $0x90000047  }
0x4f1: {  	s0 =	stileid.u32;
	[bflag:$0x2] =	sbarrier.arrive $0xFFFF  }
0x4f2: {  	p0 =	sne.s32 s0, $0x0;
	s0 =	rddreg [dreg:$0x2]  }
0x4f3: {  	s0 =	sadd.s32 @!p0 $0x100000, s0  }
0x4f4: {  	[sflag:s0] =	ssyncadd.tile.s32 @!p0 $0x1;
	_ =	shalt  }
.Lfunc_end2:
_tile_overlayer_lowered:
.L_overlay_start_2:
0x4f5: {  	(tag) =	ssettag $0x2  }
0x4f6: {  	s0 =	rddreg [dreg:$0x0];
	s2 =	stileid.u32  }
0x4f7: {  	s1 =	rddreg [dreg:$0x1];
	p0 =	sne.s32 s2, $0x0  }
0x4f8: {  	s3 =	rddreg [dreg:$0x2];
	[bflag:$0x3] =	sbarrier.arrive $0xFFFF;
	s2 =	simm.s32 @!p0 $0x1C09  }
0x4f9: {  	[timem:s3], [sflag:s2] =	dma.local @!p0 [hbm:s0], s1  }
0x4fa: {  	s0 =	simm.s32 @!p0 $0x9  }
0x4fb: {  	_ =	swait.ge @!p0 [sflag:s0], s1  }
0x4fc: {  	s1 =	ssub.s32 @!p0 $0x0, s1;
	[sflag:s0] =	ssyncset.done @!p0 $0x0  }
0x4fd: {  	[sflag:s0] =	ssyncadd.s32 @!p0 s1  }
0x4fe: {  	[bflag:$0x3] =	sbarrier.arrive $0xFFFF  }
0x4ff: {  	_ =	shalt  }

</sc_bundles>
